<compile_context>
chip_gen: v7x
topology: tpu7x:2x2x1
jax: 0.10.2.dev20260603
libtpu: 0.0.44.dev20260713+nightly
codegen_flags: <defaults>
</compile_context>

<pallas_src>
import functools

import jax
import jax.numpy as jnp
from jax import lax
from jax.experimental import pallas as pl
from jax.experimental.pallas import tpu as pltpu
from jax.experimental.pallas import tpu_sc as plsc

NS = 16
NC = 2
CHUNK = 128
GPAD = 16


@functools.lru_cache(maxsize=None)
def _make_agg(n, dh, e_pad):
    edges_per_tile = e_pad // NS
    chunks = edges_per_tile // CHUNK
    assert edges_per_tile % CHUNK == 0
    rows_per_tile = (n // NS) & ~7
    rows_rem = n - NS * rows_per_tile
    assert rows_rem % 8 == 0
    n_acc = n + GPAD
    mesh = plsc.VectorSubcoreMesh(core_axis_name="c", subcore_axis_name="s")

    @functools.partial(
        pl.kernel,
        mesh=mesh,
        out_type=[
            jax.ShapeDtypeStruct((n, dh), jnp.float32),
            jax.ShapeDtypeStruct((n, dh), jnp.float32),
        ],
        scratch_types=[
            pltpu.VMEM((CHUNK,), jnp.int32),
            pltpu.VMEM((CHUNK,), jnp.int32),
            pltpu.VMEM((CHUNK, dh), jnp.float32),
            pltpu.VMEM_SHARED((n_acc, dh), jnp.float32),
            pltpu.SemaphoreType.DMA,
        ],
    )
    def agg(h0, h1, rowi, coli, out0, out1, col_v, row_v, rows_v, acc, sem):
        c = lax.axis_index("c")
        s = lax.axis_index("s")

        def work(h_ref, out_ref):
            nb = s * rows_per_tile
            pltpu.sync_copy(h_ref.at[pl.ds(nb, rows_per_tile)],
                            acc.at[pl.ds(nb, rows_per_tile)])
            if rows_rem:
                @pl.when(s == 0)
                def _():
                    pltpu.sync_copy(h_ref.at[pl.ds(NS * rows_per_tile, rows_rem)],
                                    acc.at[pl.ds(NS * rows_per_tile, rows_rem)])
            plsc.subcore_barrier()

            def chunk_body(i, carry):
                base = s * edges_per_tile + i * CHUNK
                pltpu.sync_copy(coli.at[pl.ds(base, CHUNK)], col_v)
                pltpu.sync_copy(rowi.at[pl.ds(base, CHUNK)], row_v)
                for j in range(CHUNK // 16):
                    sl = pl.ds(j * 16, 16)
                    r = row_v[sl]
                    cc = col_v[sl]
                    row_v[sl] = jnp.where(r == cc, n, r)
                pltpu.async_copy(h_ref.at[col_v], rows_v, sem).wait()
                pltpu.sync_copy(rows_v, acc.at[row_v], add=True)
                return carry

            lax.fori_loop(0, chunks, chunk_body, 0)
            plsc.subcore_barrier()
            pltpu.sync_copy(acc.at[pl.ds(nb, rows_per_tile)],
                            out_ref.at[pl.ds(nb, rows_per_tile)])
            if rows_rem:
                @pl.when(s == 0)
                def _():
                    pltpu.sync_copy(acc.at[pl.ds(NS * rows_per_tile, rows_rem)],
                                    out_ref.at[pl.ds(NS * rows_per_tile, rows_rem)])

        @pl.when(c == 0)
        def _():
            work(h0, out0)

        @pl.when(c == 1)
        def _():
            work(h1, out1)

    return agg


@functools.lru_cache(maxsize=None)
def _make_agg_in(n, d, e_pad):
    edges_per_sc = e_pad // NC
    edges_per_tile = edges_per_sc // NS
    chunks = edges_per_tile // CHUNK
    assert edges_per_tile % CHUNK == 0
    rows_per_tile = (n // NS) & ~7
    rows_rem = n - NS * rows_per_tile
    assert rows_rem % 8 == 0
    n_acc = n + GPAD
    mesh = plsc.VectorSubcoreMesh(core_axis_name="c", subcore_axis_name="s")

    @functools.partial(
        pl.kernel,
        mesh=mesh,
        out_type=[
            jax.ShapeDtypeStruct((n, d), jnp.float32),
            jax.ShapeDtypeStruct((n, d), jnp.float32),
        ],
        scratch_types=[
            pltpu.VMEM((CHUNK,), jnp.int32),
            pltpu.VMEM((CHUNK,), jnp.int32),
            pltpu.VMEM((CHUNK, d), jnp.float32),
            pltpu.VMEM_SHARED((n_acc, d), jnp.float32),
            pltpu.SemaphoreType.DMA,
        ],
    )
    def agg(x, rowi, coli, zbuf, out0, out1, col_v, row_v, rows_v, acc, sem):
        c = lax.axis_index("c")
        s = lax.axis_index("s")
        nb = s * rows_per_tile

        @pl.when(c == 0)
        def _():
            pltpu.sync_copy(x.at[pl.ds(nb, rows_per_tile)],
                            acc.at[pl.ds(nb, rows_per_tile)])
            if rows_rem:
                @pl.when(s == 0)
                def _():
                    pltpu.sync_copy(x.at[pl.ds(NS * rows_per_tile, rows_rem)],
                                    acc.at[pl.ds(NS * rows_per_tile, rows_rem)])

        @pl.when(c == 1)
        def _():
            pltpu.sync_copy(zbuf, acc.at[pl.ds(nb, rows_per_tile)])
            if rows_rem:
                @pl.when(s == 0)
                def _():
                    pltpu.sync_copy(zbuf.at[pl.ds(0, rows_rem)],
                                    acc.at[pl.ds(NS * rows_per_tile, rows_rem)])

        plsc.subcore_barrier()

        def chunk_body(i, carry):
            base = c * edges_per_sc + s * edges_per_tile + i * CHUNK
            pltpu.sync_copy(coli.at[pl.ds(base, CHUNK)], col_v)
            pltpu.sync_copy(rowi.at[pl.ds(base, CHUNK)], row_v)
            for j in range(CHUNK // 16):
                sl = pl.ds(j * 16, 16)
                r = row_v[sl]
                cc = col_v[sl]
                row_v[sl] = jnp.where(r == cc, n, r)
            pltpu.async_copy(x.at[col_v], rows_v, sem).wait()
            pltpu.sync_copy(rows_v, acc.at[row_v], add=True)
            return carry

        lax.fori_loop(0, chunks, chunk_body, 0)
        plsc.subcore_barrier()

        def writeout(out_ref):
            pltpu.sync_copy(acc.at[pl.ds(nb, rows_per_tile)],
                            out_ref.at[pl.ds(nb, rows_per_tile)])
            if rows_rem:
                @pl.when(s == 0)
                def _():
                    pltpu.sync_copy(acc.at[pl.ds(NS * rows_per_tile, rows_rem)],
                                    out_ref.at[pl.ds(NS * rows_per_tile, rows_rem)])

        @pl.when(c == 0)
        def _():
            writeout(out0)

        @pl.when(c == 1)
        def _():
            writeout(out1)

    return agg


@functools.lru_cache(maxsize=None)
def _make_mlp(n, blk, din, dout, mode):
    dhi, dho = din // 2, dout // 2
    grid = (n // blk,)
    a_spec = [
        pl.BlockSpec((blk, dhi), lambda i: (i, 0)),
        pl.BlockSpec((blk, dhi), lambda i: (i, 0)),
    ]

    if mode == "in":
        def body(a0, a1, w1, w2, o0, o1):
            a = a0[...] + a1[...]
            t = jnp.maximum(jnp.dot(a, w1[...],
                                    preferred_element_type=jnp.float32), 0.0)
            z = jnp.maximum(jnp.dot(t, w2[...],
                                    preferred_element_type=jnp.float32), 0.0)
            o0[...] = z[:, :dho]
            o1[...] = z[:, dho:]

        in_specs = [
            pl.BlockSpec((blk, din), lambda i: (i, 0)),
            pl.BlockSpec((blk, din), lambda i: (i, 0)),
        ] + [
            pl.BlockSpec((din, dout), lambda i: (0, 0)),
            pl.BlockSpec((dout, dout), lambda i: (0, 0)),
        ]
        out_shape = [jax.ShapeDtypeStruct((n, dho), jnp.float32)] * 2
        out_specs = [pl.BlockSpec((blk, dho), lambda i: (i, 0))] * 2
    else:
        trailing_relu = mode == "hidden"

        def body(a0, a1, w1, b1, *outs):
            a = jnp.concatenate([a0[...], a1[...]], axis=1)
            a = jnp.maximum(a, 0.0)
            z = jnp.dot(a, w1[...], preferred_element_type=jnp.float32) + b1[...]
            if trailing_relu:
                z = jnp.maximum(z, 0.0)
            if len(outs) == 2:
                outs[0][...] = z[:, :dho]
                outs[1][...] = z[:, dho:]
            else:
                outs[0][...] = z

        in_specs = a_spec + [
            pl.BlockSpec((din, dout), lambda i: (0, 0)),
            pl.BlockSpec((1, dout), lambda i: (0, 0)),
        ]
        if mode == "hidden":
            out_shape = [jax.ShapeDtypeStruct((n, dho), jnp.float32)] * 2
            out_specs = [pl.BlockSpec((blk, dho), lambda i: (i, 0))] * 2
        else:
            out_shape = jax.ShapeDtypeStruct((n, dout), jnp.float32)
            out_specs = pl.BlockSpec((blk, dout), lambda i: (i, 0))

    return pl.pallas_call(
        body,
        grid=grid,
        in_specs=in_specs,
        out_specs=out_specs,
        out_shape=out_shape,
    )


def kernel(x, W0a, W0b, Wh0, bh0, Wh1, bh1, Wout, bout, edge_index):
    n, d_in = x.shape
    d = W0a.shape[1]
    e = edge_index.shape[1]

    stride = NC * NS * CHUNK
    e_pad = ((e + stride - 1) // stride) * stride
    row = edge_index[0]
    col = edge_index[1]
    if e_pad != e:
        pad = jnp.zeros((e_pad - e,), jnp.int32)
        row = jnp.concatenate([row, pad])
        col = jnp.concatenate([col, pad])

    hd = d // 2
    rows_per_tile = (n // NS) & ~7
    zbuf = jnp.zeros((rows_per_tile, d_in), jnp.float32)

    agg_in = _make_agg_in(n, d_in, e_pad)
    agg_hid = _make_agg(n, hd, e_pad)
    blk = 1000
    mlp_in = _make_mlp(n, blk, d_in, d, "in")
    mlp_hid = _make_mlp(n, blk, d, d, "hidden")
    mlp_out = _make_mlp(n, blk, d, d, "out")

    a0, a1 = agg_in(x, row, col, zbuf)
    h0, h1 = mlp_in(a0, a1, W0a, W0b)
    a0, a1 = agg_hid(h0, h1, row, col)
    h0, h1 = mlp_hid(a0, a1, Wh0, bh0.reshape(1, -1))
    a0, a1 = agg_hid(h0, h1, row, col)
    h0, h1 = mlp_hid(a0, a1, Wh1, bh1.reshape(1, -1))
    a0, a1 = agg_hid(h0, h1, row, col)
    return mlp_out(a0, a1, Wout, bout.reshape(1, -1))

# --- scband reference (transcript-rebuilt; emitter-appended) ---
"""Pipeline reference for scband-graph-isomorphism-encoder-39247411151308 (READ-ONLY COPY).

The authoritative reference and input builder live on the scoring server;
editing this copy changes nothing except your own understanding.
"""

import jax, jax.numpy as jnp
import numpy as np

N = 10000
E = 320000
D_IN = 128
D = 256


def setup_inputs(seed: int = 0) -> dict:
    key = jax.random.key(seed)
    ks = jax.random.split(key, 12)
    x = jax.random.normal(ks[0], (N, D_IN), dtype=jnp.float32)
    edge_index = jax.random.randint(ks[1], (2, E), 0, N, dtype=jnp.int32)
    # gin_conv_in nn: Linear(D_IN, D, bias=False) -> ReLU -> Linear(D, D, bias=False)
    W0a = jax.random.normal(ks[2], (D_IN, D), dtype=jnp.float32) * (1.0 / np.sqrt(D_IN))
    W0b = jax.random.normal(ks[3], (D, D), dtype=jnp.float32) * (1.0 / np.sqrt(D))
    # hidden MLPBlocks (use_layer_norm=False): only transform2 (with bias) is used: y = W2 @ relu(x) + b2
    Wh0 = jax.random.normal(ks[4], (D, D), dtype=jnp.float32) * 0.005
    bh0 = jnp.zeros((D,), dtype=jnp.float32)
    Wh1 = jax.random.normal(ks[5], (D, D), dtype=jnp.float32) * 0.005
    bh1 = jnp.zeros((D,), dtype=jnp.float32)
    # output MLPBlock
    Wout = jax.random.normal(ks[6], (D, D), dtype=jnp.float32) * 0.005
    bout = jnp.zeros((D,), dtype=jnp.float32)
    return {
        "x": x,
        "W0a": W0a,
        "W0b": W0b,
        "Wh0": Wh0,
        "bh0": bh0,
        "Wh1": Wh1,
        "bh1": bh1,
        "Wout": Wout,
        "bout": bout,
        "edge_index": edge_index,
    }


def reference(x, W0a, W0b, Wh0, bh0, Wh1, bh1, Wout, bout, edge_index):
    n = x.shape[0]
    row = edge_index[0]
    col = edge_index[1]
    # remove_self_loops: mask out edges where row == col
    mask = (row != col).astype(x.dtype)

    def gin_agg(h):
        # scatter_add(h[col], row) with eps=0: out = h + sum_neighbors
        msg = jnp.take(h, col, axis=0) * mask[:, None]
        agg = jax.ops.segment_sum(msg, row, num_segments=n)
        return h + agg

    # gin_conv_in: nn = Linear -> ReLU -> Linear (no bias)
    h = gin_agg(x)
    h = jnp.maximum(h @ W0a, 0.0) @ W0b
    h = jnp.maximum(h, 0.0)

    # hidden gins: MLPBlock with use_layer_norm=False -> transform2(relu(.))
    for W, b in ((Wh0, bh0), (Wh1, bh1)):
        h = gin_agg(h)
        h = jnp.maximum(h, 0.0) @ W + b
        h = jnp.maximum(h, 0.0)

    # gin_conv_out: MLPBlock, no trailing relu
    h = gin_agg(h)
    h = jnp.maximum(h, 0.0) @ Wout + bout
    return h

if __name__ == "__main__":
    import jax
    _d = setup_inputs()
    print(jax.jit(kernel)(*tuple(_d.values())))

</pallas_src>

<mosaic_0001>
#map = affine_map<(d0, d1) -> (0, 0)>
#map1 = affine_map<(d0, d1) -> (0)>
module attributes {stable_mosaic.version = 14 : i64} {
  func.func @agg(%arg0: i32, %arg1: i32, %arg2: memref<10000x128xf32, #tpu.memory_space<hbm>>, %arg3: memref<10000x128xf32, #tpu.memory_space<hbm>>, %arg4: memref<323584xi32, #tpu.memory_space<hbm>>, %arg5: memref<323584xi32, #tpu.memory_space<hbm>>, %arg6: memref<10000x128xf32, #tpu.memory_space<hbm>>, %arg7: memref<10000x128xf32, #tpu.memory_space<hbm>>, %arg8: memref<128xi32, #tpu.memory_space<vmem>>, %arg9: memref<128xi32, #tpu.memory_space<vmem>>, %arg10: memref<128x128xf32, #tpu.memory_space<vmem>>, %arg11: memref<10016x128xf32, #tpu.memory_space<vmem_shared>>, %arg12: memref<!tpu.dma_semaphore, #tpu.memory_space<semaphore_mem>>) attributes {dimension_semantics = [#tpu.dimension_semantics<core_parallel>, #tpu.dimension_semantics<subcore_parallel>], iteration_bounds = array<i64: 2, 16>, scalar_prefetch = 0 : i64, scratch_operands = 5 : i64, tpu.core_type = #tpu.core_type<sc_vector_subcore>, window_params = [{transform_indices = #map}, {transform_indices = #map}, {transform_indices = #map1}, {transform_indices = #map1}, {transform_indices = #map}, {transform_indices = #map}]} {
    %eq3A = arith.constant 0 : i32
    %eq3A_0 = arith.cmpi eq, %arg0, %eq3A : i32
    %convert_element_type3A = arith.extui %eq3A_0 : i1 to i32
    %cond3A = arith.constant 0 : i32
    %cond3A_1 = arith.cmpi ne, %convert_element_type3A, %cond3A : i32
    scf.if %cond3A_1 {
      %mul3A = arith.constant 624 : i32
      %mul3A_7 = arith.muli %arg1, %mul3A : i32
      "tpu.region"() ({
        %run_scoped3A = tpu.sem_alloc : memref<!tpu.dma_semaphore, #tpu.memory_space<semaphore_mem>>
        %dma_start3A = arith.constant 0 : i32
        %dma_start3A_24 = tpu.memref_slice %arg11[%mul3A_7, %dma_start3A] : memref<10016x128xf32, #tpu.memory_space<vmem_shared>> -> memref<624x128xf32, #tpu.memory_space<vmem_shared>>
        %dma_start3A_25 = arith.constant 0 : i32
        %dma_start3A_26 = tpu.memref_slice %arg2[%mul3A_7, %dma_start3A_25] : memref<10000x128xf32, #tpu.memory_space<hbm>> -> memref<624x128xf32, #tpu.memory_space<hbm>>
        tpu.enqueue_dma source(%dma_start3A_26 : memref<624x128xf32, #tpu.memory_space<hbm>>) target(%dma_start3A_24 : memref<624x128xf32, #tpu.memory_space<vmem_shared>>) target_semaphore(%run_scoped3A : memref<!tpu.dma_semaphore, #tpu.memory_space<semaphore_mem>>)
        %dma_wait3A = arith.constant 0 : i32
        %dma_wait3A_27 = tpu.memref_slice %arg11[%mul3A_7, %dma_wait3A] : memref<10016x128xf32, #tpu.memory_space<vmem_shared>> -> memref<624x128xf32, #tpu.memory_space<vmem_shared>>
        %dma_wait3A_28 = arith.constant 0 : i32
        %dma_wait3A_29 = tpu.memref_slice %arg2[%mul3A_7, %dma_wait3A_28] : memref<10000x128xf32, #tpu.memory_space<hbm>> -> memref<624x128xf32, #tpu.memory_space<hbm>>
        tpu.wait_dma2 semaphore(%run_scoped3A : memref<!tpu.dma_semaphore, #tpu.memory_space<semaphore_mem>>) src(%dma_wait3A_29 : memref<624x128xf32, #tpu.memory_space<hbm>>) dst(%dma_wait3A_27 : memref<624x128xf32, #tpu.memory_space<vmem_shared>>)
        tpu.yield
      }) : () -> ()
      %eq3A_8 = arith.constant 0 : i32
      %eq3A_9 = arith.cmpi eq, %arg1, %eq3A_8 : i32
      %convert_element_type3A_10 = arith.extui %eq3A_9 : i1 to i32
      %cond3A_11 = arith.constant 0 : i32
      %cond3A_12 = arith.cmpi ne, %convert_element_type3A_10, %cond3A_11 : i32
      scf.if %cond3A_12 {
        "tpu.region"() ({
          %run_scoped3A = tpu.sem_alloc : memref<!tpu.dma_semaphore, #tpu.memory_space<semaphore_mem>>
          %dma_start3A = arith.constant 9984 : i32
          %dma_start3A_24 = arith.constant 0 : i32
          %dma_start3A_25 = tpu.memref_slice %arg11[%dma_start3A, %dma_start3A_24] : memref<10016x128xf32, #tpu.memory_space<vmem_shared>> -> memref<16x128xf32, #tpu.memory_space<vmem_shared>>
          %dma_start3A_26 = arith.constant 9984 : i32
          %dma_start3A_27 = arith.constant 0 : i32
          %dma_start3A_28 = tpu.memref_slice %arg2[%dma_start3A_26, %dma_start3A_27] : memref<10000x128xf32, #tpu.memory_space<hbm>> -> memref<16x128xf32, #tpu.memory_space<hbm>>
          tpu.enqueue_dma source(%dma_start3A_28 : memref<16x128xf32, #tpu.memory_space<hbm>>) target(%dma_start3A_25 : memref<16x128xf32, #tpu.memory_space<vmem_shared>>) target_semaphore(%run_scoped3A : memref<!tpu.dma_semaphore, #tpu.memory_space<semaphore_mem>>)
          %dma_wait3A = arith.constant 9984 : i32
          %dma_wait3A_29 = arith.constant 0 : i32
          %dma_wait3A_30 = tpu.memref_slice %arg11[%dma_wait3A, %dma_wait3A_29] : memref<10016x128xf32, #tpu.memory_space<vmem_shared>> -> memref<16x128xf32, #tpu.memory_space<vmem_shared>>
          %dma_wait3A_31 = arith.constant 9984 : i32
          %dma_wait3A_32 = arith.constant 0 : i32
          %dma_wait3A_33 = tpu.memref_slice %arg2[%dma_wait3A_31, %dma_wait3A_32] : memref<10000x128xf32, #tpu.memory_space<hbm>> -> memref<16x128xf32, #tpu.memory_space<hbm>>
          tpu.wait_dma2 semaphore(%run_scoped3A : memref<!tpu.dma_semaphore, #tpu.memory_space<semaphore_mem>>) src(%dma_wait3A_33 : memref<16x128xf32, #tpu.memory_space<hbm>>) dst(%dma_wait3A_30 : memref<16x128xf32, #tpu.memory_space<vmem_shared>>)
          tpu.yield
        }) : () -> ()
      } else {
      }
      %barrier3A = arith.constant 0 : index
      tpu.barrier barrier_id(%barrier3A)
      %scan3A = arith.constant 0 : i32
      %scan3A_13 = arith.constant 0 : i32
      %scan3A_14 = arith.constant 158 : i32
      %scan3A_15 = arith.addi %scan3A_13, %scan3A_14 : i32
      %scan3A_16 = arith.constant 1 : i32
      scf.for %scan3A_24 = %scan3A_13 to %scan3A_15 step %scan3A_16  : i32 {
        %mul3A_25 = arith.constant 20224 : i32
        %mul3A_26 = arith.muli %arg1, %mul3A_25 : i32
        %mul3A_27 = arith.constant 128 : i32
        %mul3A_28 = arith.muli %scan3A_24, %mul3A_27 : i32
        %add3A = arith.addi %mul3A_26, %mul3A_28 : i32
        "tpu.region"() ({
          %run_scoped3A = tpu.sem_alloc : memref<!tpu.dma_semaphore, #tpu.memory_space<semaphore_mem>>
          %dma_start3A_140 = tpu.memref_slice %arg5[%add3A] : memref<323584xi32, #tpu.memory_space<hbm>> -> memref<128xi32, #tpu.memory_space<hbm>>
          %dma_start3A_141 = tpu.memref_slice %arg5[%add3A] : memref<323584xi32, #tpu.memory_space<hbm>> -> memref<128xi32, #tpu.memory_space<hbm>>
          tpu.enqueue_dma source(%dma_start3A_141 : memref<128xi32, #tpu.memory_space<hbm>>) target(%arg8 : memref<128xi32, #tpu.memory_space<vmem>>) target_semaphore(%run_scoped3A : memref<!tpu.dma_semaphore, #tpu.memory_space<semaphore_mem>>)
          %dma_wait3A_142 = tpu.memref_slice %arg5[%add3A] : memref<323584xi32, #tpu.memory_space<hbm>> -> memref<128xi32, #tpu.memory_space<hbm>>
          %dma_wait3A_143 = tpu.memref_slice %arg5[%add3A] : memref<323584xi32, #tpu.memory_space<hbm>> -> memref<128xi32, #tpu.memory_space<hbm>>
          tpu.wait_dma2 semaphore(%run_scoped3A : memref<!tpu.dma_semaphore, #tpu.memory_space<semaphore_mem>>) src(%dma_wait3A_143 : memref<128xi32, #tpu.memory_space<hbm>>) dst(%arg8 : memref<128xi32, #tpu.memory_space<vmem>>)
          tpu.yield
        }) : () -> ()
        "tpu.region"() ({
          %run_scoped3A = tpu.sem_alloc : memref<!tpu.dma_semaphore, #tpu.memory_space<semaphore_mem>>
          %dma_start3A_140 = tpu.memref_slice %arg4[%add3A] : memref<323584xi32, #tpu.memory_space<hbm>> -> memref<128xi32, #tpu.memory_space<hbm>>
          %dma_start3A_141 = tpu.memref_slice %arg4[%add3A] : memref<323584xi32, #tpu.memory_space<hbm>> -> memref<128xi32, #tpu.memory_space<hbm>>
          tpu.enqueue_dma source(%dma_start3A_141 : memref<128xi32, #tpu.memory_space<hbm>>) target(%arg9 : memref<128xi32, #tpu.memory_space<vmem>>) target_semaphore(%run_scoped3A : memref<!tpu.dma_semaphore, #tpu.memory_space<semaphore_mem>>)
          %dma_wait3A_142 = tpu.memref_slice %arg4[%add3A] : memref<323584xi32, #tpu.memory_space<hbm>> -> memref<128xi32, #tpu.memory_space<hbm>>
          %dma_wait3A_143 = tpu.memref_slice %arg4[%add3A] : memref<323584xi32, #tpu.memory_space<hbm>> -> memref<128xi32, #tpu.memory_space<hbm>>
          tpu.wait_dma2 semaphore(%run_scoped3A : memref<!tpu.dma_semaphore, #tpu.memory_space<semaphore_mem>>) src(%dma_wait3A_143 : memref<128xi32, #tpu.memory_space<hbm>>) dst(%arg9 : memref<128xi32, #tpu.memory_space<vmem>>)
          tpu.yield
        }) : () -> ()
        %get3A = arith.constant 0 : index
        %get3A_29 = tpu.vector_load %arg9[%get3A] {strides = array<i32>} : memref<128xi32, #tpu.memory_space<vmem>>, vector<16xi32>,
        %get3A_30 = vector.shape_cast %get3A_29 : vector<16xi32> to vector<16xi32>
        %get3A_31 = arith.constant 0 : index
        %get3A_32 = tpu.vector_load %arg8[%get3A_31] {strides = array<i32>} : memref<128xi32, #tpu.memory_space<vmem>>, vector<16xi32>,
        %get3A_33 = vector.shape_cast %get3A_32 : vector<16xi32> to vector<16xi32>
        %eq3A_34 = arith.cmpi eq, %get3A_30, %get3A_33 : vector<16xi32>
        %jit3A = arith.constant 10000 : i32
        %broadcast_in_dim3A = vector.broadcast %jit3A : i32 to vector<16xi32>
        %select_n3A = arith.select %eq3A_34, %broadcast_in_dim3A, %get3A_30 : vector<16xi1>, vector<16xi32>
        %swap3A = arith.constant 0 : index
        %swap3A_35 = tpu.vector_load %arg9[%swap3A] {strides = array<i32>} : memref<128xi32, #tpu.memory_space<vmem>>, vector<16xi32>,
        %swap3A_36 = vector.shape_cast %swap3A_35 : vector<16xi32> to vector<16xi32>
        %swap3A_37 = vector.shape_cast %select_n3A : vector<16xi32> to vector<16xi32>
        tpu.vector_store %arg9[%swap3A], %swap3A_37 {strides = array<i32>} : memref<128xi32, #tpu.memory_space<vmem>>, vector<16xi32>,
        %get3A_38 = arith.constant 16 : index
        %get3A_39 = tpu.vector_load %arg9[%get3A_38] {strides = array<i32>} : memref<128xi32, #tpu.memory_space<vmem>>, vector<16xi32>,
        %get3A_40 = vector.shape_cast %get3A_39 : vector<16xi32> to vector<16xi32>
        %get3A_41 = arith.constant 16 : index
        %get3A_42 = tpu.vector_load %arg8[%get3A_41] {strides = array<i32>} : memref<128xi32, #tpu.memory_space<vmem>>, vector<16xi32>,
        %get3A_43 = vector.shape_cast %get3A_42 : vector<16xi32> to vector<16xi32>
        %eq3A_44 = arith.cmpi eq, %get3A_40, %get3A_43 : vector<16xi32>
        %jit3A_45 = arith.constant 10000 : i32
        %broadcast_in_dim3A_46 = vector.broadcast %jit3A_45 : i32 to vector<16xi32>
        %select_n3A_47 = arith.select %eq3A_44, %broadcast_in_dim3A_46, %get3A_40 : vector<16xi1>, vector<16xi32>
        %swap3A_48 = arith.constant 16 : index
        %swap3A_49 = tpu.vector_load %arg9[%swap3A_48] {strides = array<i32>} : memref<128xi32, #tpu.memory_space<vmem>>, vector<16xi32>,
        %swap3A_50 = vector.shape_cast %swap3A_49 : vector<16xi32> to vector<16xi32>
        %swap3A_51 = vector.shape_cast %select_n3A_47 : vector<16xi32> to vector<16xi32>
        tpu.vector_store %arg9[%swap3A_48], %swap3A_51 {strides = array<i32>} : memref<128xi32, #tpu.memory_space<vmem>>, vector<16xi32>,
        %get3A_52 = arith.constant 32 : index
        %get3A_53 = tpu.vector_load %arg9[%get3A_52] {strides = array<i32>} : memref<128xi32, #tpu.memory_space<vmem>>, vector<16xi32>,
        %get3A_54 = vector.shape_cast %get3A_53 : vector<16xi32> to vector<16xi32>
        %get3A_55 = arith.constant 32 : index
        %get3A_56 = tpu.vector_load %arg8[%get3A_55] {strides = array<i32>} : memref<128xi32, #tpu.memory_space<vmem>>, vector<16xi32>,
        %get3A_57 = vector.shape_cast %get3A_56 : vector<16xi32> to vector<16xi32>
        %eq3A_58 = arith.cmpi eq, %get3A_54, %get3A_57 : vector<16xi32>
        %jit3A_59 = arith.constant 10000 : i32
        %broadcast_in_dim3A_60 = vector.broadcast %jit3A_59 : i32 to vector<16xi32>
        %select_n3A_61 = arith.select %eq3A_58, %broadcast_in_dim3A_60, %get3A_54 : vector<16xi1>, vector<16xi32>
        %swap3A_62 = arith.constant 32 : index
        %swap3A_63 = tpu.vector_load %arg9[%swap3A_62] {strides = array<i32>} : memref<128xi32, #tpu.memory_space<vmem>>, vector<16xi32>,
        %swap3A_64 = vector.shape_cast %swap3A_63 : vector<16xi32> to vector<16xi32>
        %swap3A_65 = vector.shape_cast %select_n3A_61 : vector<16xi32> to vector<16xi32>
        tpu.vector_store %arg9[%swap3A_62], %swap3A_65 {strides = array<i32>} : memref<128xi32, #tpu.memory_space<vmem>>, vector<16xi32>,
        %get3A_66 = arith.constant 48 : index
        %get3A_67 = tpu.vector_load %arg9[%get3A_66] {strides = array<i32>} : memref<128xi32, #tpu.memory_space<vmem>>, vector<16xi32>,
        %get3A_68 = vector.shape_cast %get3A_67 : vector<16xi32> to vector<16xi32>
        %get3A_69 = arith.constant 48 : index
        %get3A_70 = tpu.vector_load %arg8[%get3A_69] {strides = array<i32>} : memref<128xi32, #tpu.memory_space<vmem>>, vector<16xi32>,
        %get3A_71 = vector.shape_cast %get3A_70 : vector<16xi32> to vector<16xi32>
        %eq3A_72 = arith.cmpi eq, %get3A_68, %get3A_71 : vector<16xi32>
        %jit3A_73 = arith.constant 10000 : i32
        %broadcast_in_dim3A_74 = vector.broadcast %jit3A_73 : i32 to vector<16xi32>
        %select_n3A_75 = arith.select %eq3A_72, %broadcast_in_dim3A_74, %get3A_68 : vector<16xi1>, vector<16xi32>
        %swap3A_76 = arith.constant 48 : index
        %swap3A_77 = tpu.vector_load %arg9[%swap3A_76] {strides = array<i32>} : memref<128xi32, #tpu.memory_space<vmem>>, vector<16xi32>,
        %swap3A_78 = vector.shape_cast %swap3A_77 : vector<16xi32> to vector<16xi32>
        %swap3A_79 = vector.shape_cast %select_n3A_75 : vector<16xi32> to vector<16xi32>
        tpu.vector_store %arg9[%swap3A_76], %swap3A_79 {strides = array<i32>} : memref<128xi32, #tpu.memory_space<vmem>>, vector<16xi32>,
        %get3A_80 = arith.constant 64 : index
        %get3A_81 = tpu.vector_load %arg9[%get3A_80] {strides = array<i32>} : memref<128xi32, #tpu.memory_space<vmem>>, vector<16xi32>,
        %get3A_82 = vector.shape_cast %get3A_81 : vector<16xi32> to vector<16xi32>
        %get3A_83 = arith.constant 64 : index
        %get3A_84 = tpu.vector_load %arg8[%get3A_83] {strides = array<i32>} : memref<128xi32, #tpu.memory_space<vmem>>, vector<16xi32>,
        %get3A_85 = vector.shape_cast %get3A_84 : vector<16xi32> to vector<16xi32>
        %eq3A_86 = arith.cmpi eq, %get3A_82, %get3A_85 : vector<16xi32>
        %jit3A_87 = arith.constant 10000 : i32
        %broadcast_in_dim3A_88 = vector.broadcast %jit3A_87 : i32 to vector<16xi32>
        %select_n3A_89 = arith.select %eq3A_86, %broadcast_in_dim3A_88, %get3A_82 : vector<16xi1>, vector<16xi32>
        %swap3A_90 = arith.constant 64 : index
        %swap3A_91 = tpu.vector_load %arg9[%swap3A_90] {strides = array<i32>} : memref<128xi32, #tpu.memory_space<vmem>>, vector<16xi32>,
        %swap3A_92 = vector.shape_cast %swap3A_91 : vector<16xi32> to vector<16xi32>
        %swap3A_93 = vector.shape_cast %select_n3A_89 : vector<16xi32> to vector<16xi32>
        tpu.vector_store %arg9[%swap3A_90], %swap3A_93 {strides = array<i32>} : memref<128xi32, #tpu.memory_space<vmem>>, vector<16xi32>,
        %get3A_94 = arith.constant 80 : index
        %get3A_95 = tpu.vector_load %arg9[%get3A_94] {strides = array<i32>} : memref<128xi32, #tpu.memory_space<vmem>>, vector<16xi32>,
        %get3A_96 = vector.shape_cast %get3A_95 : vector<16xi32> to vector<16xi32>
        %get3A_97 = arith.constant 80 : index
        %get3A_98 = tpu.vector_load %arg8[%get3A_97] {strides = array<i32>} : memref<128xi32, #tpu.memory_space<vmem>>, vector<16xi32>,
        %get3A_99 = vector.shape_cast %get3A_98 : vector<16xi32> to vector<16xi32>
        %eq3A_100 = arith.cmpi eq, %get3A_96, %get3A_99 : vector<16xi32>
        %jit3A_101 = arith.constant 10000 : i32
        %broadcast_in_dim3A_102 = vector.broadcast %jit3A_101 : i32 to vector<16xi32>
        %select_n3A_103 = arith.select %eq3A_100, %broadcast_in_dim3A_102, %get3A_96 : vector<16xi1>, vector<16xi32>
        %swap3A_104 = arith.constant 80 : index
        %swap3A_105 = tpu.vector_load %arg9[%swap3A_104] {strides = array<i32>} : memref<128xi32, #tpu.memory_space<vmem>>, vector<16xi32>,
        %swap3A_106 = vector.shape_cast %swap3A_105 : vector<16xi32> to vector<16xi32>
        %swap3A_107 = vector.shape_cast %select_n3A_103 : vector<16xi32> to vector<16xi32>
        tpu.vector_store %arg9[%swap3A_104], %swap3A_107 {strides = array<i32>} : memref<128xi32, #tpu.memory_space<vmem>>, vector<16xi32>,
        %get3A_108 = arith.constant 96 : index
        %get3A_109 = tpu.vector_load %arg9[%get3A_108] {strides = array<i32>} : memref<128xi32, #tpu.memory_space<vmem>>, vector<16xi32>,
        %get3A_110 = vector.shape_cast %get3A_109 : vector<16xi32> to vector<16xi32>
        %get3A_111 = arith.constant 96 : index
        %get3A_112 = tpu.vector_load %arg8[%get3A_111] {strides = array<i32>} : memref<128xi32, #tpu.memory_space<vmem>>, vector<16xi32>,
        %get3A_113 = vector.shape_cast %get3A_112 : vector<16xi32> to vector<16xi32>
        %eq3A_114 = arith.cmpi eq, %get3A_110, %get3A_113 : vector<16xi32>
        %jit3A_115 = arith.constant 10000 : i32
        %broadcast_in_dim3A_116 = vector.broadcast %jit3A_115 : i32 to vector<16xi32>
        %select_n3A_117 = arith.select %eq3A_114, %broadcast_in_dim3A_116, %get3A_110 : vector<16xi1>, vector<16xi32>
        %swap3A_118 = arith.constant 96 : index
        %swap3A_119 = tpu.vector_load %arg9[%swap3A_118] {strides = array<i32>} : memref<128xi32, #tpu.memory_space<vmem>>, vector<16xi32>,
        %swap3A_120 = vector.shape_cast %swap3A_119 : vector<16xi32> to vector<16xi32>
        %swap3A_121 = vector.shape_cast %select_n3A_117 : vector<16xi32> to vector<16xi32>
        tpu.vector_store %arg9[%swap3A_118], %swap3A_121 {strides = array<i32>} : memref<128xi32, #tpu.memory_space<vmem>>, vector<16xi32>,
        %get3A_122 = arith.constant 112 : index
        %get3A_123 = tpu.vector_load %arg9[%get3A_122] {strides = array<i32>} : memref<128xi32, #tpu.memory_space<vmem>>, vector<16xi32>,
        %get3A_124 = vector.shape_cast %get3A_123 : vector<16xi32> to vector<16xi32>
        %get3A_125 = arith.constant 112 : index
        %get3A_126 = tpu.vector_load %arg8[%get3A_125] {strides = array<i32>} : memref<128xi32, #tpu.memory_space<vmem>>, vector<16xi32>,
        %get3A_127 = vector.shape_cast %get3A_126 : vector<16xi32> to vector<16xi32>
        %eq3A_128 = arith.cmpi eq, %get3A_124, %get3A_127 : vector<16xi32>
        %jit3A_129 = arith.constant 10000 : i32
        %broadcast_in_dim3A_130 = vector.broadcast %jit3A_129 : i32 to vector<16xi32>
        %select_n3A_131 = arith.select %eq3A_128, %broadcast_in_dim3A_130, %get3A_124 : vector<16xi1>, vector<16xi32>
        %swap3A_132 = arith.constant 112 : index
        %swap3A_133 = tpu.vector_load %arg9[%swap3A_132] {strides = array<i32>} : memref<128xi32, #tpu.memory_space<vmem>>, vector<16xi32>,
        %swap3A_134 = vector.shape_cast %swap3A_133 : vector<16xi32> to vector<16xi32>
        %swap3A_135 = vector.shape_cast %select_n3A_131 : vector<16xi32> to vector<16xi32>
        tpu.vector_store %arg9[%swap3A_132], %swap3A_135 {strides = array<i32>} : memref<128xi32, #tpu.memory_space<vmem>>, vector<16xi32>,
        %dma_start3A = arith.constant 0 : i32
        %dma_start3A_136 = arith.constant 0 : i32
        %dma_start3A_137 = tpu.memref_slice %arg2[%dma_start3A, %dma_start3A_136] : memref<10000x128xf32, #tpu.memory_space<hbm>> -> memref<10000x128xf32, #tpu.memory_space<hbm>>
        tpu.enqueue_indirect_dma source(%dma_start3A_137 : memref<10000x128xf32, #tpu.memory_space<hbm>>) target(%arg10 : memref<128x128xf32, #tpu.memory_space<vmem>>) offsets(%arg8 : memref<128xi32, #tpu.memory_space<vmem>>) semaphore(%arg12 : memref<!tpu.dma_semaphore, #tpu.memory_space<semaphore_mem>>)
        %dma_wait3A = arith.constant 0 : i32
        %dma_wait3A_138 = arith.constant 0 : i32
        %dma_wait3A_139 = tpu.memref_slice %arg2[%dma_wait3A, %dma_wait3A_138] : memref<10000x128xf32, #tpu.memory_space<hbm>> -> memref<10000x128xf32, #tpu.memory_space<hbm>>
        tpu.wait_indirect_dma semaphore(%arg12 : memref<!tpu.dma_semaphore, #tpu.memory_space<semaphore_mem>>) src(%dma_wait3A_139 : memref<10000x128xf32, #tpu.memory_space<hbm>>) dst(%arg10 : memref<128x128xf32, #tpu.memory_space<vmem>>)
        "tpu.region"() ({
          %run_scoped3A = tpu.sem_alloc : memref<!tpu.dma_semaphore, #tpu.memory_space<semaphore_mem>>
          %dma_start3A_140 = arith.constant 0 : i32
          %dma_start3A_141 = arith.constant 0 : i32
          %dma_start3A_142 = tpu.memref_slice %arg11[%dma_start3A_140, %dma_start3A_141] : memref<10016x128xf32, #tpu.memory_space<vmem_shared>> -> memref<10016x128xf32, #tpu.memory_space<vmem_shared>>
          tpu.enqueue_indirect_dma source(%arg10 : memref<128x128xf32, #tpu.memory_space<vmem>>) target(%dma_start3A_142 : memref<10016x128xf32, #tpu.memory_space<vmem_shared>>) offsets(%arg9 : memref<128xi32, #tpu.memory_space<vmem>>) semaphore(%run_scoped3A : memref<!tpu.dma_semaphore, #tpu.memory_space<semaphore_mem>>) {add = true}
          %dma_wait3A_143 = arith.constant 0 : i32
          %dma_wait3A_144 = arith.constant 0 : i32
          %dma_wait3A_145 = tpu.memref_slice %arg11[%dma_wait3A_143, %dma_wait3A_144] : memref<10016x128xf32, #tpu.memory_space<vmem_shared>> -> memref<10016x128xf32, #tpu.memory_space<vmem_shared>>
          tpu.wait_indirect_dma semaphore(%run_scoped3A : memref<!tpu.dma_semaphore, #tpu.memory_space<semaphore_mem>>) src(%arg10 : memref<128x128xf32, #tpu.memory_space<vmem>>) dst(%dma_wait3A_145 : memref<10016x128xf32, #tpu.memory_space<vmem_shared>>)
          tpu.yield
        }) : () -> ()
      }
      %scan3A_17 = arith.constant 158 : i32
      %barrier3A_18 = arith.constant 0 : index
      tpu.barrier barrier_id(%barrier3A_18)
      "tpu.region"() ({
        %run_scoped3A = tpu.sem_alloc : memref<!tpu.dma_semaphore, #tpu.memory_space<semaphore_mem>>
        %dma_start3A = arith.constant 0 : i32
        %dma_start3A_24 = tpu.memref_slice %arg6[%mul3A_7, %dma_start3A] : memref<10000x128xf32, #tpu.memory_space<hbm>> -> memref<624x128xf32, #tpu.memory_space<hbm>>
        %dma_start3A_25 = arith.constant 0 : i32
        %dma_start3A_26 = tpu.memref_slice %arg11[%mul3A_7, %dma_start3A_25] : memref<10016x128xf32, #tpu.memory_space<vmem_shared>> -> memref<624x128xf32, #tpu.memory_space<vmem_shared>>
        tpu.enqueue_dma source(%dma_start3A_26 : memref<624x128xf32, #tpu.memory_space<vmem_shared>>) target(%dma_start3A_24 : memref<624x128xf32, #tpu.memory_space<hbm>>) target_semaphore(%run_scoped3A : memref<!tpu.dma_semaphore, #tpu.memory_space<semaphore_mem>>)
        %dma_wait3A = arith.constant 0 : i32
        %dma_wait3A_27 = tpu.memref_slice %arg6[%mul3A_7, %dma_wait3A] : memref<10000x128xf32, #tpu.memory_space<hbm>> -> memref<624x128xf32, #tpu.memory_space<hbm>>
        %dma_wait3A_28 = arith.constant 0 : i32
        %dma_wait3A_29 = tpu.memref_slice %arg11[%mul3A_7, %dma_wait3A_28] : memref<10016x128xf32, #tpu.memory_space<vmem_shared>> -> memref<624x128xf32, #tpu.memory_space<vmem_shared>>
        tpu.wait_dma2 semaphore(%run_scoped3A : memref<!tpu.dma_semaphore, #tpu.memory_space<semaphore_mem>>) src(%dma_wait3A_29 : memref<624x128xf32, #tpu.memory_space<vmem_shared>>) dst(%dma_wait3A_27 : memref<624x128xf32, #tpu.memory_space<hbm>>)
        tpu.yield
      }) : () -> ()
      %eq3A_19 = arith.constant 0 : i32
      %eq3A_20 = arith.cmpi eq, %arg1, %eq3A_19 : i32
      %convert_element_type3A_21 = arith.extui %eq3A_20 : i1 to i32
      %cond3A_22 = arith.constant 0 : i32
      %cond3A_23 = arith.cmpi ne, %convert_element_type3A_21, %cond3A_22 : i32
      scf.if %cond3A_23 {
        "tpu.region"() ({
          %run_scoped3A = tpu.sem_alloc : memref<!tpu.dma_semaphore, #tpu.memory_space<semaphore_mem>>
          %dma_start3A = arith.constant 9984 : i32
          %dma_start3A_24 = arith.constant 0 : i32
          %dma_start3A_25 = tpu.memref_slice %arg6[%dma_start3A, %dma_start3A_24] : memref<10000x128xf32, #tpu.memory_space<hbm>> -> memref<16x128xf32, #tpu.memory_space<hbm>>
          %dma_start3A_26 = arith.constant 9984 : i32
          %dma_start3A_27 = arith.constant 0 : i32
          %dma_start3A_28 = tpu.memref_slice %arg11[%dma_start3A_26, %dma_start3A_27] : memref<10016x128xf32, #tpu.memory_space<vmem_shared>> -> memref<16x128xf32, #tpu.memory_space<vmem_shared>>
          tpu.enqueue_dma source(%dma_start3A_28 : memref<16x128xf32, #tpu.memory_space<vmem_shared>>) target(%dma_start3A_25 : memref<16x128xf32, #tpu.memory_space<hbm>>) target_semaphore(%run_scoped3A : memref<!tpu.dma_semaphore, #tpu.memory_space<semaphore_mem>>)
          %dma_wait3A = arith.constant 9984 : i32
          %dma_wait3A_29 = arith.constant 0 : i32
          %dma_wait3A_30 = tpu.memref_slice %arg6[%dma_wait3A, %dma_wait3A_29] : memref<10000x128xf32, #tpu.memory_space<hbm>> -> memref<16x128xf32, #tpu.memory_space<hbm>>
          %dma_wait3A_31 = arith.constant 9984 : i32
          %dma_wait3A_32 = arith.constant 0 : i32
          %dma_wait3A_33 = tpu.memref_slice %arg11[%dma_wait3A_31, %dma_wait3A_32] : memref<10016x128xf32, #tpu.memory_space<vmem_shared>> -> memref<16x128xf32, #tpu.memory_space<vmem_shared>>
          tpu.wait_dma2 semaphore(%run_scoped3A : memref<!tpu.dma_semaphore, #tpu.memory_space<semaphore_mem>>) src(%dma_wait3A_33 : memref<16x128xf32, #tpu.memory_space<vmem_shared>>) dst(%dma_wait3A_30 : memref<16x128xf32, #tpu.memory_space<hbm>>)
          tpu.yield
        }) : () -> ()
      } else {
      }
    } else {
    }
    %eq3A_2 = arith.constant 1 : i32
    %eq3A_3 = arith.cmpi eq, %arg0, %eq3A_2 : i32
    %convert_element_type3A_4 = arith.extui %eq3A_3 : i1 to i32
    %cond3A_5 = arith.constant 0 : i32
    %cond3A_6 = arith.cmpi ne, %convert_element_type3A_4, %cond3A_5 : i32
    scf.if %cond3A_6 {
      %mul3A = arith.constant 624 : i32
      %mul3A_7 = arith.muli %arg1, %mul3A : i32
      "tpu.region"() ({
        %run_scoped3A = tpu.sem_alloc : memref<!tpu.dma_semaphore, #tpu.memory_space<semaphore_mem>>
        %dma_start3A = arith.constant 0 : i32
        %dma_start3A_24 = tpu.memref_slice %arg11[%mul3A_7, %dma_start3A] : memref<10016x128xf32, #tpu.memory_space<vmem_shared>> -> memref<624x128xf32, #tpu.memory_space<vmem_shared>>
        %dma_start3A_25 = arith.constant 0 : i32
        %dma_start3A_26 = tpu.memref_slice %arg3[%mul3A_7, %dma_start3A_25] : memref<10000x128xf32, #tpu.memory_space<hbm>> -> memref<624x128xf32, #tpu.memory_space<hbm>>
        tpu.enqueue_dma source(%dma_start3A_26 : memref<624x128xf32, #tpu.memory_space<hbm>>) target(%dma_start3A_24 : memref<624x128xf32, #tpu.memory_space<vmem_shared>>) target_semaphore(%run_scoped3A : memref<!tpu.dma_semaphore, #tpu.memory_space<semaphore_mem>>)
        %dma_wait3A = arith.constant 0 : i32
        %dma_wait3A_27 = tpu.memref_slice %arg11[%mul3A_7, %dma_wait3A] : memref<10016x128xf32, #tpu.memory_space<vmem_shared>> -> memref<624x128xf32, #tpu.memory_space<vmem_shared>>
        %dma_wait3A_28 = arith.constant 0 : i32
        %dma_wait3A_29 = tpu.memref_slice %arg3[%mul3A_7, %dma_wait3A_28] : memref<10000x128xf32, #tpu.memory_space<hbm>> -> memref<624x128xf32, #tpu.memory_space<hbm>>
        tpu.wait_dma2 semaphore(%run_scoped3A : memref<!tpu.dma_semaphore, #tpu.memory_space<semaphore_mem>>) src(%dma_wait3A_29 : memref<624x128xf32, #tpu.memory_space<hbm>>) dst(%dma_wait3A_27 : memref<624x128xf32, #tpu.memory_space<vmem_shared>>)
        tpu.yield
      }) : () -> ()
      %eq3A_8 = arith.constant 0 : i32
      %eq3A_9 = arith.cmpi eq, %arg1, %eq3A_8 : i32
      %convert_element_type3A_10 = arith.extui %eq3A_9 : i1 to i32
      %cond3A_11 = arith.constant 0 : i32
      %cond3A_12 = arith.cmpi ne, %convert_element_type3A_10, %cond3A_11 : i32
      scf.if %cond3A_12 {
        "tpu.region"() ({
          %run_scoped3A = tpu.sem_alloc : memref<!tpu.dma_semaphore, #tpu.memory_space<semaphore_mem>>
          %dma_start3A = arith.constant 9984 : i32
          %dma_start3A_24 = arith.constant 0 : i32
          %dma_start3A_25 = tpu.memref_slice %arg11[%dma_start3A, %dma_start3A_24] : memref<10016x128xf32, #tpu.memory_space<vmem_shared>> -> memref<16x128xf32, #tpu.memory_space<vmem_shared>>
          %dma_start3A_26 = arith.constant 9984 : i32
          %dma_start3A_27 = arith.constant 0 : i32
          %dma_start3A_28 = tpu.memref_slice %arg3[%dma_start3A_26, %dma_start3A_27] : memref<10000x128xf32, #tpu.memory_space<hbm>> -> memref<16x128xf32, #tpu.memory_space<hbm>>
          tpu.enqueue_dma source(%dma_start3A_28 : memref<16x128xf32, #tpu.memory_space<hbm>>) target(%dma_start3A_25 : memref<16x128xf32, #tpu.memory_space<vmem_shared>>) target_semaphore(%run_scoped3A : memref<!tpu.dma_semaphore, #tpu.memory_space<semaphore_mem>>)
          %dma_wait3A = arith.constant 9984 : i32
          %dma_wait3A_29 = arith.constant 0 : i32
          %dma_wait3A_30 = tpu.memref_slice %arg11[%dma_wait3A, %dma_wait3A_29] : memref<10016x128xf32, #tpu.memory_space<vmem_shared>> -> memref<16x128xf32, #tpu.memory_space<vmem_shared>>
          %dma_wait3A_31 = arith.constant 9984 : i32
          %dma_wait3A_32 = arith.constant 0 : i32
          %dma_wait3A_33 = tpu.memref_slice %arg3[%dma_wait3A_31, %dma_wait3A_32] : memref<10000x128xf32, #tpu.memory_space<hbm>> -> memref<16x128xf32, #tpu.memory_space<hbm>>
          tpu.wait_dma2 semaphore(%run_scoped3A : memref<!tpu.dma_semaphore, #tpu.memory_space<semaphore_mem>>) src(%dma_wait3A_33 : memref<16x128xf32, #tpu.memory_space<hbm>>) dst(%dma_wait3A_30 : memref<16x128xf32, #tpu.memory_space<vmem_shared>>)
          tpu.yield
        }) : () -> ()
      } else {
      }
      %barrier3A = arith.constant 0 : index
      tpu.barrier barrier_id(%barrier3A)
      %scan3A = arith.constant 0 : i32
      %scan3A_13 = arith.constant 0 : i32
      %scan3A_14 = arith.constant 158 : i32
      %scan3A_15 = arith.addi %scan3A_13, %scan3A_14 : i32
      %scan3A_16 = arith.constant 1 : i32
      scf.for %scan3A_24 = %scan3A_13 to %scan3A_15 step %scan3A_16  : i32 {
        %mul3A_25 = arith.constant 20224 : i32
        %mul3A_26 = arith.muli %arg1, %mul3A_25 : i32
        %mul3A_27 = arith.constant 128 : i32
        %mul3A_28 = arith.muli %scan3A_24, %mul3A_27 : i32
        %add3A = arith.addi %mul3A_26, %mul3A_28 : i32
        "tpu.region"() ({
          %run_scoped3A = tpu.sem_alloc : memref<!tpu.dma_semaphore, #tpu.memory_space<semaphore_mem>>
          %dma_start3A_140 = tpu.memref_slice %arg5[%add3A] : memref<323584xi32, #tpu.memory_space<hbm>> -> memref<128xi32, #tpu.memory_space<hbm>>
          %dma_start3A_141 = tpu.memref_slice %arg5[%add3A] : memref<323584xi32, #tpu.memory_space<hbm>> -> memref<128xi32, #tpu.memory_space<hbm>>
          tpu.enqueue_dma source(%dma_start3A_141 : memref<128xi32, #tpu.memory_space<hbm>>) target(%arg8 : memref<128xi32, #tpu.memory_space<vmem>>) target_semaphore(%run_scoped3A : memref<!tpu.dma_semaphore, #tpu.memory_space<semaphore_mem>>)
          %dma_wait3A_142 = tpu.memref_slice %arg5[%add3A] : memref<323584xi32, #tpu.memory_space<hbm>> -> memref<128xi32, #tpu.memory_space<hbm>>
          %dma_wait3A_143 = tpu.memref_slice %arg5[%add3A] : memref<323584xi32, #tpu.memory_space<hbm>> -> memref<128xi32, #tpu.memory_space<hbm>>
          tpu.wait_dma2 semaphore(%run_scoped3A : memref<!tpu.dma_semaphore, #tpu.memory_space<semaphore_mem>>) src(%dma_wait3A_143 : memref<128xi32, #tpu.memory_space<hbm>>) dst(%arg8 : memref<128xi32, #tpu.memory_space<vmem>>)
          tpu.yield
        }) : () -> ()
        "tpu.region"() ({
          %run_scoped3A = tpu.sem_alloc : memref<!tpu.dma_semaphore, #tpu.memory_space<semaphore_mem>>
          %dma_start3A_140 = tpu.memref_slice %arg4[%add3A] : memref<323584xi32, #tpu.memory_space<hbm>> -> memref<128xi32, #tpu.memory_space<hbm>>
          %dma_start3A_141 = tpu.memref_slice %arg4[%add3A] : memref<323584xi32, #tpu.memory_space<hbm>> -> memref<128xi32, #tpu.memory_space<hbm>>
          tpu.enqueue_dma source(%dma_start3A_141 : memref<128xi32, #tpu.memory_space<hbm>>) target(%arg9 : memref<128xi32, #tpu.memory_space<vmem>>) target_semaphore(%run_scoped3A : memref<!tpu.dma_semaphore, #tpu.memory_space<semaphore_mem>>)
          %dma_wait3A_142 = tpu.memref_slice %arg4[%add3A] : memref<323584xi32, #tpu.memory_space<hbm>> -> memref<128xi32, #tpu.memory_space<hbm>>
          %dma_wait3A_143 = tpu.memref_slice %arg4[%add3A] : memref<323584xi32, #tpu.memory_space<hbm>> -> memref<128xi32, #tpu.memory_space<hbm>>
          tpu.wait_dma2 semaphore(%run_scoped3A : memref<!tpu.dma_semaphore, #tpu.memory_space<semaphore_mem>>) src(%dma_wait3A_143 : memref<128xi32, #tpu.memory_space<hbm>>) dst(%arg9 : memref<128xi32, #tpu.memory_space<vmem>>)
          tpu.yield
        }) : () -> ()
        %get3A = arith.constant 0 : index
        %get3A_29 = tpu.vector_load %arg9[%get3A] {strides = array<i32>} : memref<128xi32, #tpu.memory_space<vmem>>, vector<16xi32>,
        %get3A_30 = vector.shape_cast %get3A_29 : vector<16xi32> to vector<16xi32>
        %get3A_31 = arith.constant 0 : index
        %get3A_32 = tpu.vector_load %arg8[%get3A_31] {strides = array<i32>} : memref<128xi32, #tpu.memory_space<vmem>>, vector<16xi32>,
        %get3A_33 = vector.shape_cast %get3A_32 : vector<16xi32> to vector<16xi32>
        %eq3A_34 = arith.cmpi eq, %get3A_30, %get3A_33 : vector<16xi32>
        %jit3A = arith.constant 10000 : i32
        %broadcast_in_dim3A = vector.broadcast %jit3A : i32 to vector<16xi32>
        %select_n3A = arith.select %eq3A_34, %broadcast_in_dim3A, %get3A_30 : vector<16xi1>, vector<16xi32>
        %swap3A = arith.constant 0 : index
        %swap3A_35 = tpu.vector_load %arg9[%swap3A] {strides = array<i32>} : memref<128xi32, #tpu.memory_space<vmem>>, vector<16xi32>,
        %swap3A_36 = vector.shape_cast %swap3A_35 : vector<16xi32> to vector<16xi32>
        %swap3A_37 = vector.shape_cast %select_n3A : vector<16xi32> to vector<16xi32>
        tpu.vector_store %arg9[%swap3A], %swap3A_37 {strides = array<i32>} : memref<128xi32, #tpu.memory_space<vmem>>, vector<16xi32>,
        %get3A_38 = arith.constant 16 : index
        %get3A_39 = tpu.vector_load %arg9[%get3A_38] {strides = array<i32>} : memref<128xi32, #tpu.memory_space<vmem>>, vector<16xi32>,
        %get3A_40 = vector.shape_cast %get3A_39 : vector<16xi32> to vector<16xi32>
        %get3A_41 = arith.constant 16 : index
        %get3A_42 = tpu.vector_load %arg8[%get3A_41] {strides = array<i32>} : memref<128xi32, #tpu.memory_space<vmem>>, vector<16xi32>,
        %get3A_43 = vector.shape_cast %get3A_42 : vector<16xi32> to vector<16xi32>
        %eq3A_44 = arith.cmpi eq, %get3A_40, %get3A_43 : vector<16xi32>
        %jit3A_45 = arith.constant 10000 : i32
        %broadcast_in_dim3A_46 = vector.broadcast %jit3A_45 : i32 to vector<16xi32>
        %select_n3A_47 = arith.select %eq3A_44, %broadcast_in_dim3A_46, %get3A_40 : vector<16xi1>, vector<16xi32>
        %swap3A_48 = arith.constant 16 : index
        %swap3A_49 = tpu.vector_load %arg9[%swap3A_48] {strides = array<i32>} : memref<128xi32, #tpu.memory_space<vmem>>, vector<16xi32>,
        %swap3A_50 = vector.shape_cast %swap3A_49 : vector<16xi32> to vector<16xi32>
        %swap3A_51 = vector.shape_cast %select_n3A_47 : vector<16xi32> to vector<16xi32>
        tpu.vector_store %arg9[%swap3A_48], %swap3A_51 {strides = array<i32>} : memref<128xi32, #tpu.memory_space<vmem>>, vector<16xi32>,
        %get3A_52 = arith.constant 32 : index
        %get3A_53 = tpu.vector_load %arg9[%get3A_52] {strides = array<i32>} : memref<128xi32, #tpu.memory_space<vmem>>, vector<16xi32>,
        %get3A_54 = vector.shape_cast %get3A_53 : vector<16xi32> to vector<16xi32>
        %get3A_55 = arith.constant 32 : index
        %get3A_56 = tpu.vector_load %arg8[%get3A_55] {strides = array<i32>} : memref<128xi32, #tpu.memory_space<vmem>>, vector<16xi32>,
        %get3A_57 = vector.shape_cast %get3A_56 : vector<16xi32> to vector<16xi32>
        %eq3A_58 = arith.cmpi eq, %get3A_54, %get3A_57 : vector<16xi32>
        %jit3A_59 = arith.constant 10000 : i32
        %broadcast_in_dim3A_60 = vector.broadcast %jit3A_59 : i32 to vector<16xi32>
        %select_n3A_61 = arith.select %eq3A_58, %broadcast_in_dim3A_60, %get3A_54 : vector<16xi1>, vector<16xi32>
        %swap3A_62 = arith.constant 32 : index
        %swap3A_63 = tpu.vector_load %arg9[%swap3A_62] {strides = array<i32>} : memref<128xi32, #tpu.memory_space<vmem>>, vector<16xi32>,
        %swap3A_64 = vector.shape_cast %swap3A_63 : vector<16xi32> to vector<16xi32>
        %swap3A_65 = vector.shape_cast %select_n3A_61 : vector<16xi32> to vector<16xi32>
        tpu.vector_store %arg9[%swap3A_62], %swap3A_65 {strides = array<i32>} : memref<128xi32, #tpu.memory_space<vmem>>, vector<16xi32>,
        %get3A_66 = arith.constant 48 : index
        %get3A_67 = tpu.vector_load %arg9[%get3A_66] {strides = array<i32>} : memref<128xi32, #tpu.memory_space<vmem>>, vector<16xi32>,
        %get3A_68 = vector.shape_cast %get3A_67 : vector<16xi32> to vector<16xi32>
        %get3A_69 = arith.constant 48 : index
        %get3A_70 = tpu.vector_load %arg8[%get3A_69] {strides = array<i32>} : memref<128xi32, #tpu.memory_space<vmem>>, vector<16xi32>,
        %get3A_71 = vector.shape_cast %get3A_70 : vector<16xi32> to vector<16xi32>
        %eq3A_72 = arith.cmpi eq, %get3A_68, %get3A_71 : vector<16xi32>
        %jit3A_73 = arith.constant 10000 : i32
        %broadcast_in_dim3A_74 = vector.broadcast %jit3A_73 : i32 to vector<16xi32>
        %select_n3A_75 = arith.select %eq3A_72, %broadcast_in_dim3A_74, %get3A_68 : vector<16xi1>, vector<16xi32>
        %swap3A_76 = arith.constant 48 : index
        %swap3A_77 = tpu.vector_load %arg9[%swap3A_76] {strides = array<i32>} : memref<128xi32, #tpu.memory_space<vmem>>, vector<16xi32>,
        %swap3A_78 = vector.shape_cast %swap3A_77 : vector<16xi32> to vector<16xi32>
        %swap3A_79 = vector.shape_cast %select_n3A_75 : vector<16xi32> to vector<16xi32>
        tpu.vector_store %arg9[%swap3A_76], %swap3A_79 {strides = array<i32>} : memref<128xi32, #tpu.memory_space<vmem>>, vector<16xi32>,
        %get3A_80 = arith.constant 64 : index
        %get3A_81 = tpu.vector_load %arg9[%get3A_80] {strides = array<i32>} : memref<128xi32, #tpu.memory_space<vmem>>, vector<16xi32>,
        %get3A_82 = vector.shape_cast %get3A_81 : vector<16xi32> to vector<16xi32>
        %get3A_83 = arith.constant 64 : index
        %get3A_84 = tpu.vector_load %arg8[%get3A_83] {strides = array<i32>} : memref<128xi32, #tpu.memory_space<vmem>>, vector<16xi32>,
        %get3A_85 = vector.shape_cast %get3A_84 : vector<16xi32> to vector<16xi32>
        %eq3A_86 = arith.cmpi eq, %get3A_82, %get3A_85 : vector<16xi32>
        %jit3A_87 = arith.constant 10000 : i32
        %broadcast_in_dim3A_88 = vector.broadcast %jit3A_87 : i32 to vector<16xi32>
        %select_n3A_89 = arith.select %eq3A_86, %broadcast_in_dim3A_88, %get3A_82 : vector<16xi1>, vector<16xi32>
        %swap3A_90 = arith.constant 64 : index
        %swap3A_91 = tpu.vector_load %arg9[%swap3A_90] {strides = array<i32>} : memref<128xi32, #tpu.memory_space<vmem>>, vector<16xi32>,
        %swap3A_92 = vector.shape_cast %swap3A_91 : vector<16xi32> to vector<16xi32>
        %swap3A_93 = vector.shape_cast %select_n3A_89 : vector<16xi32> to vector<16xi32>
        tpu.vector_store %arg9[%swap3A_90], %swap3A_93 {strides = array<i32>} : memref<128xi32, #tpu.memory_space<vmem>>, vector<16xi32>,
        %get3A_94 = arith.constant 80 : index
        %get3A_95 = tpu.vector_load %arg9[%get3A_94] {strides = array<i32>} : memref<128xi32, #tpu.memory_space<vmem>>, vector<16xi32>,
        %get3A_96 = vector.shape_cast %get3A_95 : vector<16xi32> to vector<16xi32>
        %get3A_97 = arith.constant 80 : index
        %get3A_98 = tpu.vector_load %arg8[%get3A_97] {strides = array<i32>} : memref<128xi32, #tpu.memory_space<vmem>>, vector<16xi32>,
        %get3A_99 = vector.shape_cast %get3A_98 : vector<16xi32> to vector<16xi32>
        %eq3A_100 = arith.cmpi eq, %get3A_96, %get3A_99 : vector<16xi32>
        %jit3A_101 = arith.constant 10000 : i32
        %broadcast_in_dim3A_102 = vector.broadcast %jit3A_101 : i32 to vector<16xi32>
        %select_n3A_103 = arith.select %eq3A_100, %broadcast_in_dim3A_102, %get3A_96 : vector<16xi1>, vector<16xi32>
        %swap3A_104 = arith.constant 80 : index
        %swap3A_105 = tpu.vector_load %arg9[%swap3A_104] {strides = array<i32>} : memref<128xi32, #tpu.memory_space<vmem>>, vector<16xi32>,
        %swap3A_106 = vector.shape_cast %swap3A_105 : vector<16xi32> to vector<16xi32>
        %swap3A_107 = vector.shape_cast %select_n3A_103 : vector<16xi32> to vector<16xi32>
        tpu.vector_store %arg9[%swap3A_104], %swap3A_107 {strides = array<i32>} : memref<128xi32, #tpu.memory_space<vmem>>, vector<16xi32>,
        %get3A_108 = arith.constant 96 : index
        %get3A_109 = tpu.vector_load %arg9[%get3A_108] {strides = array<i32>} : memref<128xi32, #tpu.memory_space<vmem>>, vector<16xi32>,
        %get3A_110 = vector.shape_cast %get3A_109 : vector<16xi32> to vector<16xi32>
        %get3A_111 = arith.constant 96 : index
        %get3A_112 = tpu.vector_load %arg8[%get3A_111] {strides = array<i32>} : memref<128xi32, #tpu.memory_space<vmem>>, vector<16xi32>,
        %get3A_113 = vector.shape_cast %get3A_112 : vector<16xi32> to vector<16xi32>
        %eq3A_114 = arith.cmpi eq, %get3A_110, %get3A_113 : vector<16xi32>
        %jit3A_115 = arith.constant 10000 : i32
        %broadcast_in_dim3A_116 = vector.broadcast %jit3A_115 : i32 to vector<16xi32>
        %select_n3A_117 = arith.select %eq3A_114, %broadcast_in_dim3A_116, %get3A_110 : vector<16xi1>, vector<16xi32>
        %swap3A_118 = arith.constant 96 : index
        %swap3A_119 = tpu.vector_load %arg9[%swap3A_118] {strides = array<i32>} : memref<128xi32, #tpu.memory_space<vmem>>, vector<16xi32>,
        %swap3A_120 = vector.shape_cast %swap3A_119 : vector<16xi32> to vector<16xi32>
        %swap3A_121 = vector.shape_cast %select_n3A_117 : vector<16xi32> to vector<16xi32>
        tpu.vector_store %arg9[%swap3A_118], %swap3A_121 {strides = array<i32>} : memref<128xi32, #tpu.memory_space<vmem>>, vector<16xi32>,
        %get3A_122 = arith.constant 112 : index
        %get3A_123 = tpu.vector_load %arg9[%get3A_122] {strides = array<i32>} : memref<128xi32, #tpu.memory_space<vmem>>, vector<16xi32>,
        %get3A_124 = vector.shape_cast %get3A_123 : vector<16xi32> to vector<16xi32>
        %get3A_125 = arith.constant 112 : index
        %get3A_126 = tpu.vector_load %arg8[%get3A_125] {strides = array<i32>} : memref<128xi32, #tpu.memory_space<vmem>>, vector<16xi32>,
        %get3A_127 = vector.shape_cast %get3A_126 : vector<16xi32> to vector<16xi32>
        %eq3A_128 = arith.cmpi eq, %get3A_124, %get3A_127 : vector<16xi32>
        %jit3A_129 = arith.constant 10000 : i32
        %broadcast_in_dim3A_130 = vector.broadcast %jit3A_129 : i32 to vector<16xi32>
        %select_n3A_131 = arith.select %eq3A_128, %broadcast_in_dim3A_130, %get3A_124 : vector<16xi1>, vector<16xi32>
        %swap3A_132 = arith.constant 112 : index
        %swap3A_133 = tpu.vector_load %arg9[%swap3A_132] {strides = array<i32>} : memref<128xi32, #tpu.memory_space<vmem>>, vector<16xi32>,
        %swap3A_134 = vector.shape_cast %swap3A_133 : vector<16xi32> to vector<16xi32>
        %swap3A_135 = vector.shape_cast %select_n3A_131 : vector<16xi32> to vector<16xi32>
        tpu.vector_store %arg9[%swap3A_132], %swap3A_135 {strides = array<i32>} : memref<128xi32, #tpu.memory_space<vmem>>, vector<16xi32>,
        %dma_start3A = arith.constant 0 : i32
        %dma_start3A_136 = arith.constant 0 : i32
        %dma_start3A_137 = tpu.memref_slice %arg3[%dma_start3A, %dma_start3A_136] : memref<10000x128xf32, #tpu.memory_space<hbm>> -> memref<10000x128xf32, #tpu.memory_space<hbm>>
        tpu.enqueue_indirect_dma source(%dma_start3A_137 : memref<10000x128xf32, #tpu.memory_space<hbm>>) target(%arg10 : memref<128x128xf32, #tpu.memory_space<vmem>>) offsets(%arg8 : memref<128xi32, #tpu.memory_space<vmem>>) semaphore(%arg12 : memref<!tpu.dma_semaphore, #tpu.memory_space<semaphore_mem>>)
        %dma_wait3A = arith.constant 0 : i32
        %dma_wait3A_138 = arith.constant 0 : i32
        %dma_wait3A_139 = tpu.memref_slice %arg3[%dma_wait3A, %dma_wait3A_138] : memref<10000x128xf32, #tpu.memory_space<hbm>> -> memref<10000x128xf32, #tpu.memory_space<hbm>>
        tpu.wait_indirect_dma semaphore(%arg12 : memref<!tpu.dma_semaphore, #tpu.memory_space<semaphore_mem>>) src(%dma_wait3A_139 : memref<10000x128xf32, #tpu.memory_space<hbm>>) dst(%arg10 : memref<128x128xf32, #tpu.memory_space<vmem>>)
        "tpu.region"() ({
          %run_scoped3A = tpu.sem_alloc : memref<!tpu.dma_semaphore, #tpu.memory_space<semaphore_mem>>
          %dma_start3A_140 = arith.constant 0 : i32
          %dma_start3A_141 = arith.constant 0 : i32
          %dma_start3A_142 = tpu.memref_slice %arg11[%dma_start3A_140, %dma_start3A_141] : memref<10016x128xf32, #tpu.memory_space<vmem_shared>> -> memref<10016x128xf32, #tpu.memory_space<vmem_shared>>
          tpu.enqueue_indirect_dma source(%arg10 : memref<128x128xf32, #tpu.memory_space<vmem>>) target(%dma_start3A_142 : memref<10016x128xf32, #tpu.memory_space<vmem_shared>>) offsets(%arg9 : memref<128xi32, #tpu.memory_space<vmem>>) semaphore(%run_scoped3A : memref<!tpu.dma_semaphore, #tpu.memory_space<semaphore_mem>>) {add = true}
          %dma_wait3A_143 = arith.constant 0 : i32
          %dma_wait3A_144 = arith.constant 0 : i32
          %dma_wait3A_145 = tpu.memref_slice %arg11[%dma_wait3A_143, %dma_wait3A_144] : memref<10016x128xf32, #tpu.memory_space<vmem_shared>> -> memref<10016x128xf32, #tpu.memory_space<vmem_shared>>
          tpu.wait_indirect_dma semaphore(%run_scoped3A : memref<!tpu.dma_semaphore, #tpu.memory_space<semaphore_mem>>) src(%arg10 : memref<128x128xf32, #tpu.memory_space<vmem>>) dst(%dma_wait3A_145 : memref<10016x128xf32, #tpu.memory_space<vmem_shared>>)
          tpu.yield
        }) : () -> ()
      }
      %scan3A_17 = arith.constant 158 : i32
      %barrier3A_18 = arith.constant 0 : index
      tpu.barrier barrier_id(%barrier3A_18)
      "tpu.region"() ({
        %run_scoped3A = tpu.sem_alloc : memref<!tpu.dma_semaphore, #tpu.memory_space<semaphore_mem>>
        %dma_start3A = arith.constant 0 : i32
        %dma_start3A_24 = tpu.memref_slice %arg7[%mul3A_7, %dma_start3A] : memref<10000x128xf32, #tpu.memory_space<hbm>> -> memref<624x128xf32, #tpu.memory_space<hbm>>
        %dma_start3A_25 = arith.constant 0 : i32
        %dma_start3A_26 = tpu.memref_slice %arg11[%mul3A_7, %dma_start3A_25] : memref<10016x128xf32, #tpu.memory_space<vmem_shared>> -> memref<624x128xf32, #tpu.memory_space<vmem_shared>>
        tpu.enqueue_dma source(%dma_start3A_26 : memref<624x128xf32, #tpu.memory_space<vmem_shared>>) target(%dma_start3A_24 : memref<624x128xf32, #tpu.memory_space<hbm>>) target_semaphore(%run_scoped3A : memref<!tpu.dma_semaphore, #tpu.memory_space<semaphore_mem>>)
        %dma_wait3A = arith.constant 0 : i32
        %dma_wait3A_27 = tpu.memref_slice %arg7[%mul3A_7, %dma_wait3A] : memref<10000x128xf32, #tpu.memory_space<hbm>> -> memref<624x128xf32, #tpu.memory_space<hbm>>
        %dma_wait3A_28 = arith.constant 0 : i32
        %dma_wait3A_29 = tpu.memref_slice %arg11[%mul3A_7, %dma_wait3A_28] : memref<10016x128xf32, #tpu.memory_space<vmem_shared>> -> memref<624x128xf32, #tpu.memory_space<vmem_shared>>
        tpu.wait_dma2 semaphore(%run_scoped3A : memref<!tpu.dma_semaphore, #tpu.memory_space<semaphore_mem>>) src(%dma_wait3A_29 : memref<624x128xf32, #tpu.memory_space<vmem_shared>>) dst(%dma_wait3A_27 : memref<624x128xf32, #tpu.memory_space<hbm>>)
        tpu.yield
      }) : () -> ()
      %eq3A_19 = arith.constant 0 : i32
      %eq3A_20 = arith.cmpi eq, %arg1, %eq3A_19 : i32
      %convert_element_type3A_21 = arith.extui %eq3A_20 : i1 to i32
      %cond3A_22 = arith.constant 0 : i32
      %cond3A_23 = arith.cmpi ne, %convert_element_type3A_21, %cond3A_22 : i32
      scf.if %cond3A_23 {
        "tpu.region"() ({
          %run_scoped3A = tpu.sem_alloc : memref<!tpu.dma_semaphore, #tpu.memory_space<semaphore_mem>>
          %dma_start3A = arith.constant 9984 : i32
          %dma_start3A_24 = arith.constant 0 : i32
          %dma_start3A_25 = tpu.memref_slice %arg7[%dma_start3A, %dma_start3A_24] : memref<10000x128xf32, #tpu.memory_space<hbm>> -> memref<16x128xf32, #tpu.memory_space<hbm>>
          %dma_start3A_26 = arith.constant 9984 : i32
          %dma_start3A_27 = arith.constant 0 : i32
          %dma_start3A_28 = tpu.memref_slice %arg11[%dma_start3A_26, %dma_start3A_27] : memref<10016x128xf32, #tpu.memory_space<vmem_shared>> -> memref<16x128xf32, #tpu.memory_space<vmem_shared>>
          tpu.enqueue_dma source(%dma_start3A_28 : memref<16x128xf32, #tpu.memory_space<vmem_shared>>) target(%dma_start3A_25 : memref<16x128xf32, #tpu.memory_space<hbm>>) target_semaphore(%run_scoped3A : memref<!tpu.dma_semaphore, #tpu.memory_space<semaphore_mem>>)
          %dma_wait3A = arith.constant 9984 : i32
          %dma_wait3A_29 = arith.constant 0 : i32
          %dma_wait3A_30 = tpu.memref_slice %arg7[%dma_wait3A, %dma_wait3A_29] : memref<10000x128xf32, #tpu.memory_space<hbm>> -> memref<16x128xf32, #tpu.memory_space<hbm>>
          %dma_wait3A_31 = arith.constant 9984 : i32
          %dma_wait3A_32 = arith.constant 0 : i32
          %dma_wait3A_33 = tpu.memref_slice %arg11[%dma_wait3A_31, %dma_wait3A_32] : memref<10016x128xf32, #tpu.memory_space<vmem_shared>> -> memref<16x128xf32, #tpu.memory_space<vmem_shared>>
          tpu.wait_dma2 semaphore(%run_scoped3A : memref<!tpu.dma_semaphore, #tpu.memory_space<semaphore_mem>>) src(%dma_wait3A_33 : memref<16x128xf32, #tpu.memory_space<vmem_shared>>) dst(%dma_wait3A_30 : memref<16x128xf32, #tpu.memory_space<hbm>>)
          tpu.yield
        }) : () -> ()
      } else {
      }
    } else {
    }
    return
  }
}

#map = affine_map<(d0, d1) -> (0, 0)>
#map1 = affine_map<(d0, d1) -> (0)>
module attributes {stable_mosaic.version = 14 : i64} {
  func.func @agg(%arg0: i32, %arg1: i32, %arg2: memref<10000x128xf32, #tpu.memory_space<hbm>>, %arg3: memref<323584xi32, #tpu.memory_space<hbm>>, %arg4: memref<323584xi32, #tpu.memory_space<hbm>>, %arg5: memref<624x128xf32, #tpu.memory_space<hbm>>, %arg6: memref<10000x128xf32, #tpu.memory_space<hbm>>, %arg7: memref<10000x128xf32, #tpu.memory_space<hbm>>, %arg8: memref<128xi32, #tpu.memory_space<vmem>>, %arg9: memref<128xi32, #tpu.memory_space<vmem>>, %arg10: memref<128x128xf32, #tpu.memory_space<vmem>>, %arg11: memref<10016x128xf32, #tpu.memory_space<vmem_shared>>, %arg12: memref<!tpu.dma_semaphore, #tpu.memory_space<semaphore_mem>>) attributes {dimension_semantics = [#tpu.dimension_semantics<core_parallel>, #tpu.dimension_semantics<subcore_parallel>], iteration_bounds = array<i64: 2, 16>, scalar_prefetch = 0 : i64, scratch_operands = 5 : i64, tpu.core_type = #tpu.core_type<sc_vector_subcore>, window_params = [{transform_indices = #map}, {transform_indices = #map1}, {transform_indices = #map1}, {transform_indices = #map}, {transform_indices = #map}, {transform_indices = #map}]} {
    %mul3A = arith.constant 624 : i32
    %mul3A_0 = arith.muli %arg1, %mul3A : i32
    %eq3A = arith.constant 0 : i32
    %eq3A_1 = arith.cmpi eq, %arg0, %eq3A : i32
    %convert_element_type3A = arith.extui %eq3A_1 : i1 to i32
    %cond3A = arith.constant 0 : i32
    %cond3A_2 = arith.cmpi ne, %convert_element_type3A, %cond3A : i32
    scf.if %cond3A_2 {
      "tpu.region"() ({
        %run_scoped3A = tpu.sem_alloc : memref<!tpu.dma_semaphore, #tpu.memory_space<semaphore_mem>>
        %dma_start3A = arith.constant 0 : i32
        %dma_start3A_29 = tpu.memref_slice %arg11[%mul3A_0, %dma_start3A] : memref<10016x128xf32, #tpu.memory_space<vmem_shared>> -> memref<624x128xf32, #tpu.memory_space<vmem_shared>>
        %dma_start3A_30 = arith.constant 0 : i32
        %dma_start3A_31 = tpu.memref_slice %arg2[%mul3A_0, %dma_start3A_30] : memref<10000x128xf32, #tpu.memory_space<hbm>> -> memref<624x128xf32, #tpu.memory_space<hbm>>
        tpu.enqueue_dma source(%dma_start3A_31 : memref<624x128xf32, #tpu.memory_space<hbm>>) target(%dma_start3A_29 : memref<624x128xf32, #tpu.memory_space<vmem_shared>>) target_semaphore(%run_scoped3A : memref<!tpu.dma_semaphore, #tpu.memory_space<semaphore_mem>>)
        %dma_wait3A = arith.constant 0 : i32
        %dma_wait3A_32 = tpu.memref_slice %arg11[%mul3A_0, %dma_wait3A] : memref<10016x128xf32, #tpu.memory_space<vmem_shared>> -> memref<624x128xf32, #tpu.memory_space<vmem_shared>>
        %dma_wait3A_33 = arith.constant 0 : i32
        %dma_wait3A_34 = tpu.memref_slice %arg2[%mul3A_0, %dma_wait3A_33] : memref<10000x128xf32, #tpu.memory_space<hbm>> -> memref<624x128xf32, #tpu.memory_space<hbm>>
        tpu.wait_dma2 semaphore(%run_scoped3A : memref<!tpu.dma_semaphore, #tpu.memory_space<semaphore_mem>>) src(%dma_wait3A_34 : memref<624x128xf32, #tpu.memory_space<hbm>>) dst(%dma_wait3A_32 : memref<624x128xf32, #tpu.memory_space<vmem_shared>>)
        tpu.yield
      }) : () -> ()
      %eq3A_24 = arith.constant 0 : i32
      %eq3A_25 = arith.cmpi eq, %arg1, %eq3A_24 : i32
      %convert_element_type3A_26 = arith.extui %eq3A_25 : i1 to i32
      %cond3A_27 = arith.constant 0 : i32
      %cond3A_28 = arith.cmpi ne, %convert_element_type3A_26, %cond3A_27 : i32
      scf.if %cond3A_28 {
        "tpu.region"() ({
          %run_scoped3A = tpu.sem_alloc : memref<!tpu.dma_semaphore, #tpu.memory_space<semaphore_mem>>
          %dma_start3A = arith.constant 9984 : i32
          %dma_start3A_29 = arith.constant 0 : i32
          %dma_start3A_30 = tpu.memref_slice %arg11[%dma_start3A, %dma_start3A_29] : memref<10016x128xf32, #tpu.memory_space<vmem_shared>> -> memref<16x128xf32, #tpu.memory_space<vmem_shared>>
          %dma_start3A_31 = arith.constant 9984 : i32
          %dma_start3A_32 = arith.constant 0 : i32
          %dma_start3A_33 = tpu.memref_slice %arg2[%dma_start3A_31, %dma_start3A_32] : memref<10000x128xf32, #tpu.memory_space<hbm>> -> memref<16x128xf32, #tpu.memory_space<hbm>>
          tpu.enqueue_dma source(%dma_start3A_33 : memref<16x128xf32, #tpu.memory_space<hbm>>) target(%dma_start3A_30 : memref<16x128xf32, #tpu.memory_space<vmem_shared>>) target_semaphore(%run_scoped3A : memref<!tpu.dma_semaphore, #tpu.memory_space<semaphore_mem>>)
          %dma_wait3A = arith.constant 9984 : i32
          %dma_wait3A_34 = arith.constant 0 : i32
          %dma_wait3A_35 = tpu.memref_slice %arg11[%dma_wait3A, %dma_wait3A_34] : memref<10016x128xf32, #tpu.memory_space<vmem_shared>> -> memref<16x128xf32, #tpu.memory_space<vmem_shared>>
          %dma_wait3A_36 = arith.constant 9984 : i32
          %dma_wait3A_37 = arith.constant 0 : i32
          %dma_wait3A_38 = tpu.memref_slice %arg2[%dma_wait3A_36, %dma_wait3A_37] : memref<10000x128xf32, #tpu.memory_space<hbm>> -> memref<16x128xf32, #tpu.memory_space<hbm>>
          tpu.wait_dma2 semaphore(%run_scoped3A : memref<!tpu.dma_semaphore, #tpu.memory_space<semaphore_mem>>) src(%dma_wait3A_38 : memref<16x128xf32, #tpu.memory_space<hbm>>) dst(%dma_wait3A_35 : memref<16x128xf32, #tpu.memory_space<vmem_shared>>)
          tpu.yield
        }) : () -> ()
      } else {
      }
    } else {
    }
    %eq3A_3 = arith.constant 1 : i32
    %eq3A_4 = arith.cmpi eq, %arg0, %eq3A_3 : i32
    %convert_element_type3A_5 = arith.extui %eq3A_4 : i1 to i32
    %cond3A_6 = arith.constant 0 : i32
    %cond3A_7 = arith.cmpi ne, %convert_element_type3A_5, %cond3A_6 : i32
    scf.if %cond3A_7 {
      "tpu.region"() ({
        %run_scoped3A = tpu.sem_alloc : memref<!tpu.dma_semaphore, #tpu.memory_space<semaphore_mem>>
        %dma_start3A = arith.constant 0 : i32
        %dma_start3A_29 = tpu.memref_slice %arg11[%mul3A_0, %dma_start3A] : memref<10016x128xf32, #tpu.memory_space<vmem_shared>> -> memref<624x128xf32, #tpu.memory_space<vmem_shared>>
        tpu.enqueue_dma source(%arg5 : memref<624x128xf32, #tpu.memory_space<hbm>>) target(%dma_start3A_29 : memref<624x128xf32, #tpu.memory_space<vmem_shared>>) target_semaphore(%run_scoped3A : memref<!tpu.dma_semaphore, #tpu.memory_space<semaphore_mem>>)
        %dma_wait3A = arith.constant 0 : i32
        %dma_wait3A_30 = tpu.memref_slice %arg11[%mul3A_0, %dma_wait3A] : memref<10016x128xf32, #tpu.memory_space<vmem_shared>> -> memref<624x128xf32, #tpu.memory_space<vmem_shared>>
        tpu.wait_dma2 semaphore(%run_scoped3A : memref<!tpu.dma_semaphore, #tpu.memory_space<semaphore_mem>>) src(%arg5 : memref<624x128xf32, #tpu.memory_space<hbm>>) dst(%dma_wait3A_30 : memref<624x128xf32, #tpu.memory_space<vmem_shared>>)
        tpu.yield
      }) : () -> ()
      %eq3A_24 = arith.constant 0 : i32
      %eq3A_25 = arith.cmpi eq, %arg1, %eq3A_24 : i32
      %convert_element_type3A_26 = arith.extui %eq3A_25 : i1 to i32
      %cond3A_27 = arith.constant 0 : i32
      %cond3A_28 = arith.cmpi ne, %convert_element_type3A_26, %cond3A_27 : i32
      scf.if %cond3A_28 {
        "tpu.region"() ({
          %run_scoped3A = tpu.sem_alloc : memref<!tpu.dma_semaphore, #tpu.memory_space<semaphore_mem>>
          %dma_start3A = arith.constant 9984 : i32
          %dma_start3A_29 = arith.constant 0 : i32
          %dma_start3A_30 = tpu.memref_slice %arg11[%dma_start3A, %dma_start3A_29] : memref<10016x128xf32, #tpu.memory_space<vmem_shared>> -> memref<16x128xf32, #tpu.memory_space<vmem_shared>>
          %dma_start3A_31 = arith.constant 0 : i32
          %dma_start3A_32 = arith.constant 0 : i32
          %dma_start3A_33 = tpu.memref_slice %arg5[%dma_start3A_31, %dma_start3A_32] : memref<624x128xf32, #tpu.memory_space<hbm>> -> memref<16x128xf32, #tpu.memory_space<hbm>>
          tpu.enqueue_dma source(%dma_start3A_33 : memref<16x128xf32, #tpu.memory_space<hbm>>) target(%dma_start3A_30 : memref<16x128xf32, #tpu.memory_space<vmem_shared>>) target_semaphore(%run_scoped3A : memref<!tpu.dma_semaphore, #tpu.memory_space<semaphore_mem>>)
          %dma_wait3A = arith.constant 9984 : i32
          %dma_wait3A_34 = arith.constant 0 : i32
          %dma_wait3A_35 = tpu.memref_slice %arg11[%dma_wait3A, %dma_wait3A_34] : memref<10016x128xf32, #tpu.memory_space<vmem_shared>> -> memref<16x128xf32, #tpu.memory_space<vmem_shared>>
          %dma_wait3A_36 = arith.constant 0 : i32
          %dma_wait3A_37 = arith.constant 0 : i32
          %dma_wait3A_38 = tpu.memref_slice %arg5[%dma_wait3A_36, %dma_wait3A_37] : memref<624x128xf32, #tpu.memory_space<hbm>> -> memref<16x128xf32, #tpu.memory_space<hbm>>
          tpu.wait_dma2 semaphore(%run_scoped3A : memref<!tpu.dma_semaphore, #tpu.memory_space<semaphore_mem>>) src(%dma_wait3A_38 : memref<16x128xf32, #tpu.memory_space<hbm>>) dst(%dma_wait3A_35 : memref<16x128xf32, #tpu.memory_space<vmem_shared>>)
          tpu.yield
        }) : () -> ()
      } else {
      }
    } else {
    }
    %barrier3A = arith.constant 0 : index
    tpu.barrier barrier_id(%barrier3A)
    %scan3A = arith.constant 0 : i32
    %scan3A_8 = arith.constant 0 : i32
    %scan3A_9 = arith.constant 79 : i32
    %scan3A_10 = arith.addi %scan3A_8, %scan3A_9 : i32
    %scan3A_11 = arith.constant 1 : i32
    scf.for %scan3A_24 = %scan3A_8 to %scan3A_10 step %scan3A_11  : i32 {
      %mul3A_25 = arith.constant 161792 : i32
      %mul3A_26 = arith.muli %arg0, %mul3A_25 : i32
      %mul3A_27 = arith.constant 10112 : i32
      %mul3A_28 = arith.muli %arg1, %mul3A_27 : i32
      %add3A = arith.addi %mul3A_26, %mul3A_28 : i32
      %mul3A_29 = arith.constant 128 : i32
      %mul3A_30 = arith.muli %scan3A_24, %mul3A_29 : i32
      %add3A_31 = arith.addi %add3A, %mul3A_30 : i32
      "tpu.region"() ({
        %run_scoped3A = tpu.sem_alloc : memref<!tpu.dma_semaphore, #tpu.memory_space<semaphore_mem>>
        %dma_start3A_143 = tpu.memref_slice %arg4[%add3A_31] : memref<323584xi32, #tpu.memory_space<hbm>> -> memref<128xi32, #tpu.memory_space<hbm>>
        %dma_start3A_144 = tpu.memref_slice %arg4[%add3A_31] : memref<323584xi32, #tpu.memory_space<hbm>> -> memref<128xi32, #tpu.memory_space<hbm>>
        tpu.enqueue_dma source(%dma_start3A_144 : memref<128xi32, #tpu.memory_space<hbm>>) target(%arg8 : memref<128xi32, #tpu.memory_space<vmem>>) target_semaphore(%run_scoped3A : memref<!tpu.dma_semaphore, #tpu.memory_space<semaphore_mem>>)
        %dma_wait3A_145 = tpu.memref_slice %arg4[%add3A_31] : memref<323584xi32, #tpu.memory_space<hbm>> -> memref<128xi32, #tpu.memory_space<hbm>>
        %dma_wait3A_146 = tpu.memref_slice %arg4[%add3A_31] : memref<323584xi32, #tpu.memory_space<hbm>> -> memref<128xi32, #tpu.memory_space<hbm>>
        tpu.wait_dma2 semaphore(%run_scoped3A : memref<!tpu.dma_semaphore, #tpu.memory_space<semaphore_mem>>) src(%dma_wait3A_146 : memref<128xi32, #tpu.memory_space<hbm>>) dst(%arg8 : memref<128xi32, #tpu.memory_space<vmem>>)
        tpu.yield
      }) : () -> ()
      "tpu.region"() ({
        %run_scoped3A = tpu.sem_alloc : memref<!tpu.dma_semaphore, #tpu.memory_space<semaphore_mem>>
        %dma_start3A_143 = tpu.memref_slice %arg3[%add3A_31] : memref<323584xi32, #tpu.memory_space<hbm>> -> memref<128xi32, #tpu.memory_space<hbm>>
        %dma_start3A_144 = tpu.memref_slice %arg3[%add3A_31] : memref<323584xi32, #tpu.memory_space<hbm>> -> memref<128xi32, #tpu.memory_space<hbm>>
        tpu.enqueue_dma source(%dma_start3A_144 : memref<128xi32, #tpu.memory_space<hbm>>) target(%arg9 : memref<128xi32, #tpu.memory_space<vmem>>) target_semaphore(%run_scoped3A : memref<!tpu.dma_semaphore, #tpu.memory_space<semaphore_mem>>)
        %dma_wait3A_145 = tpu.memref_slice %arg3[%add3A_31] : memref<323584xi32, #tpu.memory_space<hbm>> -> memref<128xi32, #tpu.memory_space<hbm>>
        %dma_wait3A_146 = tpu.memref_slice %arg3[%add3A_31] : memref<323584xi32, #tpu.memory_space<hbm>> -> memref<128xi32, #tpu.memory_space<hbm>>
        tpu.wait_dma2 semaphore(%run_scoped3A : memref<!tpu.dma_semaphore, #tpu.memory_space<semaphore_mem>>) src(%dma_wait3A_146 : memref<128xi32, #tpu.memory_space<hbm>>) dst(%arg9 : memref<128xi32, #tpu.memory_space<vmem>>)
        tpu.yield
      }) : () -> ()
      %get3A = arith.constant 0 : index
      %get3A_32 = tpu.vector_load %arg9[%get3A] {strides = array<i32>} : memref<128xi32, #tpu.memory_space<vmem>>, vector<16xi32>,
      %get3A_33 = vector.shape_cast %get3A_32 : vector<16xi32> to vector<16xi32>
      %get3A_34 = arith.constant 0 : index
      %get3A_35 = tpu.vector_load %arg8[%get3A_34] {strides = array<i32>} : memref<128xi32, #tpu.memory_space<vmem>>, vector<16xi32>,
      %get3A_36 = vector.shape_cast %get3A_35 : vector<16xi32> to vector<16xi32>
      %eq3A_37 = arith.cmpi eq, %get3A_33, %get3A_36 : vector<16xi32>
      %jit3A = arith.constant 10000 : i32
      %broadcast_in_dim3A = vector.broadcast %jit3A : i32 to vector<16xi32>
      %select_n3A = arith.select %eq3A_37, %broadcast_in_dim3A, %get3A_33 : vector<16xi1>, vector<16xi32>
      %swap3A = arith.constant 0 : index
      %swap3A_38 = tpu.vector_load %arg9[%swap3A] {strides = array<i32>} : memref<128xi32, #tpu.memory_space<vmem>>, vector<16xi32>,
      %swap3A_39 = vector.shape_cast %swap3A_38 : vector<16xi32> to vector<16xi32>
      %swap3A_40 = vector.shape_cast %select_n3A : vector<16xi32> to vector<16xi32>
      tpu.vector_store %arg9[%swap3A], %swap3A_40 {strides = array<i32>} : memref<128xi32, #tpu.memory_space<vmem>>, vector<16xi32>,
      %get3A_41 = arith.constant 16 : index
      %get3A_42 = tpu.vector_load %arg9[%get3A_41] {strides = array<i32>} : memref<128xi32, #tpu.memory_space<vmem>>, vector<16xi32>,
      %get3A_43 = vector.shape_cast %get3A_42 : vector<16xi32> to vector<16xi32>
      %get3A_44 = arith.constant 16 : index
      %get3A_45 = tpu.vector_load %arg8[%get3A_44] {strides = array<i32>} : memref<128xi32, #tpu.memory_space<vmem>>, vector<16xi32>,
      %get3A_46 = vector.shape_cast %get3A_45 : vector<16xi32> to vector<16xi32>
      %eq3A_47 = arith.cmpi eq, %get3A_43, %get3A_46 : vector<16xi32>
      %jit3A_48 = arith.constant 10000 : i32
      %broadcast_in_dim3A_49 = vector.broadcast %jit3A_48 : i32 to vector<16xi32>
      %select_n3A_50 = arith.select %eq3A_47, %broadcast_in_dim3A_49, %get3A_43 : vector<16xi1>, vector<16xi32>
      %swap3A_51 = arith.constant 16 : index
      %swap3A_52 = tpu.vector_load %arg9[%swap3A_51] {strides = array<i32>} : memref<128xi32, #tpu.memory_space<vmem>>, vector<16xi32>,
      %swap3A_53 = vector.shape_cast %swap3A_52 : vector<16xi32> to vector<16xi32>
      %swap3A_54 = vector.shape_cast %select_n3A_50 : vector<16xi32> to vector<16xi32>
      tpu.vector_store %arg9[%swap3A_51], %swap3A_54 {strides = array<i32>} : memref<128xi32, #tpu.memory_space<vmem>>, vector<16xi32>,
      %get3A_55 = arith.constant 32 : index
      %get3A_56 = tpu.vector_load %arg9[%get3A_55] {strides = array<i32>} : memref<128xi32, #tpu.memory_space<vmem>>, vector<16xi32>,
      %get3A_57 = vector.shape_cast %get3A_56 : vector<16xi32> to vector<16xi32>
      %get3A_58 = arith.constant 32 : index
      %get3A_59 = tpu.vector_load %arg8[%get3A_58] {strides = array<i32>} : memref<128xi32, #tpu.memory_space<vmem>>, vector<16xi32>,
      %get3A_60 = vector.shape_cast %get3A_59 : vector<16xi32> to vector<16xi32>
      %eq3A_61 = arith.cmpi eq, %get3A_57, %get3A_60 : vector<16xi32>
      %jit3A_62 = arith.constant 10000 : i32
      %broadcast_in_dim3A_63 = vector.broadcast %jit3A_62 : i32 to vector<16xi32>
      %select_n3A_64 = arith.select %eq3A_61, %broadcast_in_dim3A_63, %get3A_57 : vector<16xi1>, vector<16xi32>
      %swap3A_65 = arith.constant 32 : index
      %swap3A_66 = tpu.vector_load %arg9[%swap3A_65] {strides = array<i32>} : memref<128xi32, #tpu.memory_space<vmem>>, vector<16xi32>,
      %swap3A_67 = vector.shape_cast %swap3A_66 : vector<16xi32> to vector<16xi32>
      %swap3A_68 = vector.shape_cast %select_n3A_64 : vector<16xi32> to vector<16xi32>
      tpu.vector_store %arg9[%swap3A_65], %swap3A_68 {strides = array<i32>} : memref<128xi32, #tpu.memory_space<vmem>>, vector<16xi32>,
      %get3A_69 = arith.constant 48 : index
      %get3A_70 = tpu.vector_load %arg9[%get3A_69] {strides = array<i32>} : memref<128xi32, #tpu.memory_space<vmem>>, vector<16xi32>,
      %get3A_71 = vector.shape_cast %get3A_70 : vector<16xi32> to vector<16xi32>
      %get3A_72 = arith.constant 48 : index
      %get3A_73 = tpu.vector_load %arg8[%get3A_72] {strides = array<i32>} : memref<128xi32, #tpu.memory_space<vmem>>, vector<16xi32>,
      %get3A_74 = vector.shape_cast %get3A_73 : vector<16xi32> to vector<16xi32>
      %eq3A_75 = arith.cmpi eq, %get3A_71, %get3A_74 : vector<16xi32>
      %jit3A_76 = arith.constant 10000 : i32
      %broadcast_in_dim3A_77 = vector.broadcast %jit3A_76 : i32 to vector<16xi32>
      %select_n3A_78 = arith.select %eq3A_75, %broadcast_in_dim3A_77, %get3A_71 : vector<16xi1>, vector<16xi32>
      %swap3A_79 = arith.constant 48 : index
      %swap3A_80 = tpu.vector_load %arg9[%swap3A_79] {strides = array<i32>} : memref<128xi32, #tpu.memory_space<vmem>>, vector<16xi32>,
      %swap3A_81 = vector.shape_cast %swap3A_80 : vector<16xi32> to vector<16xi32>
      %swap3A_82 = vector.shape_cast %select_n3A_78 : vector<16xi32> to vector<16xi32>
      tpu.vector_store %arg9[%swap3A_79], %swap3A_82 {strides = array<i32>} : memref<128xi32, #tpu.memory_space<vmem>>, vector<16xi32>,
      %get3A_83 = arith.constant 64 : index
      %get3A_84 = tpu.vector_load %arg9[%get3A_83] {strides = array<i32>} : memref<128xi32, #tpu.memory_space<vmem>>, vector<16xi32>,
      %get3A_85 = vector.shape_cast %get3A_84 : vector<16xi32> to vector<16xi32>
      %get3A_86 = arith.constant 64 : index
      %get3A_87 = tpu.vector_load %arg8[%get3A_86] {strides = array<i32>} : memref<128xi32, #tpu.memory_space<vmem>>, vector<16xi32>,
      %get3A_88 = vector.shape_cast %get3A_87 : vector<16xi32> to vector<16xi32>
      %eq3A_89 = arith.cmpi eq, %get3A_85, %get3A_88 : vector<16xi32>
      %jit3A_90 = arith.constant 10000 : i32
      %broadcast_in_dim3A_91 = vector.broadcast %jit3A_90 : i32 to vector<16xi32>
      %select_n3A_92 = arith.select %eq3A_89, %broadcast_in_dim3A_91, %get3A_85 : vector<16xi1>, vector<16xi32>
      %swap3A_93 = arith.constant 64 : index
      %swap3A_94 = tpu.vector_load %arg9[%swap3A_93] {strides = array<i32>} : memref<128xi32, #tpu.memory_space<vmem>>, vector<16xi32>,
      %swap3A_95 = vector.shape_cast %swap3A_94 : vector<16xi32> to vector<16xi32>
      %swap3A_96 = vector.shape_cast %select_n3A_92 : vector<16xi32> to vector<16xi32>
      tpu.vector_store %arg9[%swap3A_93], %swap3A_96 {strides = array<i32>} : memref<128xi32, #tpu.memory_space<vmem>>, vector<16xi32>,
      %get3A_97 = arith.constant 80 : index
      %get3A_98 = tpu.vector_load %arg9[%get3A_97] {strides = array<i32>} : memref<128xi32, #tpu.memory_space<vmem>>, vector<16xi32>,
      %get3A_99 = vector.shape_cast %get3A_98 : vector<16xi32> to vector<16xi32>
      %get3A_100 = arith.constant 80 : index
      %get3A_101 = tpu.vector_load %arg8[%get3A_100] {strides = array<i32>} : memref<128xi32, #tpu.memory_space<vmem>>, vector<16xi32>,
      %get3A_102 = vector.shape_cast %get3A_101 : vector<16xi32> to vector<16xi32>
      %eq3A_103 = arith.cmpi eq, %get3A_99, %get3A_102 : vector<16xi32>
      %jit3A_104 = arith.constant 10000 : i32
      %broadcast_in_dim3A_105 = vector.broadcast %jit3A_104 : i32 to vector<16xi32>
      %select_n3A_106 = arith.select %eq3A_103, %broadcast_in_dim3A_105, %get3A_99 : vector<16xi1>, vector<16xi32>
      %swap3A_107 = arith.constant 80 : index
      %swap3A_108 = tpu.vector_load %arg9[%swap3A_107] {strides = array<i32>} : memref<128xi32, #tpu.memory_space<vmem>>, vector<16xi32>,
      %swap3A_109 = vector.shape_cast %swap3A_108 : vector<16xi32> to vector<16xi32>
      %swap3A_110 = vector.shape_cast %select_n3A_106 : vector<16xi32> to vector<16xi32>
      tpu.vector_store %arg9[%swap3A_107], %swap3A_110 {strides = array<i32>} : memref<128xi32, #tpu.memory_space<vmem>>, vector<16xi32>,
      %get3A_111 = arith.constant 96 : index
      %get3A_112 = tpu.vector_load %arg9[%get3A_111] {strides = array<i32>} : memref<128xi32, #tpu.memory_space<vmem>>, vector<16xi32>,
      %get3A_113 = vector.shape_cast %get3A_112 : vector<16xi32> to vector<16xi32>
      %get3A_114 = arith.constant 96 : index
      %get3A_115 = tpu.vector_load %arg8[%get3A_114] {strides = array<i32>} : memref<128xi32, #tpu.memory_space<vmem>>, vector<16xi32>,
      %get3A_116 = vector.shape_cast %get3A_115 : vector<16xi32> to vector<16xi32>
      %eq3A_117 = arith.cmpi eq, %get3A_113, %get3A_116 : vector<16xi32>
      %jit3A_118 = arith.constant 10000 : i32
      %broadcast_in_dim3A_119 = vector.broadcast %jit3A_118 : i32 to vector<16xi32>
      %select_n3A_120 = arith.select %eq3A_117, %broadcast_in_dim3A_119, %get3A_113 : vector<16xi1>, vector<16xi32>
      %swap3A_121 = arith.constant 96 : index
      %swap3A_122 = tpu.vector_load %arg9[%swap3A_121] {strides = array<i32>} : memref<128xi32, #tpu.memory_space<vmem>>, vector<16xi32>,
      %swap3A_123 = vector.shape_cast %swap3A_122 : vector<16xi32> to vector<16xi32>
      %swap3A_124 = vector.shape_cast %select_n3A_120 : vector<16xi32> to vector<16xi32>
      tpu.vector_store %arg9[%swap3A_121], %swap3A_124 {strides = array<i32>} : memref<128xi32, #tpu.memory_space<vmem>>, vector<16xi32>,
      %get3A_125 = arith.constant 112 : index
      %get3A_126 = tpu.vector_load %arg9[%get3A_125] {strides = array<i32>} : memref<128xi32, #tpu.memory_space<vmem>>, vector<16xi32>,
      %get3A_127 = vector.shape_cast %get3A_126 : vector<16xi32> to vector<16xi32>
      %get3A_128 = arith.constant 112 : index
      %get3A_129 = tpu.vector_load %arg8[%get3A_128] {strides = array<i32>} : memref<128xi32, #tpu.memory_space<vmem>>, vector<16xi32>,
      %get3A_130 = vector.shape_cast %get3A_129 : vector<16xi32> to vector<16xi32>
      %eq3A_131 = arith.cmpi eq, %get3A_127, %get3A_130 : vector<16xi32>
      %jit3A_132 = arith.constant 10000 : i32
      %broadcast_in_dim3A_133 = vector.broadcast %jit3A_132 : i32 to vector<16xi32>
      %select_n3A_134 = arith.select %eq3A_131, %broadcast_in_dim3A_133, %get3A_127 : vector<16xi1>, vector<16xi32>
      %swap3A_135 = arith.constant 112 : index
      %swap3A_136 = tpu.vector_load %arg9[%swap3A_135] {strides = array<i32>} : memref<128xi32, #tpu.memory_space<vmem>>, vector<16xi32>,
      %swap3A_137 = vector.shape_cast %swap3A_136 : vector<16xi32> to vector<16xi32>
      %swap3A_138 = vector.shape_cast %select_n3A_134 : vector<16xi32> to vector<16xi32>
      tpu.vector_store %arg9[%swap3A_135], %swap3A_138 {strides = array<i32>} : memref<128xi32, #tpu.memory_space<vmem>>, vector<16xi32>,
      %dma_start3A = arith.constant 0 : i32
      %dma_start3A_139 = arith.constant 0 : i32
      %dma_start3A_140 = tpu.memref_slice %arg2[%dma_start3A, %dma_start3A_139] : memref<10000x128xf32, #tpu.memory_space<hbm>> -> memref<10000x128xf32, #tpu.memory_space<hbm>>
      tpu.enqueue_indirect_dma source(%dma_start3A_140 : memref<10000x128xf32, #tpu.memory_space<hbm>>) target(%arg10 : memref<128x128xf32, #tpu.memory_space<vmem>>) offsets(%arg8 : memref<128xi32, #tpu.memory_space<vmem>>) semaphore(%arg12 : memref<!tpu.dma_semaphore, #tpu.memory_space<semaphore_mem>>)
      %dma_wait3A = arith.constant 0 : i32
      %dma_wait3A_141 = arith.constant 0 : i32
      %dma_wait3A_142 = tpu.memref_slice %arg2[%dma_wait3A, %dma_wait3A_141] : memref<10000x128xf32, #tpu.memory_space<hbm>> -> memref<10000x128xf32, #tpu.memory_space<hbm>>
      tpu.wait_indirect_dma semaphore(%arg12 : memref<!tpu.dma_semaphore, #tpu.memory_space<semaphore_mem>>) src(%dma_wait3A_142 : memref<10000x128xf32, #tpu.memory_space<hbm>>) dst(%arg10 : memref<128x128xf32, #tpu.memory_space<vmem>>)
      "tpu.region"() ({
        %run_scoped3A = tpu.sem_alloc : memref<!tpu.dma_semaphore, #tpu.memory_space<semaphore_mem>>
        %dma_start3A_143 = arith.constant 0 : i32
        %dma_start3A_144 = arith.constant 0 : i32
        %dma_start3A_145 = tpu.memref_slice %arg11[%dma_start3A_143, %dma_start3A_144] : memref<10016x128xf32, #tpu.memory_space<vmem_shared>> -> memref<10016x128xf32, #tpu.memory_space<vmem_shared>>
        tpu.enqueue_indirect_dma source(%arg10 : memref<128x128xf32, #tpu.memory_space<vmem>>) target(%dma_start3A_145 : memref<10016x128xf32, #tpu.memory_space<vmem_shared>>) offsets(%arg9 : memref<128xi32, #tpu.memory_space<vmem>>) semaphore(%run_scoped3A : memref<!tpu.dma_semaphore, #tpu.memory_space<semaphore_mem>>) {add = true}
        %dma_wait3A_146 = arith.constant 0 : i32
        %dma_wait3A_147 = arith.constant 0 : i32
        %dma_wait3A_148 = tpu.memref_slice %arg11[%dma_wait3A_146, %dma_wait3A_147] : memref<10016x128xf32, #tpu.memory_space<vmem_shared>> -> memref<10016x128xf32, #tpu.memory_space<vmem_shared>>
        tpu.wait_indirect_dma semaphore(%run_scoped3A : memref<!tpu.dma_semaphore, #tpu.memory_space<semaphore_mem>>) src(%arg10 : memref<128x128xf32, #tpu.memory_space<vmem>>) dst(%dma_wait3A_148 : memref<10016x128xf32, #tpu.memory_space<vmem_shared>>)
        tpu.yield
      }) : () -> ()
    }
    %scan3A_12 = arith.constant 79 : i32
    %barrier3A_13 = arith.constant 0 : index
    tpu.barrier barrier_id(%barrier3A_13)
    %eq3A_14 = arith.constant 0 : i32
    %eq3A_15 = arith.cmpi eq, %arg0, %eq3A_14 : i32
    %convert_element_type3A_16 = arith.extui %eq3A_15 : i1 to i32
    %cond3A_17 = arith.constant 0 : i32
    %cond3A_18 = arith.cmpi ne, %convert_element_type3A_16, %cond3A_17 : i32
    scf.if %cond3A_18 {
      "tpu.region"() ({
        %run_scoped3A = tpu.sem_alloc : memref<!tpu.dma_semaphore, #tpu.memory_space<semaphore_mem>>
        %dma_start3A = arith.constant 0 : i32
        %dma_start3A_29 = tpu.memref_slice %arg6[%mul3A_0, %dma_start3A] : memref<10000x128xf32, #tpu.memory_space<hbm>> -> memref<624x128xf32, #tpu.memory_space<hbm>>
        %dma_start3A_30 = arith.constant 0 : i32
        %dma_start3A_31 = tpu.memref_slice %arg11[%mul3A_0, %dma_start3A_30] : memref<10016x128xf32, #tpu.memory_space<vmem_shared>> -> memref<624x128xf32, #tpu.memory_space<vmem_shared>>
        tpu.enqueue_dma source(%dma_start3A_31 : memref<624x128xf32, #tpu.memory_space<vmem_shared>>) target(%dma_start3A_29 : memref<624x128xf32, #tpu.memory_space<hbm>>) target_semaphore(%run_scoped3A : memref<!tpu.dma_semaphore, #tpu.memory_space<semaphore_mem>>)
        %dma_wait3A = arith.constant 0 : i32
        %dma_wait3A_32 = tpu.memref_slice %arg6[%mul3A_0, %dma_wait3A] : memref<10000x128xf32, #tpu.memory_space<hbm>> -> memref<624x128xf32, #tpu.memory_space<hbm>>
        %dma_wait3A_33 = arith.constant 0 : i32
        %dma_wait3A_34 = tpu.memref_slice %arg11[%mul3A_0, %dma_wait3A_33] : memref<10016x128xf32, #tpu.memory_space<vmem_shared>> -> memref<624x128xf32, #tpu.memory_space<vmem_shared>>
        tpu.wait_dma2 semaphore(%run_scoped3A : memref<!tpu.dma_semaphore, #tpu.memory_space<semaphore_mem>>) src(%dma_wait3A_34 : memref<624x128xf32, #tpu.memory_space<vmem_shared>>) dst(%dma_wait3A_32 : memref<624x128xf32, #tpu.memory_space<hbm>>)
        tpu.yield
      }) : () -> ()
      %eq3A_24 = arith.constant 0 : i32
      %eq3A_25 = arith.cmpi eq, %arg1, %eq3A_24 : i32
      %convert_element_type3A_26 = arith.extui %eq3A_25 : i1 to i32
      %cond3A_27 = arith.constant 0 : i32
      %cond3A_28 = arith.cmpi ne, %convert_element_type3A_26, %cond3A_27 : i32
      scf.if %cond3A_28 {
        "tpu.region"() ({
          %run_scoped3A = tpu.sem_alloc : memref<!tpu.dma_semaphore, #tpu.memory_space<semaphore_mem>>
          %dma_start3A = arith.constant 9984 : i32
          %dma_start3A_29 = arith.constant 0 : i32
          %dma_start3A_30 = tpu.memref_slice %arg6[%dma_start3A, %dma_start3A_29] : memref<10000x128xf32, #tpu.memory_space<hbm>> -> memref<16x128xf32, #tpu.memory_space<hbm>>
          %dma_start3A_31 = arith.constant 9984 : i32
          %dma_start3A_32 = arith.constant 0 : i32
          %dma_start3A_33 = tpu.memref_slice %arg11[%dma_start3A_31, %dma_start3A_32] : memref<10016x128xf32, #tpu.memory_space<vmem_shared>> -> memref<16x128xf32, #tpu.memory_space<vmem_shared>>
          tpu.enqueue_dma source(%dma_start3A_33 : memref<16x128xf32, #tpu.memory_space<vmem_shared>>) target(%dma_start3A_30 : memref<16x128xf32, #tpu.memory_space<hbm>>) target_semaphore(%run_scoped3A : memref<!tpu.dma_semaphore, #tpu.memory_space<semaphore_mem>>)
          %dma_wait3A = arith.constant 9984 : i32
          %dma_wait3A_34 = arith.constant 0 : i32
          %dma_wait3A_35 = tpu.memref_slice %arg6[%dma_wait3A, %dma_wait3A_34] : memref<10000x128xf32, #tpu.memory_space<hbm>> -> memref<16x128xf32, #tpu.memory_space<hbm>>
          %dma_wait3A_36 = arith.constant 9984 : i32
          %dma_wait3A_37 = arith.constant 0 : i32
          %dma_wait3A_38 = tpu.memref_slice %arg11[%dma_wait3A_36, %dma_wait3A_37] : memref<10016x128xf32, #tpu.memory_space<vmem_shared>> -> memref<16x128xf32, #tpu.memory_space<vmem_shared>>
          tpu.wait_dma2 semaphore(%run_scoped3A : memref<!tpu.dma_semaphore, #tpu.memory_space<semaphore_mem>>) src(%dma_wait3A_38 : memref<16x128xf32, #tpu.memory_space<vmem_shared>>) dst(%dma_wait3A_35 : memref<16x128xf32, #tpu.memory_space<hbm>>)
          tpu.yield
        }) : () -> ()
      } else {
      }
    } else {
    }
    %eq3A_19 = arith.constant 1 : i32
    %eq3A_20 = arith.cmpi eq, %arg0, %eq3A_19 : i32
    %convert_element_type3A_21 = arith.extui %eq3A_20 : i1 to i32
    %cond3A_22 = arith.constant 0 : i32
    %cond3A_23 = arith.cmpi ne, %convert_element_type3A_21, %cond3A_22 : i32
    scf.if %cond3A_23 {
      "tpu.region"() ({
        %run_scoped3A = tpu.sem_alloc : memref<!tpu.dma_semaphore, #tpu.memory_space<semaphore_mem>>
        %dma_start3A = arith.constant 0 : i32
        %dma_start3A_29 = tpu.memref_slice %arg7[%mul3A_0, %dma_start3A] : memref<10000x128xf32, #tpu.memory_space<hbm>> -> memref<624x128xf32, #tpu.memory_space<hbm>>
        %dma_start3A_30 = arith.constant 0 : i32
        %dma_start3A_31 = tpu.memref_slice %arg11[%mul3A_0, %dma_start3A_30] : memref<10016x128xf32, #tpu.memory_space<vmem_shared>> -> memref<624x128xf32, #tpu.memory_space<vmem_shared>>
        tpu.enqueue_dma source(%dma_start3A_31 : memref<624x128xf32, #tpu.memory_space<vmem_shared>>) target(%dma_start3A_29 : memref<624x128xf32, #tpu.memory_space<hbm>>) target_semaphore(%run_scoped3A : memref<!tpu.dma_semaphore, #tpu.memory_space<semaphore_mem>>)
        %dma_wait3A = arith.constant 0 : i32
        %dma_wait3A_32 = tpu.memref_slice %arg7[%mul3A_0, %dma_wait3A] : memref<10000x128xf32, #tpu.memory_space<hbm>> -> memref<624x128xf32, #tpu.memory_space<hbm>>
        %dma_wait3A_33 = arith.constant 0 : i32
        %dma_wait3A_34 = tpu.memref_slice %arg11[%mul3A_0, %dma_wait3A_33] : memref<10016x128xf32, #tpu.memory_space<vmem_shared>> -> memref<624x128xf32, #tpu.memory_space<vmem_shared>>
        tpu.wait_dma2 semaphore(%run_scoped3A : memref<!tpu.dma_semaphore, #tpu.memory_space<semaphore_mem>>) src(%dma_wait3A_34 : memref<624x128xf32, #tpu.memory_space<vmem_shared>>) dst(%dma_wait3A_32 : memref<624x128xf32, #tpu.memory_space<hbm>>)
        tpu.yield
      }) : () -> ()
      %eq3A_24 = arith.constant 0 : i32
      %eq3A_25 = arith.cmpi eq, %arg1, %eq3A_24 : i32
      %convert_element_type3A_26 = arith.extui %eq3A_25 : i1 to i32
      %cond3A_27 = arith.constant 0 : i32
      %cond3A_28 = arith.cmpi ne, %convert_element_type3A_26, %cond3A_27 : i32
      scf.if %cond3A_28 {
        "tpu.region"() ({
          %run_scoped3A = tpu.sem_alloc : memref<!tpu.dma_semaphore, #tpu.memory_space<semaphore_mem>>
          %dma_start3A = arith.constant 9984 : i32
          %dma_start3A_29 = arith.constant 0 : i32
          %dma_start3A_30 = tpu.memref_slice %arg7[%dma_start3A, %dma_start3A_29] : memref<10000x128xf32, #tpu.memory_space<hbm>> -> memref<16x128xf32, #tpu.memory_space<hbm>>
          %dma_start3A_31 = arith.constant 9984 : i32
          %dma_start3A_32 = arith.constant 0 : i32
          %dma_start3A_33 = tpu.memref_slice %arg11[%dma_start3A_31, %dma_start3A_32] : memref<10016x128xf32, #tpu.memory_space<vmem_shared>> -> memref<16x128xf32, #tpu.memory_space<vmem_shared>>
          tpu.enqueue_dma source(%dma_start3A_33 : memref<16x128xf32, #tpu.memory_space<vmem_shared>>) target(%dma_start3A_30 : memref<16x128xf32, #tpu.memory_space<hbm>>) target_semaphore(%run_scoped3A : memref<!tpu.dma_semaphore, #tpu.memory_space<semaphore_mem>>)
          %dma_wait3A = arith.constant 9984 : i32
          %dma_wait3A_34 = arith.constant 0 : i32
          %dma_wait3A_35 = tpu.memref_slice %arg7[%dma_wait3A, %dma_wait3A_34] : memref<10000x128xf32, #tpu.memory_space<hbm>> -> memref<16x128xf32, #tpu.memory_space<hbm>>
          %dma_wait3A_36 = arith.constant 9984 : i32
          %dma_wait3A_37 = arith.constant 0 : i32
          %dma_wait3A_38 = tpu.memref_slice %arg11[%dma_wait3A_36, %dma_wait3A_37] : memref<10016x128xf32, #tpu.memory_space<vmem_shared>> -> memref<16x128xf32, #tpu.memory_space<vmem_shared>>
          tpu.wait_dma2 semaphore(%run_scoped3A : memref<!tpu.dma_semaphore, #tpu.memory_space<semaphore_mem>>) src(%dma_wait3A_38 : memref<16x128xf32, #tpu.memory_space<vmem_shared>>) dst(%dma_wait3A_35 : memref<16x128xf32, #tpu.memory_space<hbm>>)
          tpu.yield
        }) : () -> ()
      } else {
      }
    } else {
    }
    return
  }
}

#map = affine_map<(d0, d1) -> (0, 0)>
#map1 = affine_map<(d0, d1) -> (0)>
module attributes {stable_mosaic.version = 14 : i64} {
  func.func @agg(%arg0: i32, %arg1: i32, %arg2: memref<10000x128xf32, #tpu.memory_space<hbm>>, %arg3: memref<10000x128xf32, #tpu.memory_space<hbm>>, %arg4: memref<323584xi32, #tpu.memory_space<hbm>>, %arg5: memref<323584xi32, #tpu.memory_space<hbm>>, %arg6: memref<10000x128xf32, #tpu.memory_space<hbm>>, %arg7: memref<10000x128xf32, #tpu.memory_space<hbm>>, %arg8: memref<128xi32, #tpu.memory_space<vmem>>, %arg9: memref<128xi32, #tpu.memory_space<vmem>>, %arg10: memref<128x128xf32, #tpu.memory_space<vmem>>, %arg11: memref<10016x128xf32, #tpu.memory_space<vmem_shared>>, %arg12: memref<!tpu.dma_semaphore, #tpu.memory_space<semaphore_mem>>) attributes {dimension_semantics = [#tpu.dimension_semantics<core_parallel>, #tpu.dimension_semantics<subcore_parallel>], iteration_bounds = array<i64: 2, 16>, scalar_prefetch = 0 : i64, scratch_operands = 5 : i64, tpu.core_type = #tpu.core_type<sc_vector_subcore>, window_params = [{transform_indices = #map}, {transform_indices = #map}, {transform_indices = #map1}, {transform_indices = #map1}, {transform_indices = #map}, {transform_indices = #map}]} {
    %eq3A = arith.constant 0 : i32
    %eq3A_0 = arith.cmpi eq, %arg0, %eq3A : i32
    %convert_element_type3A = arith.extui %eq3A_0 : i1 to i32
    %cond3A = arith.constant 0 : i32
    %cond3A_1 = arith.cmpi ne, %convert_element_type3A, %cond3A : i32
    scf.if %cond3A_1 {
      %mul3A = arith.constant 624 : i32
      %mul3A_7 = arith.muli %arg1, %mul3A : i32
      "tpu.region"() ({
        %run_scoped3A = tpu.sem_alloc : memref<!tpu.dma_semaphore, #tpu.memory_space<semaphore_mem>>
        %dma_start3A = arith.constant 0 : i32
        %dma_start3A_24 = tpu.memref_slice %arg11[%mul3A_7, %dma_start3A] : memref<10016x128xf32, #tpu.memory_space<vmem_shared>> -> memref<624x128xf32, #tpu.memory_space<vmem_shared>>
        %dma_start3A_25 = arith.constant 0 : i32
        %dma_start3A_26 = tpu.memref_slice %arg2[%mul3A_7, %dma_start3A_25] : memref<10000x128xf32, #tpu.memory_space<hbm>> -> memref<624x128xf32, #tpu.memory_space<hbm>>
        tpu.enqueue_dma source(%dma_start3A_26 : memref<624x128xf32, #tpu.memory_space<hbm>>) target(%dma_start3A_24 : memref<624x128xf32, #tpu.memory_space<vmem_shared>>) target_semaphore(%run_scoped3A : memref<!tpu.dma_semaphore, #tpu.memory_space<semaphore_mem>>)
        %dma_wait3A = arith.constant 0 : i32
        %dma_wait3A_27 = tpu.memref_slice %arg11[%mul3A_7, %dma_wait3A] : memref<10016x128xf32, #tpu.memory_space<vmem_shared>> -> memref<624x128xf32, #tpu.memory_space<vmem_shared>>
        %dma_wait3A_28 = arith.constant 0 : i32
        %dma_wait3A_29 = tpu.memref_slice %arg2[%mul3A_7, %dma_wait3A_28] : memref<10000x128xf32, #tpu.memory_space<hbm>> -> memref<624x128xf32, #tpu.memory_space<hbm>>
        tpu.wait_dma2 semaphore(%run_scoped3A : memref<!tpu.dma_semaphore, #tpu.memory_space<semaphore_mem>>) src(%dma_wait3A_29 : memref<624x128xf32, #tpu.memory_space<hbm>>) dst(%dma_wait3A_27 : memref<624x128xf32, #tpu.memory_space<vmem_shared>>)
        tpu.yield
      }) : () -> ()
      %eq3A_8 = arith.constant 0 : i32
      %eq3A_9 = arith.cmpi eq, %arg1, %eq3A_8 : i32
      %convert_element_type3A_10 = arith.extui %eq3A_9 : i1 to i32
      %cond3A_11 = arith.constant 0 : i32
      %cond3A_12 = arith.cmpi ne, %convert_element_type3A_10, %cond3A_11 : i32
      scf.if %cond3A_12 {
        "tpu.region"() ({
          %run_scoped3A = tpu.sem_alloc : memref<!tpu.dma_semaphore, #tpu.memory_space<semaphore_mem>>
          %dma_start3A = arith.constant 9984 : i32
          %dma_start3A_24 = arith.constant 0 : i32
          %dma_start3A_25 = tpu.memref_slice %arg11[%dma_start3A, %dma_start3A_24] : memref<10016x128xf32, #tpu.memory_space<vmem_shared>> -> memref<16x128xf32, #tpu.memory_space<vmem_shared>>
          %dma_start3A_26 = arith.constant 9984 : i32
          %dma_start3A_27 = arith.constant 0 : i32
          %dma_start3A_28 = tpu.memref_slice %arg2[%dma_start3A_26, %dma_start3A_27] : memref<10000x128xf32, #tpu.memory_space<hbm>> -> memref<16x128xf32, #tpu.memory_space<hbm>>
          tpu.enqueue_dma source(%dma_start3A_28 : memref<16x128xf32, #tpu.memory_space<hbm>>) target(%dma_start3A_25 : memref<16x128xf32, #tpu.memory_space<vmem_shared>>) target_semaphore(%run_scoped3A : memref<!tpu.dma_semaphore, #tpu.memory_space<semaphore_mem>>)
          %dma_wait3A = arith.constant 9984 : i32
          %dma_wait3A_29 = arith.constant 0 : i32
          %dma_wait3A_30 = tpu.memref_slice %arg11[%dma_wait3A, %dma_wait3A_29] : memref<10016x128xf32, #tpu.memory_space<vmem_shared>> -> memref<16x128xf32, #tpu.memory_space<vmem_shared>>
          %dma_wait3A_31 = arith.constant 9984 : i32
          %dma_wait3A_32 = arith.constant 0 : i32
          %dma_wait3A_33 = tpu.memref_slice %arg2[%dma_wait3A_31, %dma_wait3A_32] : memref<10000x128xf32, #tpu.memory_space<hbm>> -> memref<16x128xf32, #tpu.memory_space<hbm>>
          tpu.wait_dma2 semaphore(%run_scoped3A : memref<!tpu.dma_semaphore, #tpu.memory_space<semaphore_mem>>) src(%dma_wait3A_33 : memref<16x128xf32, #tpu.memory_space<hbm>>) dst(%dma_wait3A_30 : memref<16x128xf32, #tpu.memory_space<vmem_shared>>)
          tpu.yield
        }) : () -> ()
      } else {
      }
      %barrier3A = arith.constant 0 : index
      tpu.barrier barrier_id(%barrier3A)
      %scan3A = arith.constant 0 : i32
      %scan3A_13 = arith.constant 0 : i32
      %scan3A_14 = arith.constant 158 : i32
      %scan3A_15 = arith.addi %scan3A_13, %scan3A_14 : i32
      %scan3A_16 = arith.constant 1 : i32
      scf.for %scan3A_24 = %scan3A_13 to %scan3A_15 step %scan3A_16  : i32 {
        %mul3A_25 = arith.constant 20224 : i32
        %mul3A_26 = arith.muli %arg1, %mul3A_25 : i32
        %mul3A_27 = arith.constant 128 : i32
        %mul3A_28 = arith.muli %scan3A_24, %mul3A_27 : i32
        %add3A = arith.addi %mul3A_26, %mul3A_28 : i32
        "tpu.region"() ({
          %run_scoped3A = tpu.sem_alloc : memref<!tpu.dma_semaphore, #tpu.memory_space<semaphore_mem>>
          %dma_start3A_140 = tpu.memref_slice %arg5[%add3A] : memref<323584xi32, #tpu.memory_space<hbm>> -> memref<128xi32, #tpu.memory_space<hbm>>
          %dma_start3A_141 = tpu.memref_slice %arg5[%add3A] : memref<323584xi32, #tpu.memory_space<hbm>> -> memref<128xi32, #tpu.memory_space<hbm>>
          tpu.enqueue_dma source(%dma_start3A_141 : memref<128xi32, #tpu.memory_space<hbm>>) target(%arg8 : memref<128xi32, #tpu.memory_space<vmem>>) target_semaphore(%run_scoped3A : memref<!tpu.dma_semaphore, #tpu.memory_space<semaphore_mem>>)
          %dma_wait3A_142 = tpu.memref_slice %arg5[%add3A] : memref<323584xi32, #tpu.memory_space<hbm>> -> memref<128xi32, #tpu.memory_space<hbm>>
          %dma_wait3A_143 = tpu.memref_slice %arg5[%add3A] : memref<323584xi32, #tpu.memory_space<hbm>> -> memref<128xi32, #tpu.memory_space<hbm>>
          tpu.wait_dma2 semaphore(%run_scoped3A : memref<!tpu.dma_semaphore, #tpu.memory_space<semaphore_mem>>) src(%dma_wait3A_143 : memref<128xi32, #tpu.memory_space<hbm>>) dst(%arg8 : memref<128xi32, #tpu.memory_space<vmem>>)
          tpu.yield
        }) : () -> ()
        "tpu.region"() ({
          %run_scoped3A = tpu.sem_alloc : memref<!tpu.dma_semaphore, #tpu.memory_space<semaphore_mem>>
          %dma_start3A_140 = tpu.memref_slice %arg4[%add3A] : memref<323584xi32, #tpu.memory_space<hbm>> -> memref<128xi32, #tpu.memory_space<hbm>>
          %dma_start3A_141 = tpu.memref_slice %arg4[%add3A] : memref<323584xi32, #tpu.memory_space<hbm>> -> memref<128xi32, #tpu.memory_space<hbm>>
          tpu.enqueue_dma source(%dma_start3A_141 : memref<128xi32, #tpu.memory_space<hbm>>) target(%arg9 : memref<128xi32, #tpu.memory_space<vmem>>) target_semaphore(%run_scoped3A : memref<!tpu.dma_semaphore, #tpu.memory_space<semaphore_mem>>)
          %dma_wait3A_142 = tpu.memref_slice %arg4[%add3A] : memref<323584xi32, #tpu.memory_space<hbm>> -> memref<128xi32, #tpu.memory_space<hbm>>
          %dma_wait3A_143 = tpu.memref_slice %arg4[%add3A] : memref<323584xi32, #tpu.memory_space<hbm>> -> memref<128xi32, #tpu.memory_space<hbm>>
          tpu.wait_dma2 semaphore(%run_scoped3A : memref<!tpu.dma_semaphore, #tpu.memory_space<semaphore_mem>>) src(%dma_wait3A_143 : memref<128xi32, #tpu.memory_space<hbm>>) dst(%arg9 : memref<128xi32, #tpu.memory_space<vmem>>)
          tpu.yield
        }) : () -> ()
        %get3A = arith.constant 0 : index
        %get3A_29 = tpu.vector_load %arg9[%get3A] {strides = array<i32>} : memref<128xi32, #tpu.memory_space<vmem>>, vector<16xi32>,
        %get3A_30 = vector.shape_cast %get3A_29 : vector<16xi32> to vector<16xi32>
        %get3A_31 = arith.constant 0 : index
        %get3A_32 = tpu.vector_load %arg8[%get3A_31] {strides = array<i32>} : memref<128xi32, #tpu.memory_space<vmem>>, vector<16xi32>,
        %get3A_33 = vector.shape_cast %get3A_32 : vector<16xi32> to vector<16xi32>
        %eq3A_34 = arith.cmpi eq, %get3A_30, %get3A_33 : vector<16xi32>
        %jit3A = arith.constant 10000 : i32
        %broadcast_in_dim3A = vector.broadcast %jit3A : i32 to vector<16xi32>
        %select_n3A = arith.select %eq3A_34, %broadcast_in_dim3A, %get3A_30 : vector<16xi1>, vector<16xi32>
        %swap3A = arith.constant 0 : index
        %swap3A_35 = tpu.vector_load %arg9[%swap3A] {strides = array<i32>} : memref<128xi32, #tpu.memory_space<vmem>>, vector<16xi32>,
        %swap3A_36 = vector.shape_cast %swap3A_35 : vector<16xi32> to vector<16xi32>
        %swap3A_37 = vector.shape_cast %select_n3A : vector<16xi32> to vector<16xi32>
        tpu.vector_store %arg9[%swap3A], %swap3A_37 {strides = array<i32>} : memref<128xi32, #tpu.memory_space<vmem>>, vector<16xi32>,
        %get3A_38 = arith.constant 16 : index
        %get3A_39 = tpu.vector_load %arg9[%get3A_38] {strides = array<i32>} : memref<128xi32, #tpu.memory_space<vmem>>, vector<16xi32>,
        %get3A_40 = vector.shape_cast %get3A_39 : vector<16xi32> to vector<16xi32>
        %get3A_41 = arith.constant 16 : index
        %get3A_42 = tpu.vector_load %arg8[%get3A_41] {strides = array<i32>} : memref<128xi32, #tpu.memory_space<vmem>>, vector<16xi32>,
        %get3A_43 = vector.shape_cast %get3A_42 : vector<16xi32> to vector<16xi32>
        %eq3A_44 = arith.cmpi eq, %get3A_40, %get3A_43 : vector<16xi32>
        %jit3A_45 = arith.constant 10000 : i32
        %broadcast_in_dim3A_46 = vector.broadcast %jit3A_45 : i32 to vector<16xi32>
        %select_n3A_47 = arith.select %eq3A_44, %broadcast_in_dim3A_46, %get3A_40 : vector<16xi1>, vector<16xi32>
        %swap3A_48 = arith.constant 16 : index
        %swap3A_49 = tpu.vector_load %arg9[%swap3A_48] {strides = array<i32>} : memref<128xi32, #tpu.memory_space<vmem>>, vector<16xi32>,
        %swap3A_50 = vector.shape_cast %swap3A_49 : vector<16xi32> to vector<16xi32>
        %swap3A_51 = vector.shape_cast %select_n3A_47 : vector<16xi32> to vector<16xi32>
        tpu.vector_store %arg9[%swap3A_48], %swap3A_51 {strides = array<i32>} : memref<128xi32, #tpu.memory_space<vmem>>, vector<16xi32>,
        %get3A_52 = arith.constant 32 : index
        %get3A_53 = tpu.vector_load %arg9[%get3A_52] {strides = array<i32>} : memref<128xi32, #tpu.memory_space<vmem>>, vector<16xi32>,
        %get3A_54 = vector.shape_cast %get3A_53 : vector<16xi32> to vector<16xi32>
        %get3A_55 = arith.constant 32 : index
        %get3A_56 = tpu.vector_load %arg8[%get3A_55] {strides = array<i32>} : memref<128xi32, #tpu.memory_space<vmem>>, vector<16xi32>,
        %get3A_57 = vector.shape_cast %get3A_56 : vector<16xi32> to vector<16xi32>
        %eq3A_58 = arith.cmpi eq, %get3A_54, %get3A_57 : vector<16xi32>
        %jit3A_59 = arith.constant 10000 : i32
        %broadcast_in_dim3A_60 = vector.broadcast %jit3A_59 : i32 to vector<16xi32>
        %select_n3A_61 = arith.select %eq3A_58, %broadcast_in_dim3A_60, %get3A_54 : vector<16xi1>, vector<16xi32>
        %swap3A_62 = arith.constant 32 : index
        %swap3A_63 = tpu.vector_load %arg9[%swap3A_62] {strides = array<i32>} : memref<128xi32, #tpu.memory_space<vmem>>, vector<16xi32>,
        %swap3A_64 = vector.shape_cast %swap3A_63 : vector<16xi32> to vector<16xi32>
        %swap3A_65 = vector.shape_cast %select_n3A_61 : vector<16xi32> to vector<16xi32>
        tpu.vector_store %arg9[%swap3A_62], %swap3A_65 {strides = array<i32>} : memref<128xi32, #tpu.memory_space<vmem>>, vector<16xi32>,
        %get3A_66 = arith.constant 48 : index
        %get3A_67 = tpu.vector_load %arg9[%get3A_66] {strides = array<i32>} : memref<128xi32, #tpu.memory_space<vmem>>, vector<16xi32>,
        %get3A_68 = vector.shape_cast %get3A_67 : vector<16xi32> to vector<16xi32>
        %get3A_69 = arith.constant 48 : index
        %get3A_70 = tpu.vector_load %arg8[%get3A_69] {strides = array<i32>} : memref<128xi32, #tpu.memory_space<vmem>>, vector<16xi32>,
        %get3A_71 = vector.shape_cast %get3A_70 : vector<16xi32> to vector<16xi32>
        %eq3A_72 = arith.cmpi eq, %get3A_68, %get3A_71 : vector<16xi32>
        %jit3A_73 = arith.constant 10000 : i32
        %broadcast_in_dim3A_74 = vector.broadcast %jit3A_73 : i32 to vector<16xi32>
        %select_n3A_75 = arith.select %eq3A_72, %broadcast_in_dim3A_74, %get3A_68 : vector<16xi1>, vector<16xi32>
        %swap3A_76 = arith.constant 48 : index
        %swap3A_77 = tpu.vector_load %arg9[%swap3A_76] {strides = array<i32>} : memref<128xi32, #tpu.memory_space<vmem>>, vector<16xi32>,
        %swap3A_78 = vector.shape_cast %swap3A_77 : vector<16xi32> to vector<16xi32>
        %swap3A_79 = vector.shape_cast %select_n3A_75 : vector<16xi32> to vector<16xi32>
        tpu.vector_store %arg9[%swap3A_76], %swap3A_79 {strides = array<i32>} : memref<128xi32, #tpu.memory_space<vmem>>, vector<16xi32>,
        %get3A_80 = arith.constant 64 : index
        %get3A_81 = tpu.vector_load %arg9[%get3A_80] {strides = array<i32>} : memref<128xi32, #tpu.memory_space<vmem>>, vector<16xi32>,
        %get3A_82 = vector.shape_cast %get3A_81 : vector<16xi32> to vector<16xi32>
        %get3A_83 = arith.constant 64 : index
        %get3A_84 = tpu.vector_load %arg8[%get3A_83] {strides = array<i32>} : memref<128xi32, #tpu.memory_space<vmem>>, vector<16xi32>,
        %get3A_85 = vector.shape_cast %get3A_84 : vector<16xi32> to vector<16xi32>
        %eq3A_86 = arith.cmpi eq, %get3A_82, %get3A_85 : vector<16xi32>
        %jit3A_87 = arith.constant 10000 : i32
        %broadcast_in_dim3A_88 = vector.broadcast %jit3A_87 : i32 to vector<16xi32>
        %select_n3A_89 = arith.select %eq3A_86, %broadcast_in_dim3A_88, %get3A_82 : vector<16xi1>, vector<16xi32>
        %swap3A_90 = arith.constant 64 : index
        %swap3A_91 = tpu.vector_load %arg9[%swap3A_90] {strides = array<i32>} : memref<128xi32, #tpu.memory_space<vmem>>, vector<16xi32>,
        %swap3A_92 = vector.shape_cast %swap3A_91 : vector<16xi32> to vector<16xi32>
        %swap3A_93 = vector.shape_cast %select_n3A_89 : vector<16xi32> to vector<16xi32>
        tpu.vector_store %arg9[%swap3A_90], %swap3A_93 {strides = array<i32>} : memref<128xi32, #tpu.memory_space<vmem>>, vector<16xi32>,
        %get3A_94 = arith.constant 80 : index
        %get3A_95 = tpu.vector_load %arg9[%get3A_94] {strides = array<i32>} : memref<128xi32, #tpu.memory_space<vmem>>, vector<16xi32>,
        %get3A_96 = vector.shape_cast %get3A_95 : vector<16xi32> to vector<16xi32>
        %get3A_97 = arith.constant 80 : index
        %get3A_98 = tpu.vector_load %arg8[%get3A_97] {strides = array<i32>} : memref<128xi32, #tpu.memory_space<vmem>>, vector<16xi32>,
        %get3A_99 = vector.shape_cast %get3A_98 : vector<16xi32> to vector<16xi32>
        %eq3A_100 = arith.cmpi eq, %get3A_96, %get3A_99 : vector<16xi32>
        %jit3A_101 = arith.constant 10000 : i32
        %broadcast_in_dim3A_102 = vector.broadcast %jit3A_101 : i32 to vector<16xi32>
        %select_n3A_103 = arith.select %eq3A_100, %broadcast_in_dim3A_102, %get3A_96 : vector<16xi1>, vector<16xi32>
        %swap3A_104 = arith.constant 80 : index
        %swap3A_105 = tpu.vector_load %arg9[%swap3A_104] {strides = array<i32>} : memref<128xi32, #tpu.memory_space<vmem>>, vector<16xi32>,
        %swap3A_106 = vector.shape_cast %swap3A_105 : vector<16xi32> to vector<16xi32>
        %swap3A_107 = vector.shape_cast %select_n3A_103 : vector<16xi32> to vector<16xi32>
        tpu.vector_store %arg9[%swap3A_104], %swap3A_107 {strides = array<i32>} : memref<128xi32, #tpu.memory_space<vmem>>, vector<16xi32>,
        %get3A_108 = arith.constant 96 : index
        %get3A_109 = tpu.vector_load %arg9[%get3A_108] {strides = array<i32>} : memref<128xi32, #tpu.memory_space<vmem>>, vector<16xi32>,
        %get3A_110 = vector.shape_cast %get3A_109 : vector<16xi32> to vector<16xi32>
        %get3A_111 = arith.constant 96 : index
        %get3A_112 = tpu.vector_load %arg8[%get3A_111] {strides = array<i32>} : memref<128xi32, #tpu.memory_space<vmem>>, vector<16xi32>,
        %get3A_113 = vector.shape_cast %get3A_112 : vector<16xi32> to vector<16xi32>
        %eq3A_114 = arith.cmpi eq, %get3A_110, %get3A_113 : vector<16xi32>
        %jit3A_115 = arith.constant 10000 : i32
        %broadcast_in_dim3A_116 = vector.broadcast %jit3A_115 : i32 to vector<16xi32>
        %select_n3A_117 = arith.select %eq3A_114, %broadcast_in_dim3A_116, %get3A_110 : vector<16xi1>, vector<16xi32>
        %swap3A_118 = arith.constant 96 : index
        %swap3A_119 = tpu.vector_load %arg9[%swap3A_118] {strides = array<i32>} : memref<128xi32, #tpu.memory_space<vmem>>, vector<16xi32>,
        %swap3A_120 = vector.shape_cast %swap3A_119 : vector<16xi32> to vector<16xi32>
        %swap3A_121 = vector.shape_cast %select_n3A_117 : vector<16xi32> to vector<16xi32>
        tpu.vector_store %arg9[%swap3A_118], %swap3A_121 {strides = array<i32>} : memref<128xi32, #tpu.memory_space<vmem>>, vector<16xi32>,
        %get3A_122 = arith.constant 112 : index
        %get3A_123 = tpu.vector_load %arg9[%get3A_122] {strides = array<i32>} : memref<128xi32, #tpu.memory_space<vmem>>, vector<16xi32>,
        %get3A_124 = vector.shape_cast %get3A_123 : vector<16xi32> to vector<16xi32>
        %get3A_125 = arith.constant 112 : index
        %get3A_126 = tpu.vector_load %arg8[%get3A_125] {strides = array<i32>} : memref<128xi32, #tpu.memory_space<vmem>>, vector<16xi32>,
        %get3A_127 = vector.shape_cast %get3A_126 : vector<16xi32> to vector<16xi32>
        %eq3A_128 = arith.cmpi eq, %get3A_124, %get3A_127 : vector<16xi32>
        %jit3A_129 = arith.constant 10000 : i32
        %broadcast_in_dim3A_130 = vector.broadcast %jit3A_129 : i32 to vector<16xi32>
        %select_n3A_131 = arith.select %eq3A_128, %broadcast_in_dim3A_130, %get3A_124 : vector<16xi1>, vector<16xi32>
        %swap3A_132 = arith.constant 112 : index
        %swap3A_133 = tpu.vector_load %arg9[%swap3A_132] {strides = array<i32>} : memref<128xi32, #tpu.memory_space<vmem>>, vector<16xi32>,
        %swap3A_134 = vector.shape_cast %swap3A_133 : vector<16xi32> to vector<16xi32>
        %swap3A_135 = vector.shape_cast %select_n3A_131 : vector<16xi32> to vector<16xi32>
        tpu.vector_store %arg9[%swap3A_132], %swap3A_135 {strides = array<i32>} : memref<128xi32, #tpu.memory_space<vmem>>, vector<16xi32>,
        %dma_start3A = arith.constant 0 : i32
        %dma_start3A_136 = arith.constant 0 : i32
        %dma_start3A_137 = tpu.memref_slice %arg2[%dma_start3A, %dma_start3A_136] : memref<10000x128xf32, #tpu.memory_space<hbm>> -> memref<10000x128xf32, #tpu.memory_space<hbm>>
        tpu.enqueue_indirect_dma source(%dma_start3A_137 : memref<10000x128xf32, #tpu.memory_space<hbm>>) target(%arg10 : memref<128x128xf32, #tpu.memory_space<vmem>>) offsets(%arg8 : memref<128xi32, #tpu.memory_space<vmem>>) semaphore(%arg12 : memref<!tpu.dma_semaphore, #tpu.memory_space<semaphore_mem>>)
        %dma_wait3A = arith.constant 0 : i32
        %dma_wait3A_138 = arith.constant 0 : i32
        %dma_wait3A_139 = tpu.memref_slice %arg2[%dma_wait3A, %dma_wait3A_138] : memref<10000x128xf32, #tpu.memory_space<hbm>> -> memref<10000x128xf32, #tpu.memory_space<hbm>>
        tpu.wait_indirect_dma semaphore(%arg12 : memref<!tpu.dma_semaphore, #tpu.memory_space<semaphore_mem>>) src(%dma_wait3A_139 : memref<10000x128xf32, #tpu.memory_space<hbm>>) dst(%arg10 : memref<128x128xf32, #tpu.memory_space<vmem>>)
        "tpu.region"() ({
          %run_scoped3A = tpu.sem_alloc : memref<!tpu.dma_semaphore, #tpu.memory_space<semaphore_mem>>
          %dma_start3A_140 = arith.constant 0 : i32
          %dma_start3A_141 = arith.constant 0 : i32
          %dma_start3A_142 = tpu.memref_slice %arg11[%dma_start3A_140, %dma_start3A_141] : memref<10016x128xf32, #tpu.memory_space<vmem_shared>> -> memref<10016x128xf32, #tpu.memory_space<vmem_shared>>
          tpu.enqueue_indirect_dma source(%arg10 : memref<128x128xf32, #tpu.memory_space<vmem>>) target(%dma_start3A_142 : memref<10016x128xf32, #tpu.memory_space<vmem_shared>>) offsets(%arg9 : memref<128xi32, #tpu.memory_space<vmem>>) semaphore(%run_scoped3A : memref<!tpu.dma_semaphore, #tpu.memory_space<semaphore_mem>>) {add = true}
          %dma_wait3A_143 = arith.constant 0 : i32
          %dma_wait3A_144 = arith.constant 0 : i32
          %dma_wait3A_145 = tpu.memref_slice %arg11[%dma_wait3A_143, %dma_wait3A_144] : memref<10016x128xf32, #tpu.memory_space<vmem_shared>> -> memref<10016x128xf32, #tpu.memory_space<vmem_shared>>
          tpu.wait_indirect_dma semaphore(%run_scoped3A : memref<!tpu.dma_semaphore, #tpu.memory_space<semaphore_mem>>) src(%arg10 : memref<128x128xf32, #tpu.memory_space<vmem>>) dst(%dma_wait3A_145 : memref<10016x128xf32, #tpu.memory_space<vmem_shared>>)
          tpu.yield
        }) : () -> ()
      }
      %scan3A_17 = arith.constant 158 : i32
      %barrier3A_18 = arith.constant 0 : index
      tpu.barrier barrier_id(%barrier3A_18)
      "tpu.region"() ({
        %run_scoped3A = tpu.sem_alloc : memref<!tpu.dma_semaphore, #tpu.memory_space<semaphore_mem>>
        %dma_start3A = arith.constant 0 : i32
        %dma_start3A_24 = tpu.memref_slice %arg6[%mul3A_7, %dma_start3A] : memref<10000x128xf32, #tpu.memory_space<hbm>> -> memref<624x128xf32, #tpu.memory_space<hbm>>
        %dma_start3A_25 = arith.constant 0 : i32
        %dma_start3A_26 = tpu.memref_slice %arg11[%mul3A_7, %dma_start3A_25] : memref<10016x128xf32, #tpu.memory_space<vmem_shared>> -> memref<624x128xf32, #tpu.memory_space<vmem_shared>>
        tpu.enqueue_dma source(%dma_start3A_26 : memref<624x128xf32, #tpu.memory_space<vmem_shared>>) target(%dma_start3A_24 : memref<624x128xf32, #tpu.memory_space<hbm>>) target_semaphore(%run_scoped3A : memref<!tpu.dma_semaphore, #tpu.memory_space<semaphore_mem>>)
        %dma_wait3A = arith.constant 0 : i32
        %dma_wait3A_27 = tpu.memref_slice %arg6[%mul3A_7, %dma_wait3A] : memref<10000x128xf32, #tpu.memory_space<hbm>> -> memref<624x128xf32, #tpu.memory_space<hbm>>
        %dma_wait3A_28 = arith.constant 0 : i32
        %dma_wait3A_29 = tpu.memref_slice %arg11[%mul3A_7, %dma_wait3A_28] : memref<10016x128xf32, #tpu.memory_space<vmem_shared>> -> memref<624x128xf32, #tpu.memory_space<vmem_shared>>
        tpu.wait_dma2 semaphore(%run_scoped3A : memref<!tpu.dma_semaphore, #tpu.memory_space<semaphore_mem>>) src(%dma_wait3A_29 : memref<624x128xf32, #tpu.memory_space<vmem_shared>>) dst(%dma_wait3A_27 : memref<624x128xf32, #tpu.memory_space<hbm>>)
        tpu.yield
      }) : () -> ()
      %eq3A_19 = arith.constant 0 : i32
      %eq3A_20 = arith.cmpi eq, %arg1, %eq3A_19 : i32
      %convert_element_type3A_21 = arith.extui %eq3A_20 : i1 to i32
      %cond3A_22 = arith.constant 0 : i32
      %cond3A_23 = arith.cmpi ne, %convert_element_type3A_21, %cond3A_22 : i32
      scf.if %cond3A_23 {
        "tpu.region"() ({
          %run_scoped3A = tpu.sem_alloc : memref<!tpu.dma_semaphore, #tpu.memory_space<semaphore_mem>>
          %dma_start3A = arith.constant 9984 : i32
          %dma_start3A_24 = arith.constant 0 : i32
          %dma_start3A_25 = tpu.memref_slice %arg6[%dma_start3A, %dma_start3A_24] : memref<10000x128xf32, #tpu.memory_space<hbm>> -> memref<16x128xf32, #tpu.memory_space<hbm>>
          %dma_start3A_26 = arith.constant 9984 : i32
          %dma_start3A_27 = arith.constant 0 : i32
          %dma_start3A_28 = tpu.memref_slice %arg11[%dma_start3A_26, %dma_start3A_27] : memref<10016x128xf32, #tpu.memory_space<vmem_shared>> -> memref<16x128xf32, #tpu.memory_space<vmem_shared>>
          tpu.enqueue_dma source(%dma_start3A_28 : memref<16x128xf32, #tpu.memory_space<vmem_shared>>) target(%dma_start3A_25 : memref<16x128xf32, #tpu.memory_space<hbm>>) target_semaphore(%run_scoped3A : memref<!tpu.dma_semaphore, #tpu.memory_space<semaphore_mem>>)
          %dma_wait3A = arith.constant 9984 : i32
          %dma_wait3A_29 = arith.constant 0 : i32
          %dma_wait3A_30 = tpu.memref_slice %arg6[%dma_wait3A, %dma_wait3A_29] : memref<10000x128xf32, #tpu.memory_space<hbm>> -> memref<16x128xf32, #tpu.memory_space<hbm>>
          %dma_wait3A_31 = arith.constant 9984 : i32
          %dma_wait3A_32 = arith.constant 0 : i32
          %dma_wait3A_33 = tpu.memref_slice %arg11[%dma_wait3A_31, %dma_wait3A_32] : memref<10016x128xf32, #tpu.memory_space<vmem_shared>> -> memref<16x128xf32, #tpu.memory_space<vmem_shared>>
          tpu.wait_dma2 semaphore(%run_scoped3A : memref<!tpu.dma_semaphore, #tpu.memory_space<semaphore_mem>>) src(%dma_wait3A_33 : memref<16x128xf32, #tpu.memory_space<vmem_shared>>) dst(%dma_wait3A_30 : memref<16x128xf32, #tpu.memory_space<hbm>>)
          tpu.yield
        }) : () -> ()
      } else {
      }
    } else {
    }
    %eq3A_2 = arith.constant 1 : i32
    %eq3A_3 = arith.cmpi eq, %arg0, %eq3A_2 : i32
    %convert_element_type3A_4 = arith.extui %eq3A_3 : i1 to i32
    %cond3A_5 = arith.constant 0 : i32
    %cond3A_6 = arith.cmpi ne, %convert_element_type3A_4, %cond3A_5 : i32
    scf.if %cond3A_6 {
      %mul3A = arith.constant 624 : i32
      %mul3A_7 = arith.muli %arg1, %mul3A : i32
      "tpu.region"() ({
        %run_scoped3A = tpu.sem_alloc : memref<!tpu.dma_semaphore, #tpu.memory_space<semaphore_mem>>
        %dma_start3A = arith.constant 0 : i32
        %dma_start3A_24 = tpu.memref_slice %arg11[%mul3A_7, %dma_start3A] : memref<10016x128xf32, #tpu.memory_space<vmem_shared>> -> memref<624x128xf32, #tpu.memory_space<vmem_shared>>
        %dma_start3A_25 = arith.constant 0 : i32
        %dma_start3A_26 = tpu.memref_slice %arg3[%mul3A_7, %dma_start3A_25] : memref<10000x128xf32, #tpu.memory_space<hbm>> -> memref<624x128xf32, #tpu.memory_space<hbm>>
        tpu.enqueue_dma source(%dma_start3A_26 : memref<624x128xf32, #tpu.memory_space<hbm>>) target(%dma_start3A_24 : memref<624x128xf32, #tpu.memory_space<vmem_shared>>) target_semaphore(%run_scoped3A : memref<!tpu.dma_semaphore, #tpu.memory_space<semaphore_mem>>)
        %dma_wait3A = arith.constant 0 : i32
        %dma_wait3A_27 = tpu.memref_slice %arg11[%mul3A_7, %dma_wait3A] : memref<10016x128xf32, #tpu.memory_space<vmem_shared>> -> memref<624x128xf32, #tpu.memory_space<vmem_shared>>
        %dma_wait3A_28 = arith.constant 0 : i32
        %dma_wait3A_29 = tpu.memref_slice %arg3[%mul3A_7, %dma_wait3A_28] : memref<10000x128xf32, #tpu.memory_space<hbm>> -> memref<624x128xf32, #tpu.memory_space<hbm>>
        tpu.wait_dma2 semaphore(%run_scoped3A : memref<!tpu.dma_semaphore, #tpu.memory_space<semaphore_mem>>) src(%dma_wait3A_29 : memref<624x128xf32, #tpu.memory_space<hbm>>) dst(%dma_wait3A_27 : memref<624x128xf32, #tpu.memory_space<vmem_shared>>)
        tpu.yield
      }) : () -> ()
      %eq3A_8 = arith.constant 0 : i32
      %eq3A_9 = arith.cmpi eq, %arg1, %eq3A_8 : i32
      %convert_element_type3A_10 = arith.extui %eq3A_9 : i1 to i32
      %cond3A_11 = arith.constant 0 : i32
      %cond3A_12 = arith.cmpi ne, %convert_element_type3A_10, %cond3A_11 : i32
      scf.if %cond3A_12 {
        "tpu.region"() ({
          %run_scoped3A = tpu.sem_alloc : memref<!tpu.dma_semaphore, #tpu.memory_space<semaphore_mem>>
          %dma_start3A = arith.constant 9984 : i32
          %dma_start3A_24 = arith.constant 0 : i32
          %dma_start3A_25 = tpu.memref_slice %arg11[%dma_start3A, %dma_start3A_24] : memref<10016x128xf32, #tpu.memory_space<vmem_shared>> -> memref<16x128xf32, #tpu.memory_space<vmem_shared>>
          %dma_start3A_26 = arith.constant 9984 : i32
          %dma_start3A_27 = arith.constant 0 : i32
          %dma_start3A_28 = tpu.memref_slice %arg3[%dma_start3A_26, %dma_start3A_27] : memref<10000x128xf32, #tpu.memory_space<hbm>> -> memref<16x128xf32, #tpu.memory_space<hbm>>
          tpu.enqueue_dma source(%dma_start3A_28 : memref<16x128xf32, #tpu.memory_space<hbm>>) target(%dma_start3A_25 : memref<16x128xf32, #tpu.memory_space<vmem_shared>>) target_semaphore(%run_scoped3A : memref<!tpu.dma_semaphore, #tpu.memory_space<semaphore_mem>>)
          %dma_wait3A = arith.constant 9984 : i32
          %dma_wait3A_29 = arith.constant 0 : i32
          %dma_wait3A_30 = tpu.memref_slice %arg11[%dma_wait3A, %dma_wait3A_29] : memref<10016x128xf32, #tpu.memory_space<vmem_shared>> -> memref<16x128xf32, #tpu.memory_space<vmem_shared>>
          %dma_wait3A_31 = arith.constant 9984 : i32
          %dma_wait3A_32 = arith.constant 0 : i32
          %dma_wait3A_33 = tpu.memref_slice %arg3[%dma_wait3A_31, %dma_wait3A_32] : memref<10000x128xf32, #tpu.memory_space<hbm>> -> memref<16x128xf32, #tpu.memory_space<hbm>>
          tpu.wait_dma2 semaphore(%run_scoped3A : memref<!tpu.dma_semaphore, #tpu.memory_space<semaphore_mem>>) src(%dma_wait3A_33 : memref<16x128xf32, #tpu.memory_space<hbm>>) dst(%dma_wait3A_30 : memref<16x128xf32, #tpu.memory_space<vmem_shared>>)
          tpu.yield
        }) : () -> ()
      } else {
      }
      %barrier3A = arith.constant 0 : index
      tpu.barrier barrier_id(%barrier3A)
      %scan3A = arith.constant 0 : i32
      %scan3A_13 = arith.constant 0 : i32
      %scan3A_14 = arith.constant 158 : i32
      %scan3A_15 = arith.addi %scan3A_13, %scan3A_14 : i32
      %scan3A_16 = arith.constant 1 : i32
      scf.for %scan3A_24 = %scan3A_13 to %scan3A_15 step %scan3A_16  : i32 {
        %mul3A_25 = arith.constant 20224 : i32
        %mul3A_26 = arith.muli %arg1, %mul3A_25 : i32
        %mul3A_27 = arith.constant 128 : i32
        %mul3A_28 = arith.muli %scan3A_24, %mul3A_27 : i32
        %add3A = arith.addi %mul3A_26, %mul3A_28 : i32
        "tpu.region"() ({
          %run_scoped3A = tpu.sem_alloc : memref<!tpu.dma_semaphore, #tpu.memory_space<semaphore_mem>>
          %dma_start3A_140 = tpu.memref_slice %arg5[%add3A] : memref<323584xi32, #tpu.memory_space<hbm>> -> memref<128xi32, #tpu.memory_space<hbm>>
          %dma_start3A_141 = tpu.memref_slice %arg5[%add3A] : memref<323584xi32, #tpu.memory_space<hbm>> -> memref<128xi32, #tpu.memory_space<hbm>>
          tpu.enqueue_dma source(%dma_start3A_141 : memref<128xi32, #tpu.memory_space<hbm>>) target(%arg8 : memref<128xi32, #tpu.memory_space<vmem>>) target_semaphore(%run_scoped3A : memref<!tpu.dma_semaphore, #tpu.memory_space<semaphore_mem>>)
          %dma_wait3A_142 = tpu.memref_slice %arg5[%add3A] : memref<323584xi32, #tpu.memory_space<hbm>> -> memref<128xi32, #tpu.memory_space<hbm>>
          %dma_wait3A_143 = tpu.memref_slice %arg5[%add3A] : memref<323584xi32, #tpu.memory_space<hbm>> -> memref<128xi32, #tpu.memory_space<hbm>>
          tpu.wait_dma2 semaphore(%run_scoped3A : memref<!tpu.dma_semaphore, #tpu.memory_space<semaphore_mem>>) src(%dma_wait3A_143 : memref<128xi32, #tpu.memory_space<hbm>>) dst(%arg8 : memref<128xi32, #tpu.memory_space<vmem>>)
          tpu.yield
        }) : () -> ()
        "tpu.region"() ({
          %run_scoped3A = tpu.sem_alloc : memref<!tpu.dma_semaphore, #tpu.memory_space<semaphore_mem>>
          %dma_start3A_140 = tpu.memref_slice %arg4[%add3A] : memref<323584xi32, #tpu.memory_space<hbm>> -> memref<128xi32, #tpu.memory_space<hbm>>
          %dma_start3A_141 = tpu.memref_slice %arg4[%add3A] : memref<323584xi32, #tpu.memory_space<hbm>> -> memref<128xi32, #tpu.memory_space<hbm>>
          tpu.enqueue_dma source(%dma_start3A_141 : memref<128xi32, #tpu.memory_space<hbm>>) target(%arg9 : memref<128xi32, #tpu.memory_space<vmem>>) target_semaphore(%run_scoped3A : memref<!tpu.dma_semaphore, #tpu.memory_space<semaphore_mem>>)
          %dma_wait3A_142 = tpu.memref_slice %arg4[%add3A] : memref<323584xi32, #tpu.memory_space<hbm>> -> memref<128xi32, #tpu.memory_space<hbm>>
          %dma_wait3A_143 = tpu.memref_slice %arg4[%add3A] : memref<323584xi32, #tpu.memory_space<hbm>> -> memref<128xi32, #tpu.memory_space<hbm>>
          tpu.wait_dma2 semaphore(%run_scoped3A : memref<!tpu.dma_semaphore, #tpu.memory_space<semaphore_mem>>) src(%dma_wait3A_143 : memref<128xi32, #tpu.memory_space<hbm>>) dst(%arg9 : memref<128xi32, #tpu.memory_space<vmem>>)
          tpu.yield
        }) : () -> ()
        %get3A = arith.constant 0 : index
        %get3A_29 = tpu.vector_load %arg9[%get3A] {strides = array<i32>} : memref<128xi32, #tpu.memory_space<vmem>>, vector<16xi32>,
        %get3A_30 = vector.shape_cast %get3A_29 : vector<16xi32> to vector<16xi32>
        %get3A_31 = arith.constant 0 : index
        %get3A_32 = tpu.vector_load %arg8[%get3A_31] {strides = array<i32>} : memref<128xi32, #tpu.memory_space<vmem>>, vector<16xi32>,
        %get3A_33 = vector.shape_cast %get3A_32 : vector<16xi32> to vector<16xi32>
        %eq3A_34 = arith.cmpi eq, %get3A_30, %get3A_33 : vector<16xi32>
        %jit3A = arith.constant 10000 : i32
        %broadcast_in_dim3A = vector.broadcast %jit3A : i32 to vector<16xi32>
        %select_n3A = arith.select %eq3A_34, %broadcast_in_dim3A, %get3A_30 : vector<16xi1>, vector<16xi32>
        %swap3A = arith.constant 0 : index
        %swap3A_35 = tpu.vector_load %arg9[%swap3A] {strides = array<i32>} : memref<128xi32, #tpu.memory_space<vmem>>, vector<16xi32>,
        %swap3A_36 = vector.shape_cast %swap3A_35 : vector<16xi32> to vector<16xi32>
        %swap3A_37 = vector.shape_cast %select_n3A : vector<16xi32> to vector<16xi32>
        tpu.vector_store %arg9[%swap3A], %swap3A_37 {strides = array<i32>} : memref<128xi32, #tpu.memory_space<vmem>>, vector<16xi32>,
        %get3A_38 = arith.constant 16 : index
        %get3A_39 = tpu.vector_load %arg9[%get3A_38] {strides = array<i32>} : memref<128xi32, #tpu.memory_space<vmem>>, vector<16xi32>,
        %get3A_40 = vector.shape_cast %get3A_39 : vector<16xi32> to vector<16xi32>
        %get3A_41 = arith.constant 16 : index
        %get3A_42 = tpu.vector_load %arg8[%get3A_41] {strides = array<i32>} : memref<128xi32, #tpu.memory_space<vmem>>, vector<16xi32>,
        %get3A_43 = vector.shape_cast %get3A_42 : vector<16xi32> to vector<16xi32>
        %eq3A_44 = arith.cmpi eq, %get3A_40, %get3A_43 : vector<16xi32>
        %jit3A_45 = arith.constant 10000 : i32
        %broadcast_in_dim3A_46 = vector.broadcast %jit3A_45 : i32 to vector<16xi32>
        %select_n3A_47 = arith.select %eq3A_44, %broadcast_in_dim3A_46, %get3A_40 : vector<16xi1>, vector<16xi32>
        %swap3A_48 = arith.constant 16 : index
        %swap3A_49 = tpu.vector_load %arg9[%swap3A_48] {strides = array<i32>} : memref<128xi32, #tpu.memory_space<vmem>>, vector<16xi32>,
        %swap3A_50 = vector.shape_cast %swap3A_49 : vector<16xi32> to vector<16xi32>
        %swap3A_51 = vector.shape_cast %select_n3A_47 : vector<16xi32> to vector<16xi32>
        tpu.vector_store %arg9[%swap3A_48], %swap3A_51 {strides = array<i32>} : memref<128xi32, #tpu.memory_space<vmem>>, vector<16xi32>,
        %get3A_52 = arith.constant 32 : index
        %get3A_53 = tpu.vector_load %arg9[%get3A_52] {strides = array<i32>} : memref<128xi32, #tpu.memory_space<vmem>>, vector<16xi32>,
        %get3A_54 = vector.shape_cast %get3A_53 : vector<16xi32> to vector<16xi32>
        %get3A_55 = arith.constant 32 : index
        %get3A_56 = tpu.vector_load %arg8[%get3A_55] {strides = array<i32>} : memref<128xi32, #tpu.memory_space<vmem>>, vector<16xi32>,
        %get3A_57 = vector.shape_cast %get3A_56 : vector<16xi32> to vector<16xi32>
        %eq3A_58 = arith.cmpi eq, %get3A_54, %get3A_57 : vector<16xi32>
        %jit3A_59 = arith.constant 10000 : i32
        %broadcast_in_dim3A_60 = vector.broadcast %jit3A_59 : i32 to vector<16xi32>
        %select_n3A_61 = arith.select %eq3A_58, %broadcast_in_dim3A_60, %get3A_54 : vector<16xi1>, vector<16xi32>
        %swap3A_62 = arith.constant 32 : index
        %swap3A_63 = tpu.vector_load %arg9[%swap3A_62] {strides = array<i32>} : memref<128xi32, #tpu.memory_space<vmem>>, vector<16xi32>,
        %swap3A_64 = vector.shape_cast %swap3A_63 : vector<16xi32> to vector<16xi32>
        %swap3A_65 = vector.shape_cast %select_n3A_61 : vector<16xi32> to vector<16xi32>
        tpu.vector_store %arg9[%swap3A_62], %swap3A_65 {strides = array<i32>} : memref<128xi32, #tpu.memory_space<vmem>>, vector<16xi32>,
        %get3A_66 = arith.constant 48 : index
        %get3A_67 = tpu.vector_load %arg9[%get3A_66] {strides = array<i32>} : memref<128xi32, #tpu.memory_space<vmem>>, vector<16xi32>,
        %get3A_68 = vector.shape_cast %get3A_67 : vector<16xi32> to vector<16xi32>
        %get3A_69 = arith.constant 48 : index
        %get3A_70 = tpu.vector_load %arg8[%get3A_69] {strides = array<i32>} : memref<128xi32, #tpu.memory_space<vmem>>, vector<16xi32>,
        %get3A_71 = vector.shape_cast %get3A_70 : vector<16xi32> to vector<16xi32>
        %eq3A_72 = arith.cmpi eq, %get3A_68, %get3A_71 : vector<16xi32>
        %jit3A_73 = arith.constant 10000 : i32
        %broadcast_in_dim3A_74 = vector.broadcast %jit3A_73 : i32 to vector<16xi32>
        %select_n3A_75 = arith.select %eq3A_72, %broadcast_in_dim3A_74, %get3A_68 : vector<16xi1>, vector<16xi32>
        %swap3A_76 = arith.constant 48 : index
        %swap3A_77 = tpu.vector_load %arg9[%swap3A_76] {strides = array<i32>} : memref<128xi32, #tpu.memory_space<vmem>>, vector<16xi32>,
        %swap3A_78 = vector.shape_cast %swap3A_77 : vector<16xi32> to vector<16xi32>
        %swap3A_79 = vector.shape_cast %select_n3A_75 : vector<16xi32> to vector<16xi32>
        tpu.vector_store %arg9[%swap3A_76], %swap3A_79 {strides = array<i32>} : memref<128xi32, #tpu.memory_space<vmem>>, vector<16xi32>,
        %get3A_80 = arith.constant 64 : index
        %get3A_81 = tpu.vector_load %arg9[%get3A_80] {strides = array<i32>} : memref<128xi32, #tpu.memory_space<vmem>>, vector<16xi32>,
        %get3A_82 = vector.shape_cast %get3A_81 : vector<16xi32> to vector<16xi32>
        %get3A_83 = arith.constant 64 : index
        %get3A_84 = tpu.vector_load %arg8[%get3A_83] {strides = array<i32>} : memref<128xi32, #tpu.memory_space<vmem>>, vector<16xi32>,
        %get3A_85 = vector.shape_cast %get3A_84 : vector<16xi32> to vector<16xi32>
        %eq3A_86 = arith.cmpi eq, %get3A_82, %get3A_85 : vector<16xi32>
        %jit3A_87 = arith.constant 10000 : i32
        %broadcast_in_dim3A_88 = vector.broadcast %jit3A_87 : i32 to vector<16xi32>
        %select_n3A_89 = arith.select %eq3A_86, %broadcast_in_dim3A_88, %get3A_82 : vector<16xi1>, vector<16xi32>
        %swap3A_90 = arith.constant 64 : index
        %swap3A_91 = tpu.vector_load %arg9[%swap3A_90] {strides = array<i32>} : memref<128xi32, #tpu.memory_space<vmem>>, vector<16xi32>,
        %swap3A_92 = vector.shape_cast %swap3A_91 : vector<16xi32> to vector<16xi32>
        %swap3A_93 = vector.shape_cast %select_n3A_89 : vector<16xi32> to vector<16xi32>
        tpu.vector_store %arg9[%swap3A_90], %swap3A_93 {strides = array<i32>} : memref<128xi32, #tpu.memory_space<vmem>>, vector<16xi32>,
        %get3A_94 = arith.constant 80 : index
        %get3A_95 = tpu.vector_load %arg9[%get3A_94] {strides = array<i32>} : memref<128xi32, #tpu.memory_space<vmem>>, vector<16xi32>,
        %get3A_96 = vector.shape_cast %get3A_95 : vector<16xi32> to vector<16xi32>
        %get3A_97 = arith.constant 80 : index
        %get3A_98 = tpu.vector_load %arg8[%get3A_97] {strides = array<i32>} : memref<128xi32, #tpu.memory_space<vmem>>, vector<16xi32>,
        %get3A_99 = vector.shape_cast %get3A_98 : vector<16xi32> to vector<16xi32>
        %eq3A_100 = arith.cmpi eq, %get3A_96, %get3A_99 : vector<16xi32>
        %jit3A_101 = arith.constant 10000 : i32
        %broadcast_in_dim3A_102 = vector.broadcast %jit3A_101 : i32 to vector<16xi32>
        %select_n3A_103 = arith.select %eq3A_100, %broadcast_in_dim3A_102, %get3A_96 : vector<16xi1>, vector<16xi32>
        %swap3A_104 = arith.constant 80 : index
        %swap3A_105 = tpu.vector_load %arg9[%swap3A_104] {strides = array<i32>} : memref<128xi32, #tpu.memory_space<vmem>>, vector<16xi32>,
        %swap3A_106 = vector.shape_cast %swap3A_105 : vector<16xi32> to vector<16xi32>
        %swap3A_107 = vector.shape_cast %select_n3A_103 : vector<16xi32> to vector<16xi32>
        tpu.vector_store %arg9[%swap3A_104], %swap3A_107 {strides = array<i32>} : memref<128xi32, #tpu.memory_space<vmem>>, vector<16xi32>,
        %get3A_108 = arith.constant 96 : index
        %get3A_109 = tpu.vector_load %arg9[%get3A_108] {strides = array<i32>} : memref<128xi32, #tpu.memory_space<vmem>>, vector<16xi32>,
        %get3A_110 = vector.shape_cast %get3A_109 : vector<16xi32> to vector<16xi32>
        %get3A_111 = arith.constant 96 : index
        %get3A_112 = tpu.vector_load %arg8[%get3A_111] {strides = array<i32>} : memref<128xi32, #tpu.memory_space<vmem>>, vector<16xi32>,
        %get3A_113 = vector.shape_cast %get3A_112 : vector<16xi32> to vector<16xi32>
        %eq3A_114 = arith.cmpi eq, %get3A_110, %get3A_113 : vector<16xi32>
        %jit3A_115 = arith.constant 10000 : i32
        %broadcast_in_dim3A_116 = vector.broadcast %jit3A_115 : i32 to vector<16xi32>
        %select_n3A_117 = arith.select %eq3A_114, %broadcast_in_dim3A_116, %get3A_110 : vector<16xi1>, vector<16xi32>
        %swap3A_118 = arith.constant 96 : index
        %swap3A_119 = tpu.vector_load %arg9[%swap3A_118] {strides = array<i32>} : memref<128xi32, #tpu.memory_space<vmem>>, vector<16xi32>,
        %swap3A_120 = vector.shape_cast %swap3A_119 : vector<16xi32> to vector<16xi32>
        %swap3A_121 = vector.shape_cast %select_n3A_117 : vector<16xi32> to vector<16xi32>
        tpu.vector_store %arg9[%swap3A_118], %swap3A_121 {strides = array<i32>} : memref<128xi32, #tpu.memory_space<vmem>>, vector<16xi32>,
        %get3A_122 = arith.constant 112 : index
        %get3A_123 = tpu.vector_load %arg9[%get3A_122] {strides = array<i32>} : memref<128xi32, #tpu.memory_space<vmem>>, vector<16xi32>,
        %get3A_124 = vector.shape_cast %get3A_123 : vector<16xi32> to vector<16xi32>
        %get3A_125 = arith.constant 112 : index
        %get3A_126 = tpu.vector_load %arg8[%get3A_125] {strides = array<i32>} : memref<128xi32, #tpu.memory_space<vmem>>, vector<16xi32>,
        %get3A_127 = vector.shape_cast %get3A_126 : vector<16xi32> to vector<16xi32>
        %eq3A_128 = arith.cmpi eq, %get3A_124, %get3A_127 : vector<16xi32>
        %jit3A_129 = arith.constant 10000 : i32
        %broadcast_in_dim3A_130 = vector.broadcast %jit3A_129 : i32 to vector<16xi32>
        %select_n3A_131 = arith.select %eq3A_128, %broadcast_in_dim3A_130, %get3A_124 : vector<16xi1>, vector<16xi32>
        %swap3A_132 = arith.constant 112 : index
        %swap3A_133 = tpu.vector_load %arg9[%swap3A_132] {strides = array<i32>} : memref<128xi32, #tpu.memory_space<vmem>>, vector<16xi32>,
        %swap3A_134 = vector.shape_cast %swap3A_133 : vector<16xi32> to vector<16xi32>
        %swap3A_135 = vector.shape_cast %select_n3A_131 : vector<16xi32> to vector<16xi32>
        tpu.vector_store %arg9[%swap3A_132], %swap3A_135 {strides = array<i32>} : memref<128xi32, #tpu.memory_space<vmem>>, vector<16xi32>,
        %dma_start3A = arith.constant 0 : i32
        %dma_start3A_136 = arith.constant 0 : i32
        %dma_start3A_137 = tpu.memref_slice %arg3[%dma_start3A, %dma_start3A_136] : memref<10000x128xf32, #tpu.memory_space<hbm>> -> memref<10000x128xf32, #tpu.memory_space<hbm>>
        tpu.enqueue_indirect_dma source(%dma_start3A_137 : memref<10000x128xf32, #tpu.memory_space<hbm>>) target(%arg10 : memref<128x128xf32, #tpu.memory_space<vmem>>) offsets(%arg8 : memref<128xi32, #tpu.memory_space<vmem>>) semaphore(%arg12 : memref<!tpu.dma_semaphore, #tpu.memory_space<semaphore_mem>>)
        %dma_wait3A = arith.constant 0 : i32
        %dma_wait3A_138 = arith.constant 0 : i32
        %dma_wait3A_139 = tpu.memref_slice %arg3[%dma_wait3A, %dma_wait3A_138] : memref<10000x128xf32, #tpu.memory_space<hbm>> -> memref<10000x128xf32, #tpu.memory_space<hbm>>
        tpu.wait_indirect_dma semaphore(%arg12 : memref<!tpu.dma_semaphore, #tpu.memory_space<semaphore_mem>>) src(%dma_wait3A_139 : memref<10000x128xf32, #tpu.memory_space<hbm>>) dst(%arg10 : memref<128x128xf32, #tpu.memory_space<vmem>>)
        "tpu.region"() ({
          %run_scoped3A = tpu.sem_alloc : memref<!tpu.dma_semaphore, #tpu.memory_space<semaphore_mem>>
          %dma_start3A_140 = arith.constant 0 : i32
          %dma_start3A_141 = arith.constant 0 : i32
          %dma_start3A_142 = tpu.memref_slice %arg11[%dma_start3A_140, %dma_start3A_141] : memref<10016x128xf32, #tpu.memory_space<vmem_shared>> -> memref<10016x128xf32, #tpu.memory_space<vmem_shared>>
          tpu.enqueue_indirect_dma source(%arg10 : memref<128x128xf32, #tpu.memory_space<vmem>>) target(%dma_start3A_142 : memref<10016x128xf32, #tpu.memory_space<vmem_shared>>) offsets(%arg9 : memref<128xi32, #tpu.memory_space<vmem>>) semaphore(%run_scoped3A : memref<!tpu.dma_semaphore, #tpu.memory_space<semaphore_mem>>) {add = true}
          %dma_wait3A_143 = arith.constant 0 : i32
          %dma_wait3A_144 = arith.constant 0 : i32
          %dma_wait3A_145 = tpu.memref_slice %arg11[%dma_wait3A_143, %dma_wait3A_144] : memref<10016x128xf32, #tpu.memory_space<vmem_shared>> -> memref<10016x128xf32, #tpu.memory_space<vmem_shared>>
          tpu.wait_indirect_dma semaphore(%run_scoped3A : memref<!tpu.dma_semaphore, #tpu.memory_space<semaphore_mem>>) src(%arg10 : memref<128x128xf32, #tpu.memory_space<vmem>>) dst(%dma_wait3A_145 : memref<10016x128xf32, #tpu.memory_space<vmem_shared>>)
          tpu.yield
        }) : () -> ()
      }
      %scan3A_17 = arith.constant 158 : i32
      %barrier3A_18 = arith.constant 0 : index
      tpu.barrier barrier_id(%barrier3A_18)
      "tpu.region"() ({
        %run_scoped3A = tpu.sem_alloc : memref<!tpu.dma_semaphore, #tpu.memory_space<semaphore_mem>>
        %dma_start3A = arith.constant 0 : i32
        %dma_start3A_24 = tpu.memref_slice %arg7[%mul3A_7, %dma_start3A] : memref<10000x128xf32, #tpu.memory_space<hbm>> -> memref<624x128xf32, #tpu.memory_space<hbm>>
        %dma_start3A_25 = arith.constant 0 : i32
        %dma_start3A_26 = tpu.memref_slice %arg11[%mul3A_7, %dma_start3A_25] : memref<10016x128xf32, #tpu.memory_space<vmem_shared>> -> memref<624x128xf32, #tpu.memory_space<vmem_shared>>
        tpu.enqueue_dma source(%dma_start3A_26 : memref<624x128xf32, #tpu.memory_space<vmem_shared>>) target(%dma_start3A_24 : memref<624x128xf32, #tpu.memory_space<hbm>>) target_semaphore(%run_scoped3A : memref<!tpu.dma_semaphore, #tpu.memory_space<semaphore_mem>>)
        %dma_wait3A = arith.constant 0 : i32
        %dma_wait3A_27 = tpu.memref_slice %arg7[%mul3A_7, %dma_wait3A] : memref<10000x128xf32, #tpu.memory_space<hbm>> -> memref<624x128xf32, #tpu.memory_space<hbm>>
        %dma_wait3A_28 = arith.constant 0 : i32
        %dma_wait3A_29 = tpu.memref_slice %arg11[%mul3A_7, %dma_wait3A_28] : memref<10016x128xf32, #tpu.memory_space<vmem_shared>> -> memref<624x128xf32, #tpu.memory_space<vmem_shared>>
        tpu.wait_dma2 semaphore(%run_scoped3A : memref<!tpu.dma_semaphore, #tpu.memory_space<semaphore_mem>>) src(%dma_wait3A_29 : memref<624x128xf32, #tpu.memory_space<vmem_shared>>) dst(%dma_wait3A_27 : memref<624x128xf32, #tpu.memory_space<hbm>>)
        tpu.yield
      }) : () -> ()
      %eq3A_19 = arith.constant 0 : i32
      %eq3A_20 = arith.cmpi eq, %arg1, %eq3A_19 : i32
      %convert_element_type3A_21 = arith.extui %eq3A_20 : i1 to i32
      %cond3A_22 = arith.constant 0 : i32
      %cond3A_23 = arith.cmpi ne, %convert_element_type3A_21, %cond3A_22 : i32
      scf.if %cond3A_23 {
        "tpu.region"() ({
          %run_scoped3A = tpu.sem_alloc : memref<!tpu.dma_semaphore, #tpu.memory_space<semaphore_mem>>
          %dma_start3A = arith.constant 9984 : i32
          %dma_start3A_24 = arith.constant 0 : i32
          %dma_start3A_25 = tpu.memref_slice %arg7[%dma_start3A, %dma_start3A_24] : memref<10000x128xf32, #tpu.memory_space<hbm>> -> memref<16x128xf32, #tpu.memory_space<hbm>>
          %dma_start3A_26 = arith.constant 9984 : i32
          %dma_start3A_27 = arith.constant 0 : i32
          %dma_start3A_28 = tpu.memref_slice %arg11[%dma_start3A_26, %dma_start3A_27] : memref<10016x128xf32, #tpu.memory_space<vmem_shared>> -> memref<16x128xf32, #tpu.memory_space<vmem_shared>>
          tpu.enqueue_dma source(%dma_start3A_28 : memref<16x128xf32, #tpu.memory_space<vmem_shared>>) target(%dma_start3A_25 : memref<16x128xf32, #tpu.memory_space<hbm>>) target_semaphore(%run_scoped3A : memref<!tpu.dma_semaphore, #tpu.memory_space<semaphore_mem>>)
          %dma_wait3A = arith.constant 9984 : i32
          %dma_wait3A_29 = arith.constant 0 : i32
          %dma_wait3A_30 = tpu.memref_slice %arg7[%dma_wait3A, %dma_wait3A_29] : memref<10000x128xf32, #tpu.memory_space<hbm>> -> memref<16x128xf32, #tpu.memory_space<hbm>>
          %dma_wait3A_31 = arith.constant 9984 : i32
          %dma_wait3A_32 = arith.constant 0 : i32
          %dma_wait3A_33 = tpu.memref_slice %arg11[%dma_wait3A_31, %dma_wait3A_32] : memref<10016x128xf32, #tpu.memory_space<vmem_shared>> -> memref<16x128xf32, #tpu.memory_space<vmem_shared>>
          tpu.wait_dma2 semaphore(%run_scoped3A : memref<!tpu.dma_semaphore, #tpu.memory_space<semaphore_mem>>) src(%dma_wait3A_33 : memref<16x128xf32, #tpu.memory_space<vmem_shared>>) dst(%dma_wait3A_30 : memref<16x128xf32, #tpu.memory_space<hbm>>)
          tpu.yield
        }) : () -> ()
      } else {
      }
    } else {
    }
    return
  }
}

#map = affine_map<(d0, d1) -> (0, 0)>
#map1 = affine_map<(d0, d1) -> (0)>
module attributes {stable_mosaic.version = 14 : i64} {
  func.func @agg(%arg0: i32, %arg1: i32, %arg2: memref<10000x128xf32, #tpu.memory_space<hbm>>, %arg3: memref<10000x128xf32, #tpu.memory_space<hbm>>, %arg4: memref<323584xi32, #tpu.memory_space<hbm>>, %arg5: memref<323584xi32, #tpu.memory_space<hbm>>, %arg6: memref<10000x128xf32, #tpu.memory_space<hbm>>, %arg7: memref<10000x128xf32, #tpu.memory_space<hbm>>, %arg8: memref<128xi32, #tpu.memory_space<vmem>>, %arg9: memref<128xi32, #tpu.memory_space<vmem>>, %arg10: memref<128x128xf32, #tpu.memory_space<vmem>>, %arg11: memref<10016x128xf32, #tpu.memory_space<vmem_shared>>, %arg12: memref<!tpu.dma_semaphore, #tpu.memory_space<semaphore_mem>>) attributes {dimension_semantics = [#tpu.dimension_semantics<core_parallel>, #tpu.dimension_semantics<subcore_parallel>], iteration_bounds = array<i64: 2, 16>, scalar_prefetch = 0 : i64, scratch_operands = 5 : i64, tpu.core_type = #tpu.core_type<sc_vector_subcore>, window_params = [{transform_indices = #map}, {transform_indices = #map}, {transform_indices = #map1}, {transform_indices = #map1}, {transform_indices = #map}, {transform_indices = #map}]} {
    %eq3A = arith.constant 0 : i32
    %eq3A_0 = arith.cmpi eq, %arg0, %eq3A : i32
    %convert_element_type3A = arith.extui %eq3A_0 : i1 to i32
    %cond3A = arith.constant 0 : i32
    %cond3A_1 = arith.cmpi ne, %convert_element_type3A, %cond3A : i32
    scf.if %cond3A_1 {
      %mul3A = arith.constant 624 : i32
      %mul3A_7 = arith.muli %arg1, %mul3A : i32
      "tpu.region"() ({
        %run_scoped3A = tpu.sem_alloc : memref<!tpu.dma_semaphore, #tpu.memory_space<semaphore_mem>>
        %dma_start3A = arith.constant 0 : i32
        %dma_start3A_24 = tpu.memref_slice %arg11[%mul3A_7, %dma_start3A] : memref<10016x128xf32, #tpu.memory_space<vmem_shared>> -> memref<624x128xf32, #tpu.memory_space<vmem_shared>>
        %dma_start3A_25 = arith.constant 0 : i32
        %dma_start3A_26 = tpu.memref_slice %arg2[%mul3A_7, %dma_start3A_25] : memref<10000x128xf32, #tpu.memory_space<hbm>> -> memref<624x128xf32, #tpu.memory_space<hbm>>
        tpu.enqueue_dma source(%dma_start3A_26 : memref<624x128xf32, #tpu.memory_space<hbm>>) target(%dma_start3A_24 : memref<624x128xf32, #tpu.memory_space<vmem_shared>>) target_semaphore(%run_scoped3A : memref<!tpu.dma_semaphore, #tpu.memory_space<semaphore_mem>>)
        %dma_wait3A = arith.constant 0 : i32
        %dma_wait3A_27 = tpu.memref_slice %arg11[%mul3A_7, %dma_wait3A] : memref<10016x128xf32, #tpu.memory_space<vmem_shared>> -> memref<624x128xf32, #tpu.memory_space<vmem_shared>>
        %dma_wait3A_28 = arith.constant 0 : i32
        %dma_wait3A_29 = tpu.memref_slice %arg2[%mul3A_7, %dma_wait3A_28] : memref<10000x128xf32, #tpu.memory_space<hbm>> -> memref<624x128xf32, #tpu.memory_space<hbm>>
        tpu.wait_dma2 semaphore(%run_scoped3A : memref<!tpu.dma_semaphore, #tpu.memory_space<semaphore_mem>>) src(%dma_wait3A_29 : memref<624x128xf32, #tpu.memory_space<hbm>>) dst(%dma_wait3A_27 : memref<624x128xf32, #tpu.memory_space<vmem_shared>>)
        tpu.yield
      }) : () -> ()
      %eq3A_8 = arith.constant 0 : i32
      %eq3A_9 = arith.cmpi eq, %arg1, %eq3A_8 : i32
      %convert_element_type3A_10 = arith.extui %eq3A_9 : i1 to i32
      %cond3A_11 = arith.constant 0 : i32
      %cond3A_12 = arith.cmpi ne, %convert_element_type3A_10, %cond3A_11 : i32
      scf.if %cond3A_12 {
        "tpu.region"() ({
          %run_scoped3A = tpu.sem_alloc : memref<!tpu.dma_semaphore, #tpu.memory_space<semaphore_mem>>
          %dma_start3A = arith.constant 9984 : i32
          %dma_start3A_24 = arith.constant 0 : i32
          %dma_start3A_25 = tpu.memref_slice %arg11[%dma_start3A, %dma_start3A_24] : memref<10016x128xf32, #tpu.memory_space<vmem_shared>> -> memref<16x128xf32, #tpu.memory_space<vmem_shared>>
          %dma_start3A_26 = arith.constant 9984 : i32
          %dma_start3A_27 = arith.constant 0 : i32
          %dma_start3A_28 = tpu.memref_slice %arg2[%dma_start3A_26, %dma_start3A_27] : memref<10000x128xf32, #tpu.memory_space<hbm>> -> memref<16x128xf32, #tpu.memory_space<hbm>>
          tpu.enqueue_dma source(%dma_start3A_28 : memref<16x128xf32, #tpu.memory_space<hbm>>) target(%dma_start3A_25 : memref<16x128xf32, #tpu.memory_space<vmem_shared>>) target_semaphore(%run_scoped3A : memref<!tpu.dma_semaphore, #tpu.memory_space<semaphore_mem>>)
          %dma_wait3A = arith.constant 9984 : i32
          %dma_wait3A_29 = arith.constant 0 : i32
          %dma_wait3A_30 = tpu.memref_slice %arg11[%dma_wait3A, %dma_wait3A_29] : memref<10016x128xf32, #tpu.memory_space<vmem_shared>> -> memref<16x128xf32, #tpu.memory_space<vmem_shared>>
          %dma_wait3A_31 = arith.constant 9984 : i32
          %dma_wait3A_32 = arith.constant 0 : i32
          %dma_wait3A_33 = tpu.memref_slice %arg2[%dma_wait3A_31, %dma_wait3A_32] : memref<10000x128xf32, #tpu.memory_space<hbm>> -> memref<16x128xf32, #tpu.memory_space<hbm>>
          tpu.wait_dma2 semaphore(%run_scoped3A : memref<!tpu.dma_semaphore, #tpu.memory_space<semaphore_mem>>) src(%dma_wait3A_33 : memref<16x128xf32, #tpu.memory_space<hbm>>) dst(%dma_wait3A_30 : memref<16x128xf32, #tpu.memory_space<vmem_shared>>)
          tpu.yield
        }) : () -> ()
      } else {
      }
      %barrier3A = arith.constant 0 : index
      tpu.barrier barrier_id(%barrier3A)
      %scan3A = arith.constant 0 : i32
      %scan3A_13 = arith.constant 0 : i32
      %scan3A_14 = arith.constant 158 : i32
      %scan3A_15 = arith.addi %scan3A_13, %scan3A_14 : i32
      %scan3A_16 = arith.constant 1 : i32
      scf.for %scan3A_24 = %scan3A_13 to %scan3A_15 step %scan3A_16  : i32 {
        %mul3A_25 = arith.constant 20224 : i32
        %mul3A_26 = arith.muli %arg1, %mul3A_25 : i32
        %mul3A_27 = arith.constant 128 : i32
        %mul3A_28 = arith.muli %scan3A_24, %mul3A_27 : i32
        %add3A = arith.addi %mul3A_26, %mul3A_28 : i32
        "tpu.region"() ({
          %run_scoped3A = tpu.sem_alloc : memref<!tpu.dma_semaphore, #tpu.memory_space<semaphore_mem>>
          %dma_start3A_140 = tpu.memref_slice %arg5[%add3A] : memref<323584xi32, #tpu.memory_space<hbm>> -> memref<128xi32, #tpu.memory_space<hbm>>
          %dma_start3A_141 = tpu.memref_slice %arg5[%add3A] : memref<323584xi32, #tpu.memory_space<hbm>> -> memref<128xi32, #tpu.memory_space<hbm>>
          tpu.enqueue_dma source(%dma_start3A_141 : memref<128xi32, #tpu.memory_space<hbm>>) target(%arg8 : memref<128xi32, #tpu.memory_space<vmem>>) target_semaphore(%run_scoped3A : memref<!tpu.dma_semaphore, #tpu.memory_space<semaphore_mem>>)
          %dma_wait3A_142 = tpu.memref_slice %arg5[%add3A] : memref<323584xi32, #tpu.memory_space<hbm>> -> memref<128xi32, #tpu.memory_space<hbm>>
          %dma_wait3A_143 = tpu.memref_slice %arg5[%add3A] : memref<323584xi32, #tpu.memory_space<hbm>> -> memref<128xi32, #tpu.memory_space<hbm>>
          tpu.wait_dma2 semaphore(%run_scoped3A : memref<!tpu.dma_semaphore, #tpu.memory_space<semaphore_mem>>) src(%dma_wait3A_143 : memref<128xi32, #tpu.memory_space<hbm>>) dst(%arg8 : memref<128xi32, #tpu.memory_space<vmem>>)
          tpu.yield
        }) : () -> ()
        "tpu.region"() ({
          %run_scoped3A = tpu.sem_alloc : memref<!tpu.dma_semaphore, #tpu.memory_space<semaphore_mem>>
          %dma_start3A_140 = tpu.memref_slice %arg4[%add3A] : memref<323584xi32, #tpu.memory_space<hbm>> -> memref<128xi32, #tpu.memory_space<hbm>>
          %dma_start3A_141 = tpu.memref_slice %arg4[%add3A] : memref<323584xi32, #tpu.memory_space<hbm>> -> memref<128xi32, #tpu.memory_space<hbm>>
          tpu.enqueue_dma source(%dma_start3A_141 : memref<128xi32, #tpu.memory_space<hbm>>) target(%arg9 : memref<128xi32, #tpu.memory_space<vmem>>) target_semaphore(%run_scoped3A : memref<!tpu.dma_semaphore, #tpu.memory_space<semaphore_mem>>)
          %dma_wait3A_142 = tpu.memref_slice %arg4[%add3A] : memref<323584xi32, #tpu.memory_space<hbm>> -> memref<128xi32, #tpu.memory_space<hbm>>
          %dma_wait3A_143 = tpu.memref_slice %arg4[%add3A] : memref<323584xi32, #tpu.memory_space<hbm>> -> memref<128xi32, #tpu.memory_space<hbm>>
          tpu.wait_dma2 semaphore(%run_scoped3A : memref<!tpu.dma_semaphore, #tpu.memory_space<semaphore_mem>>) src(%dma_wait3A_143 : memref<128xi32, #tpu.memory_space<hbm>>) dst(%arg9 : memref<128xi32, #tpu.memory_space<vmem>>)
          tpu.yield
        }) : () -> ()
        %get3A = arith.constant 0 : index
        %get3A_29 = tpu.vector_load %arg9[%get3A] {strides = array<i32>} : memref<128xi32, #tpu.memory_space<vmem>>, vector<16xi32>,
        %get3A_30 = vector.shape_cast %get3A_29 : vector<16xi32> to vector<16xi32>
        %get3A_31 = arith.constant 0 : index
        %get3A_32 = tpu.vector_load %arg8[%get3A_31] {strides = array<i32>} : memref<128xi32, #tpu.memory_space<vmem>>, vector<16xi32>,
        %get3A_33 = vector.shape_cast %get3A_32 : vector<16xi32> to vector<16xi32>
        %eq3A_34 = arith.cmpi eq, %get3A_30, %get3A_33 : vector<16xi32>
        %jit3A = arith.constant 10000 : i32
        %broadcast_in_dim3A = vector.broadcast %jit3A : i32 to vector<16xi32>
        %select_n3A = arith.select %eq3A_34, %broadcast_in_dim3A, %get3A_30 : vector<16xi1>, vector<16xi32>
        %swap3A = arith.constant 0 : index
        %swap3A_35 = tpu.vector_load %arg9[%swap3A] {strides = array<i32>} : memref<128xi32, #tpu.memory_space<vmem>>, vector<16xi32>,
        %swap3A_36 = vector.shape_cast %swap3A_35 : vector<16xi32> to vector<16xi32>
        %swap3A_37 = vector.shape_cast %select_n3A : vector<16xi32> to vector<16xi32>
        tpu.vector_store %arg9[%swap3A], %swap3A_37 {strides = array<i32>} : memref<128xi32, #tpu.memory_space<vmem>>, vector<16xi32>,
        %get3A_38 = arith.constant 16 : index
        %get3A_39 = tpu.vector_load %arg9[%get3A_38] {strides = array<i32>} : memref<128xi32, #tpu.memory_space<vmem>>, vector<16xi32>,
        %get3A_40 = vector.shape_cast %get3A_39 : vector<16xi32> to vector<16xi32>
        %get3A_41 = arith.constant 16 : index
        %get3A_42 = tpu.vector_load %arg8[%get3A_41] {strides = array<i32>} : memref<128xi32, #tpu.memory_space<vmem>>, vector<16xi32>,
        %get3A_43 = vector.shape_cast %get3A_42 : vector<16xi32> to vector<16xi32>
        %eq3A_44 = arith.cmpi eq, %get3A_40, %get3A_43 : vector<16xi32>
        %jit3A_45 = arith.constant 10000 : i32
        %broadcast_in_dim3A_46 = vector.broadcast %jit3A_45 : i32 to vector<16xi32>
        %select_n3A_47 = arith.select %eq3A_44, %broadcast_in_dim3A_46, %get3A_40 : vector<16xi1>, vector<16xi32>
        %swap3A_48 = arith.constant 16 : index
        %swap3A_49 = tpu.vector_load %arg9[%swap3A_48] {strides = array<i32>} : memref<128xi32, #tpu.memory_space<vmem>>, vector<16xi32>,
        %swap3A_50 = vector.shape_cast %swap3A_49 : vector<16xi32> to vector<16xi32>
        %swap3A_51 = vector.shape_cast %select_n3A_47 : vector<16xi32> to vector<16xi32>
        tpu.vector_store %arg9[%swap3A_48], %swap3A_51 {strides = array<i32>} : memref<128xi32, #tpu.memory_space<vmem>>, vector<16xi32>,
        %get3A_52 = arith.constant 32 : index
        %get3A_53 = tpu.vector_load %arg9[%get3A_52] {strides = array<i32>} : memref<128xi32, #tpu.memory_space<vmem>>, vector<16xi32>,
        %get3A_54 = vector.shape_cast %get3A_53 : vector<16xi32> to vector<16xi32>
        %get3A_55 = arith.constant 32 : index
        %get3A_56 = tpu.vector_load %arg8[%get3A_55] {strides = array<i32>} : memref<128xi32, #tpu.memory_space<vmem>>, vector<16xi32>,
        %get3A_57 = vector.shape_cast %get3A_56 : vector<16xi32> to vector<16xi32>
        %eq3A_58 = arith.cmpi eq, %get3A_54, %get3A_57 : vector<16xi32>
        %jit3A_59 = arith.constant 10000 : i32
        %broadcast_in_dim3A_60 = vector.broadcast %jit3A_59 : i32 to vector<16xi32>
        %select_n3A_61 = arith.select %eq3A_58, %broadcast_in_dim3A_60, %get3A_54 : vector<16xi1>, vector<16xi32>
        %swap3A_62 = arith.constant 32 : index
        %swap3A_63 = tpu.vector_load %arg9[%swap3A_62] {strides = array<i32>} : memref<128xi32, #tpu.memory_space<vmem>>, vector<16xi32>,
        %swap3A_64 = vector.shape_cast %swap3A_63 : vector<16xi32> to vector<16xi32>
        %swap3A_65 = vector.shape_cast %select_n3A_61 : vector<16xi32> to vector<16xi32>
        tpu.vector_store %arg9[%swap3A_62], %swap3A_65 {strides = array<i32>} : memref<128xi32, #tpu.memory_space<vmem>>, vector<16xi32>,
        %get3A_66 = arith.constant 48 : index
        %get3A_67 = tpu.vector_load %arg9[%get3A_66] {strides = array<i32>} : memref<128xi32, #tpu.memory_space<vmem>>, vector<16xi32>,
        %get3A_68 = vector.shape_cast %get3A_67 : vector<16xi32> to vector<16xi32>
        %get3A_69 = arith.constant 48 : index
        %get3A_70 = tpu.vector_load %arg8[%get3A_69] {strides = array<i32>} : memref<128xi32, #tpu.memory_space<vmem>>, vector<16xi32>,
        %get3A_71 = vector.shape_cast %get3A_70 : vector<16xi32> to vector<16xi32>
        %eq3A_72 = arith.cmpi eq, %get3A_68, %get3A_71 : vector<16xi32>
        %jit3A_73 = arith.constant 10000 : i32
        %broadcast_in_dim3A_74 = vector.broadcast %jit3A_73 : i32 to vector<16xi32>
        %select_n3A_75 = arith.select %eq3A_72, %broadcast_in_dim3A_74, %get3A_68 : vector<16xi1>, vector<16xi32>
        %swap3A_76 = arith.constant 48 : index
        %swap3A_77 = tpu.vector_load %arg9[%swap3A_76] {strides = array<i32>} : memref<128xi32, #tpu.memory_space<vmem>>, vector<16xi32>,
        %swap3A_78 = vector.shape_cast %swap3A_77 : vector<16xi32> to vector<16xi32>
        %swap3A_79 = vector.shape_cast %select_n3A_75 : vector<16xi32> to vector<16xi32>
        tpu.vector_store %arg9[%swap3A_76], %swap3A_79 {strides = array<i32>} : memref<128xi32, #tpu.memory_space<vmem>>, vector<16xi32>,
        %get3A_80 = arith.constant 64 : index
        %get3A_81 = tpu.vector_load %arg9[%get3A_80] {strides = array<i32>} : memref<128xi32, #tpu.memory_space<vmem>>, vector<16xi32>,
        %get3A_82 = vector.shape_cast %get3A_81 : vector<16xi32> to vector<16xi32>
        %get3A_83 = arith.constant 64 : index
        %get3A_84 = tpu.vector_load %arg8[%get3A_83] {strides = array<i32>} : memref<128xi32, #tpu.memory_space<vmem>>, vector<16xi32>,
        %get3A_85 = vector.shape_cast %get3A_84 : vector<16xi32> to vector<16xi32>
        %eq3A_86 = arith.cmpi eq, %get3A_82, %get3A_85 : vector<16xi32>
        %jit3A_87 = arith.constant 10000 : i32
        %broadcast_in_dim3A_88 = vector.broadcast %jit3A_87 : i32 to vector<16xi32>
        %select_n3A_89 = arith.select %eq3A_86, %broadcast_in_dim3A_88, %get3A_82 : vector<16xi1>, vector<16xi32>
        %swap3A_90 = arith.constant 64 : index
        %swap3A_91 = tpu.vector_load %arg9[%swap3A_90] {strides = array<i32>} : memref<128xi32, #tpu.memory_space<vmem>>, vector<16xi32>,
        %swap3A_92 = vector.shape_cast %swap3A_91 : vector<16xi32> to vector<16xi32>
        %swap3A_93 = vector.shape_cast %select_n3A_89 : vector<16xi32> to vector<16xi32>
        tpu.vector_store %arg9[%swap3A_90], %swap3A_93 {strides = array<i32>} : memref<128xi32, #tpu.memory_space<vmem>>, vector<16xi32>,
        %get3A_94 = arith.constant 80 : index
        %get3A_95 = tpu.vector_load %arg9[%get3A_94] {strides = array<i32>} : memref<128xi32, #tpu.memory_space<vmem>>, vector<16xi32>,
        %get3A_96 = vector.shape_cast %get3A_95 : vector<16xi32> to vector<16xi32>
        %get3A_97 = arith.constant 80 : index
        %get3A_98 = tpu.vector_load %arg8[%get3A_97] {strides = array<i32>} : memref<128xi32, #tpu.memory_space<vmem>>, vector<16xi32>,
        %get3A_99 = vector.shape_cast %get3A_98 : vector<16xi32> to vector<16xi32>
        %eq3A_100 = arith.cmpi eq, %get3A_96, %get3A_99 : vector<16xi32>
        %jit3A_101 = arith.constant 10000 : i32
        %broadcast_in_dim3A_102 = vector.broadcast %jit3A_101 : i32 to vector<16xi32>
        %select_n3A_103 = arith.select %eq3A_100, %broadcast_in_dim3A_102, %get3A_96 : vector<16xi1>, vector<16xi32>
        %swap3A_104 = arith.constant 80 : index
        %swap3A_105 = tpu.vector_load %arg9[%swap3A_104] {strides = array<i32>} : memref<128xi32, #tpu.memory_space<vmem>>, vector<16xi32>,
        %swap3A_106 = vector.shape_cast %swap3A_105 : vector<16xi32> to vector<16xi32>
        %swap3A_107 = vector.shape_cast %select_n3A_103 : vector<16xi32> to vector<16xi32>
        tpu.vector_store %arg9[%swap3A_104], %swap3A_107 {strides = array<i32>} : memref<128xi32, #tpu.memory_space<vmem>>, vector<16xi32>,
        %get3A_108 = arith.constant 96 : index
        %get3A_109 = tpu.vector_load %arg9[%get3A_108] {strides = array<i32>} : memref<128xi32, #tpu.memory_space<vmem>>, vector<16xi32>,
        %get3A_110 = vector.shape_cast %get3A_109 : vector<16xi32> to vector<16xi32>
        %get3A_111 = arith.constant 96 : index
        %get3A_112 = tpu.vector_load %arg8[%get3A_111] {strides = array<i32>} : memref<128xi32, #tpu.memory_space<vmem>>, vector<16xi32>,
        %get3A_113 = vector.shape_cast %get3A_112 : vector<16xi32> to vector<16xi32>
        %eq3A_114 = arith.cmpi eq, %get3A_110, %get3A_113 : vector<16xi32>
        %jit3A_115 = arith.constant 10000 : i32
        %broadcast_in_dim3A_116 = vector.broadcast %jit3A_115 : i32 to vector<16xi32>
        %select_n3A_117 = arith.select %eq3A_114, %broadcast_in_dim3A_116, %get3A_110 : vector<16xi1>, vector<16xi32>
        %swap3A_118 = arith.constant 96 : index
        %swap3A_119 = tpu.vector_load %arg9[%swap3A_118] {strides = array<i32>} : memref<128xi32, #tpu.memory_space<vmem>>, vector<16xi32>,
        %swap3A_120 = vector.shape_cast %swap3A_119 : vector<16xi32> to vector<16xi32>
        %swap3A_121 = vector.shape_cast %select_n3A_117 : vector<16xi32> to vector<16xi32>
        tpu.vector_store %arg9[%swap3A_118], %swap3A_121 {strides = array<i32>} : memref<128xi32, #tpu.memory_space<vmem>>, vector<16xi32>,
        %get3A_122 = arith.constant 112 : index
        %get3A_123 = tpu.vector_load %arg9[%get3A_122] {strides = array<i32>} : memref<128xi32, #tpu.memory_space<vmem>>, vector<16xi32>,
        %get3A_124 = vector.shape_cast %get3A_123 : vector<16xi32> to vector<16xi32>
        %get3A_125 = arith.constant 112 : index
        %get3A_126 = tpu.vector_load %arg8[%get3A_125] {strides = array<i32>} : memref<128xi32, #tpu.memory_space<vmem>>, vector<16xi32>,
        %get3A_127 = vector.shape_cast %get3A_126 : vector<16xi32> to vector<16xi32>
        %eq3A_128 = arith.cmpi eq, %get3A_124, %get3A_127 : vector<16xi32>
        %jit3A_129 = arith.constant 10000 : i32
        %broadcast_in_dim3A_130 = vector.broadcast %jit3A_129 : i32 to vector<16xi32>
        %select_n3A_131 = arith.select %eq3A_128, %broadcast_in_dim3A_130, %get3A_124 : vector<16xi1>, vector<16xi32>
        %swap3A_132 = arith.constant 112 : index
        %swap3A_133 = tpu.vector_load %arg9[%swap3A_132] {strides = array<i32>} : memref<128xi32, #tpu.memory_space<vmem>>, vector<16xi32>,
        %swap3A_134 = vector.shape_cast %swap3A_133 : vector<16xi32> to vector<16xi32>
        %swap3A_135 = vector.shape_cast %select_n3A_131 : vector<16xi32> to vector<16xi32>
        tpu.vector_store %arg9[%swap3A_132], %swap3A_135 {strides = array<i32>} : memref<128xi32, #tpu.memory_space<vmem>>, vector<16xi32>,
        %dma_start3A = arith.constant 0 : i32
        %dma_start3A_136 = arith.constant 0 : i32
        %dma_start3A_137 = tpu.memref_slice %arg2[%dma_start3A, %dma_start3A_136] : memref<10000x128xf32, #tpu.memory_space<hbm>> -> memref<10000x128xf32, #tpu.memory_space<hbm>>
        tpu.enqueue_indirect_dma source(%dma_start3A_137 : memref<10000x128xf32, #tpu.memory_space<hbm>>) target(%arg10 : memref<128x128xf32, #tpu.memory_space<vmem>>) offsets(%arg8 : memref<128xi32, #tpu.memory_space<vmem>>) semaphore(%arg12 : memref<!tpu.dma_semaphore, #tpu.memory_space<semaphore_mem>>)
        %dma_wait3A = arith.constant 0 : i32
        %dma_wait3A_138 = arith.constant 0 : i32
        %dma_wait3A_139 = tpu.memref_slice %arg2[%dma_wait3A, %dma_wait3A_138] : memref<10000x128xf32, #tpu.memory_space<hbm>> -> memref<10000x128xf32, #tpu.memory_space<hbm>>
        tpu.wait_indirect_dma semaphore(%arg12 : memref<!tpu.dma_semaphore, #tpu.memory_space<semaphore_mem>>) src(%dma_wait3A_139 : memref<10000x128xf32, #tpu.memory_space<hbm>>) dst(%arg10 : memref<128x128xf32, #tpu.memory_space<vmem>>)
        "tpu.region"() ({
          %run_scoped3A = tpu.sem_alloc : memref<!tpu.dma_semaphore, #tpu.memory_space<semaphore_mem>>
          %dma_start3A_140 = arith.constant 0 : i32
          %dma_start3A_141 = arith.constant 0 : i32
          %dma_start3A_142 = tpu.memref_slice %arg11[%dma_start3A_140, %dma_start3A_141] : memref<10016x128xf32, #tpu.memory_space<vmem_shared>> -> memref<10016x128xf32, #tpu.memory_space<vmem_shared>>
          tpu.enqueue_indirect_dma source(%arg10 : memref<128x128xf32, #tpu.memory_space<vmem>>) target(%dma_start3A_142 : memref<10016x128xf32, #tpu.memory_space<vmem_shared>>) offsets(%arg9 : memref<128xi32, #tpu.memory_space<vmem>>) semaphore(%run_scoped3A : memref<!tpu.dma_semaphore, #tpu.memory_space<semaphore_mem>>) {add = true}
          %dma_wait3A_143 = arith.constant 0 : i32
          %dma_wait3A_144 = arith.constant 0 : i32
          %dma_wait3A_145 = tpu.memref_slice %arg11[%dma_wait3A_143, %dma_wait3A_144] : memref<10016x128xf32, #tpu.memory_space<vmem_shared>> -> memref<10016x128xf32, #tpu.memory_space<vmem_shared>>
          tpu.wait_indirect_dma semaphore(%run_scoped3A : memref<!tpu.dma_semaphore, #tpu.memory_space<semaphore_mem>>) src(%arg10 : memref<128x128xf32, #tpu.memory_space<vmem>>) dst(%dma_wait3A_145 : memref<10016x128xf32, #tpu.memory_space<vmem_shared>>)
          tpu.yield
        }) : () -> ()
      }
      %scan3A_17 = arith.constant 158 : i32
      %barrier3A_18 = arith.constant 0 : index
      tpu.barrier barrier_id(%barrier3A_18)
      "tpu.region"() ({
        %run_scoped3A = tpu.sem_alloc : memref<!tpu.dma_semaphore, #tpu.memory_space<semaphore_mem>>
        %dma_start3A = arith.constant 0 : i32
        %dma_start3A_24 = tpu.memref_slice %arg6[%mul3A_7, %dma_start3A] : memref<10000x128xf32, #tpu.memory_space<hbm>> -> memref<624x128xf32, #tpu.memory_space<hbm>>
        %dma_start3A_25 = arith.constant 0 : i32
        %dma_start3A_26 = tpu.memref_slice %arg11[%mul3A_7, %dma_start3A_25] : memref<10016x128xf32, #tpu.memory_space<vmem_shared>> -> memref<624x128xf32, #tpu.memory_space<vmem_shared>>
        tpu.enqueue_dma source(%dma_start3A_26 : memref<624x128xf32, #tpu.memory_space<vmem_shared>>) target(%dma_start3A_24 : memref<624x128xf32, #tpu.memory_space<hbm>>) target_semaphore(%run_scoped3A : memref<!tpu.dma_semaphore, #tpu.memory_space<semaphore_mem>>)
        %dma_wait3A = arith.constant 0 : i32
        %dma_wait3A_27 = tpu.memref_slice %arg6[%mul3A_7, %dma_wait3A] : memref<10000x128xf32, #tpu.memory_space<hbm>> -> memref<624x128xf32, #tpu.memory_space<hbm>>
        %dma_wait3A_28 = arith.constant 0 : i32
        %dma_wait3A_29 = tpu.memref_slice %arg11[%mul3A_7, %dma_wait3A_28] : memref<10016x128xf32, #tpu.memory_space<vmem_shared>> -> memref<624x128xf32, #tpu.memory_space<vmem_shared>>
        tpu.wait_dma2 semaphore(%run_scoped3A : memref<!tpu.dma_semaphore, #tpu.memory_space<semaphore_mem>>) src(%dma_wait3A_29 : memref<624x128xf32, #tpu.memory_space<vmem_shared>>) dst(%dma_wait3A_27 : memref<624x128xf32, #tpu.memory_space<hbm>>)
        tpu.yield
      }) : () -> ()
      %eq3A_19 = arith.constant 0 : i32
      %eq3A_20 = arith.cmpi eq, %arg1, %eq3A_19 : i32
      %convert_element_type3A_21 = arith.extui %eq3A_20 : i1 to i32
      %cond3A_22 = arith.constant 0 : i32
      %cond3A_23 = arith.cmpi ne, %convert_element_type3A_21, %cond3A_22 : i32
      scf.if %cond3A_23 {
        "tpu.region"() ({
          %run_scoped3A = tpu.sem_alloc : memref<!tpu.dma_semaphore, #tpu.memory_space<semaphore_mem>>
          %dma_start3A = arith.constant 9984 : i32
          %dma_start3A_24 = arith.constant 0 : i32
          %dma_start3A_25 = tpu.memref_slice %arg6[%dma_start3A, %dma_start3A_24] : memref<10000x128xf32, #tpu.memory_space<hbm>> -> memref<16x128xf32, #tpu.memory_space<hbm>>
          %dma_start3A_26 = arith.constant 9984 : i32
          %dma_start3A_27 = arith.constant 0 : i32
          %dma_start3A_28 = tpu.memref_slice %arg11[%dma_start3A_26, %dma_start3A_27] : memref<10016x128xf32, #tpu.memory_space<vmem_shared>> -> memref<16x128xf32, #tpu.memory_space<vmem_shared>>
          tpu.enqueue_dma source(%dma_start3A_28 : memref<16x128xf32, #tpu.memory_space<vmem_shared>>) target(%dma_start3A_25 : memref<16x128xf32, #tpu.memory_space<hbm>>) target_semaphore(%run_scoped3A : memref<!tpu.dma_semaphore, #tpu.memory_space<semaphore_mem>>)
          %dma_wait3A = arith.constant 9984 : i32
          %dma_wait3A_29 = arith.constant 0 : i32
          %dma_wait3A_30 = tpu.memref_slice %arg6[%dma_wait3A, %dma_wait3A_29] : memref<10000x128xf32, #tpu.memory_space<hbm>> -> memref<16x128xf32, #tpu.memory_space<hbm>>
          %dma_wait3A_31 = arith.constant 9984 : i32
          %dma_wait3A_32 = arith.constant 0 : i32
          %dma_wait3A_33 = tpu.memref_slice %arg11[%dma_wait3A_31, %dma_wait3A_32] : memref<10016x128xf32, #tpu.memory_space<vmem_shared>> -> memref<16x128xf32, #tpu.memory_space<vmem_shared>>
          tpu.wait_dma2 semaphore(%run_scoped3A : memref<!tpu.dma_semaphore, #tpu.memory_space<semaphore_mem>>) src(%dma_wait3A_33 : memref<16x128xf32, #tpu.memory_space<vmem_shared>>) dst(%dma_wait3A_30 : memref<16x128xf32, #tpu.memory_space<hbm>>)
          tpu.yield
        }) : () -> ()
      } else {
      }
    } else {
    }
    %eq3A_2 = arith.constant 1 : i32
    %eq3A_3 = arith.cmpi eq, %arg0, %eq3A_2 : i32
    %convert_element_type3A_4 = arith.extui %eq3A_3 : i1 to i32
    %cond3A_5 = arith.constant 0 : i32
    %cond3A_6 = arith.cmpi ne, %convert_element_type3A_4, %cond3A_5 : i32
    scf.if %cond3A_6 {
      %mul3A = arith.constant 624 : i32
      %mul3A_7 = arith.muli %arg1, %mul3A : i32
      "tpu.region"() ({
        %run_scoped3A = tpu.sem_alloc : memref<!tpu.dma_semaphore, #tpu.memory_space<semaphore_mem>>
        %dma_start3A = arith.constant 0 : i32
        %dma_start3A_24 = tpu.memref_slice %arg11[%mul3A_7, %dma_start3A] : memref<10016x128xf32, #tpu.memory_space<vmem_shared>> -> memref<624x128xf32, #tpu.memory_space<vmem_shared>>
        %dma_start3A_25 = arith.constant 0 : i32
        %dma_start3A_26 = tpu.memref_slice %arg3[%mul3A_7, %dma_start3A_25] : memref<10000x128xf32, #tpu.memory_space<hbm>> -> memref<624x128xf32, #tpu.memory_space<hbm>>
        tpu.enqueue_dma source(%dma_start3A_26 : memref<624x128xf32, #tpu.memory_space<hbm>>) target(%dma_start3A_24 : memref<624x128xf32, #tpu.memory_space<vmem_shared>>) target_semaphore(%run_scoped3A : memref<!tpu.dma_semaphore, #tpu.memory_space<semaphore_mem>>)
        %dma_wait3A = arith.constant 0 : i32
        %dma_wait3A_27 = tpu.memref_slice %arg11[%mul3A_7, %dma_wait3A] : memref<10016x128xf32, #tpu.memory_space<vmem_shared>> -> memref<624x128xf32, #tpu.memory_space<vmem_shared>>
        %dma_wait3A_28 = arith.constant 0 : i32
        %dma_wait3A_29 = tpu.memref_slice %arg3[%mul3A_7, %dma_wait3A_28] : memref<10000x128xf32, #tpu.memory_space<hbm>> -> memref<624x128xf32, #tpu.memory_space<hbm>>
        tpu.wait_dma2 semaphore(%run_scoped3A : memref<!tpu.dma_semaphore, #tpu.memory_space<semaphore_mem>>) src(%dma_wait3A_29 : memref<624x128xf32, #tpu.memory_space<hbm>>) dst(%dma_wait3A_27 : memref<624x128xf32, #tpu.memory_space<vmem_shared>>)
        tpu.yield
      }) : () -> ()
      %eq3A_8 = arith.constant 0 : i32
      %eq3A_9 = arith.cmpi eq, %arg1, %eq3A_8 : i32
      %convert_element_type3A_10 = arith.extui %eq3A_9 : i1 to i32
      %cond3A_11 = arith.constant 0 : i32
      %cond3A_12 = arith.cmpi ne, %convert_element_type3A_10, %cond3A_11 : i32
      scf.if %cond3A_12 {
        "tpu.region"() ({
          %run_scoped3A = tpu.sem_alloc : memref<!tpu.dma_semaphore, #tpu.memory_space<semaphore_mem>>
          %dma_start3A = arith.constant 9984 : i32
          %dma_start3A_24 = arith.constant 0 : i32
          %dma_start3A_25 = tpu.memref_slice %arg11[%dma_start3A, %dma_start3A_24] : memref<10016x128xf32, #tpu.memory_space<vmem_shared>> -> memref<16x128xf32, #tpu.memory_space<vmem_shared>>
          %dma_start3A_26 = arith.constant 9984 : i32
          %dma_start3A_27 = arith.constant 0 : i32
          %dma_start3A_28 = tpu.memref_slice %arg3[%dma_start3A_26, %dma_start3A_27] : memref<10000x128xf32, #tpu.memory_space<hbm>> -> memref<16x128xf32, #tpu.memory_space<hbm>>
          tpu.enqueue_dma source(%dma_start3A_28 : memref<16x128xf32, #tpu.memory_space<hbm>>) target(%dma_start3A_25 : memref<16x128xf32, #tpu.memory_space<vmem_shared>>) target_semaphore(%run_scoped3A : memref<!tpu.dma_semaphore, #tpu.memory_space<semaphore_mem>>)
          %dma_wait3A = arith.constant 9984 : i32
          %dma_wait3A_29 = arith.constant 0 : i32
          %dma_wait3A_30 = tpu.memref_slice %arg11[%dma_wait3A, %dma_wait3A_29] : memref<10016x128xf32, #tpu.memory_space<vmem_shared>> -> memref<16x128xf32, #tpu.memory_space<vmem_shared>>
          %dma_wait3A_31 = arith.constant 9984 : i32
          %dma_wait3A_32 = arith.constant 0 : i32
          %dma_wait3A_33 = tpu.memref_slice %arg3[%dma_wait3A_31, %dma_wait3A_32] : memref<10000x128xf32, #tpu.memory_space<hbm>> -> memref<16x128xf32, #tpu.memory_space<hbm>>
          tpu.wait_dma2 semaphore(%run_scoped3A : memref<!tpu.dma_semaphore, #tpu.memory_space<semaphore_mem>>) src(%dma_wait3A_33 : memref<16x128xf32, #tpu.memory_space<hbm>>) dst(%dma_wait3A_30 : memref<16x128xf32, #tpu.memory_space<vmem_shared>>)
          tpu.yield
        }) : () -> ()
      } else {
      }
      %barrier3A = arith.constant 0 : index
      tpu.barrier barrier_id(%barrier3A)
      %scan3A = arith.constant 0 : i32
      %scan3A_13 = arith.constant 0 : i32
      %scan3A_14 = arith.constant 158 : i32
      %scan3A_15 = arith.addi %scan3A_13, %scan3A_14 : i32
      %scan3A_16 = arith.constant 1 : i32
      scf.for %scan3A_24 = %scan3A_13 to %scan3A_15 step %scan3A_16  : i32 {
        %mul3A_25 = arith.constant 20224 : i32
        %mul3A_26 = arith.muli %arg1, %mul3A_25 : i32
        %mul3A_27 = arith.constant 128 : i32
        %mul3A_28 = arith.muli %scan3A_24, %mul3A_27 : i32
        %add3A = arith.addi %mul3A_26, %mul3A_28 : i32
        "tpu.region"() ({
          %run_scoped3A = tpu.sem_alloc : memref<!tpu.dma_semaphore, #tpu.memory_space<semaphore_mem>>
          %dma_start3A_140 = tpu.memref_slice %arg5[%add3A] : memref<323584xi32, #tpu.memory_space<hbm>> -> memref<128xi32, #tpu.memory_space<hbm>>
          %dma_start3A_141 = tpu.memref_slice %arg5[%add3A] : memref<323584xi32, #tpu.memory_space<hbm>> -> memref<128xi32, #tpu.memory_space<hbm>>
          tpu.enqueue_dma source(%dma_start3A_141 : memref<128xi32, #tpu.memory_space<hbm>>) target(%arg8 : memref<128xi32, #tpu.memory_space<vmem>>) target_semaphore(%run_scoped3A : memref<!tpu.dma_semaphore, #tpu.memory_space<semaphore_mem>>)
          %dma_wait3A_142 = tpu.memref_slice %arg5[%add3A] : memref<323584xi32, #tpu.memory_space<hbm>> -> memref<128xi32, #tpu.memory_space<hbm>>
          %dma_wait3A_143 = tpu.memref_slice %arg5[%add3A] : memref<323584xi32, #tpu.memory_space<hbm>> -> memref<128xi32, #tpu.memory_space<hbm>>
          tpu.wait_dma2 semaphore(%run_scoped3A : memref<!tpu.dma_semaphore, #tpu.memory_space<semaphore_mem>>) src(%dma_wait3A_143 : memref<128xi32, #tpu.memory_space<hbm>>) dst(%arg8 : memref<128xi32, #tpu.memory_space<vmem>>)
          tpu.yield
        }) : () -> ()
        "tpu.region"() ({
          %run_scoped3A = tpu.sem_alloc : memref<!tpu.dma_semaphore, #tpu.memory_space<semaphore_mem>>
          %dma_start3A_140 = tpu.memref_slice %arg4[%add3A] : memref<323584xi32, #tpu.memory_space<hbm>> -> memref<128xi32, #tpu.memory_space<hbm>>
          %dma_start3A_141 = tpu.memref_slice %arg4[%add3A] : memref<323584xi32, #tpu.memory_space<hbm>> -> memref<128xi32, #tpu.memory_space<hbm>>
          tpu.enqueue_dma source(%dma_start3A_141 : memref<128xi32, #tpu.memory_space<hbm>>) target(%arg9 : memref<128xi32, #tpu.memory_space<vmem>>) target_semaphore(%run_scoped3A : memref<!tpu.dma_semaphore, #tpu.memory_space<semaphore_mem>>)
          %dma_wait3A_142 = tpu.memref_slice %arg4[%add3A] : memref<323584xi32, #tpu.memory_space<hbm>> -> memref<128xi32, #tpu.memory_space<hbm>>
          %dma_wait3A_143 = tpu.memref_slice %arg4[%add3A] : memref<323584xi32, #tpu.memory_space<hbm>> -> memref<128xi32, #tpu.memory_space<hbm>>
          tpu.wait_dma2 semaphore(%run_scoped3A : memref<!tpu.dma_semaphore, #tpu.memory_space<semaphore_mem>>) src(%dma_wait3A_143 : memref<128xi32, #tpu.memory_space<hbm>>) dst(%arg9 : memref<128xi32, #tpu.memory_space<vmem>>)
          tpu.yield
        }) : () -> ()
        %get3A = arith.constant 0 : index
        %get3A_29 = tpu.vector_load %arg9[%get3A] {strides = array<i32>} : memref<128xi32, #tpu.memory_space<vmem>>, vector<16xi32>,
        %get3A_30 = vector.shape_cast %get3A_29 : vector<16xi32> to vector<16xi32>
        %get3A_31 = arith.constant 0 : index
        %get3A_32 = tpu.vector_load %arg8[%get3A_31] {strides = array<i32>} : memref<128xi32, #tpu.memory_space<vmem>>, vector<16xi32>,
        %get3A_33 = vector.shape_cast %get3A_32 : vector<16xi32> to vector<16xi32>
        %eq3A_34 = arith.cmpi eq, %get3A_30, %get3A_33 : vector<16xi32>
        %jit3A = arith.constant 10000 : i32
        %broadcast_in_dim3A = vector.broadcast %jit3A : i32 to vector<16xi32>
        %select_n3A = arith.select %eq3A_34, %broadcast_in_dim3A, %get3A_30 : vector<16xi1>, vector<16xi32>
        %swap3A = arith.constant 0 : index
        %swap3A_35 = tpu.vector_load %arg9[%swap3A] {strides = array<i32>} : memref<128xi32, #tpu.memory_space<vmem>>, vector<16xi32>,
        %swap3A_36 = vector.shape_cast %swap3A_35 : vector<16xi32> to vector<16xi32>
        %swap3A_37 = vector.shape_cast %select_n3A : vector<16xi32> to vector<16xi32>
        tpu.vector_store %arg9[%swap3A], %swap3A_37 {strides = array<i32>} : memref<128xi32, #tpu.memory_space<vmem>>, vector<16xi32>,
        %get3A_38 = arith.constant 16 : index
        %get3A_39 = tpu.vector_load %arg9[%get3A_38] {strides = array<i32>} : memref<128xi32, #tpu.memory_space<vmem>>, vector<16xi32>,
        %get3A_40 = vector.shape_cast %get3A_39 : vector<16xi32> to vector<16xi32>
        %get3A_41 = arith.constant 16 : index
        %get3A_42 = tpu.vector_load %arg8[%get3A_41] {strides = array<i32>} : memref<128xi32, #tpu.memory_space<vmem>>, vector<16xi32>,
        %get3A_43 = vector.shape_cast %get3A_42 : vector<16xi32> to vector<16xi32>
        %eq3A_44 = arith.cmpi eq, %get3A_40, %get3A_43 : vector<16xi32>
        %jit3A_45 = arith.constant 10000 : i32
        %broadcast_in_dim3A_46 = vector.broadcast %jit3A_45 : i32 to vector<16xi32>
        %select_n3A_47 = arith.select %eq3A_44, %broadcast_in_dim3A_46, %get3A_40 : vector<16xi1>, vector<16xi32>
        %swap3A_48 = arith.constant 16 : index
        %swap3A_49 = tpu.vector_load %arg9[%swap3A_48] {strides = array<i32>} : memref<128xi32, #tpu.memory_space<vmem>>, vector<16xi32>,
        %swap3A_50 = vector.shape_cast %swap3A_49 : vector<16xi32> to vector<16xi32>
        %swap3A_51 = vector.shape_cast %select_n3A_47 : vector<16xi32> to vector<16xi32>
        tpu.vector_store %arg9[%swap3A_48], %swap3A_51 {strides = array<i32>} : memref<128xi32, #tpu.memory_space<vmem>>, vector<16xi32>,
        %get3A_52 = arith.constant 32 : index
        %get3A_53 = tpu.vector_load %arg9[%get3A_52] {strides = array<i32>} : memref<128xi32, #tpu.memory_space<vmem>>, vector<16xi32>,
        %get3A_54 = vector.shape_cast %get3A_53 : vector<16xi32> to vector<16xi32>
        %get3A_55 = arith.constant 32 : index
        %get3A_56 = tpu.vector_load %arg8[%get3A_55] {strides = array<i32>} : memref<128xi32, #tpu.memory_space<vmem>>, vector<16xi32>,
        %get3A_57 = vector.shape_cast %get3A_56 : vector<16xi32> to vector<16xi32>
        %eq3A_58 = arith.cmpi eq, %get3A_54, %get3A_57 : vector<16xi32>
        %jit3A_59 = arith.constant 10000 : i32
        %broadcast_in_dim3A_60 = vector.broadcast %jit3A_59 : i32 to vector<16xi32>
        %select_n3A_61 = arith.select %eq3A_58, %broadcast_in_dim3A_60, %get3A_54 : vector<16xi1>, vector<16xi32>
        %swap3A_62 = arith.constant 32 : index
        %swap3A_63 = tpu.vector_load %arg9[%swap3A_62] {strides = array<i32>} : memref<128xi32, #tpu.memory_space<vmem>>, vector<16xi32>,
        %swap3A_64 = vector.shape_cast %swap3A_63 : vector<16xi32> to vector<16xi32>
        %swap3A_65 = vector.shape_cast %select_n3A_61 : vector<16xi32> to vector<16xi32>
        tpu.vector_store %arg9[%swap3A_62], %swap3A_65 {strides = array<i32>} : memref<128xi32, #tpu.memory_space<vmem>>, vector<16xi32>,
        %get3A_66 = arith.constant 48 : index
        %get3A_67 = tpu.vector_load %arg9[%get3A_66] {strides = array<i32>} : memref<128xi32, #tpu.memory_space<vmem>>, vector<16xi32>,
        %get3A_68 = vector.shape_cast %get3A_67 : vector<16xi32> to vector<16xi32>
        %get3A_69 = arith.constant 48 : index
        %get3A_70 = tpu.vector_load %arg8[%get3A_69] {strides = array<i32>} : memref<128xi32, #tpu.memory_space<vmem>>, vector<16xi32>,
        %get3A_71 = vector.shape_cast %get3A_70 : vector<16xi32> to vector<16xi32>
        %eq3A_72 = arith.cmpi eq, %get3A_68, %get3A_71 : vector<16xi32>
        %jit3A_73 = arith.constant 10000 : i32
        %broadcast_in_dim3A_74 = vector.broadcast %jit3A_73 : i32 to vector<16xi32>
        %select_n3A_75 = arith.select %eq3A_72, %broadcast_in_dim3A_74, %get3A_68 : vector<16xi1>, vector<16xi32>
        %swap3A_76 = arith.constant 48 : index
        %swap3A_77 = tpu.vector_load %arg9[%swap3A_76] {strides = array<i32>} : memref<128xi32, #tpu.memory_space<vmem>>, vector<16xi32>,
        %swap3A_78 = vector.shape_cast %swap3A_77 : vector<16xi32> to vector<16xi32>
        %swap3A_79 = vector.shape_cast %select_n3A_75 : vector<16xi32> to vector<16xi32>
        tpu.vector_store %arg9[%swap3A_76], %swap3A_79 {strides = array<i32>} : memref<128xi32, #tpu.memory_space<vmem>>, vector<16xi32>,
        %get3A_80 = arith.constant 64 : index
        %get3A_81 = tpu.vector_load %arg9[%get3A_80] {strides = array<i32>} : memref<128xi32, #tpu.memory_space<vmem>>, vector<16xi32>,
        %get3A_82 = vector.shape_cast %get3A_81 : vector<16xi32> to vector<16xi32>
        %get3A_83 = arith.constant 64 : index
        %get3A_84 = tpu.vector_load %arg8[%get3A_83] {strides = array<i32>} : memref<128xi32, #tpu.memory_space<vmem>>, vector<16xi32>,
        %get3A_85 = vector.shape_cast %get3A_84 : vector<16xi32> to vector<16xi32>
        %eq3A_86 = arith.cmpi eq, %get3A_82, %get3A_85 : vector<16xi32>
        %jit3A_87 = arith.constant 10000 : i32
        %broadcast_in_dim3A_88 = vector.broadcast %jit3A_87 : i32 to vector<16xi32>
        %select_n3A_89 = arith.select %eq3A_86, %broadcast_in_dim3A_88, %get3A_82 : vector<16xi1>, vector<16xi32>
        %swap3A_90 = arith.constant 64 : index
        %swap3A_91 = tpu.vector_load %arg9[%swap3A_90] {strides = array<i32>} : memref<128xi32, #tpu.memory_space<vmem>>, vector<16xi32>,
        %swap3A_92 = vector.shape_cast %swap3A_91 : vector<16xi32> to vector<16xi32>
        %swap3A_93 = vector.shape_cast %select_n3A_89 : vector<16xi32> to vector<16xi32>
        tpu.vector_store %arg9[%swap3A_90], %swap3A_93 {strides = array<i32>} : memref<128xi32, #tpu.memory_space<vmem>>, vector<16xi32>,
        %get3A_94 = arith.constant 80 : index
        %get3A_95 = tpu.vector_load %arg9[%get3A_94] {strides = array<i32>} : memref<128xi32, #tpu.memory_space<vmem>>, vector<16xi32>,
        %get3A_96 = vector.shape_cast %get3A_95 : vector<16xi32> to vector<16xi32>
        %get3A_97 = arith.constant 80 : index
        %get3A_98 = tpu.vector_load %arg8[%get3A_97] {strides = array<i32>} : memref<128xi32, #tpu.memory_space<vmem>>, vector<16xi32>,
        %get3A_99 = vector.shape_cast %get3A_98 : vector<16xi32> to vector<16xi32>
        %eq3A_100 = arith.cmpi eq, %get3A_96, %get3A_99 : vector<16xi32>
        %jit3A_101 = arith.constant 10000 : i32
        %broadcast_in_dim3A_102 = vector.broadcast %jit3A_101 : i32 to vector<16xi32>
        %select_n3A_103 = arith.select %eq3A_100, %broadcast_in_dim3A_102, %get3A_96 : vector<16xi1>, vector<16xi32>
        %swap3A_104 = arith.constant 80 : index
        %swap3A_105 = tpu.vector_load %arg9[%swap3A_104] {strides = array<i32>} : memref<128xi32, #tpu.memory_space<vmem>>, vector<16xi32>,
        %swap3A_106 = vector.shape_cast %swap3A_105 : vector<16xi32> to vector<16xi32>
        %swap3A_107 = vector.shape_cast %select_n3A_103 : vector<16xi32> to vector<16xi32>
        tpu.vector_store %arg9[%swap3A_104], %swap3A_107 {strides = array<i32>} : memref<128xi32, #tpu.memory_space<vmem>>, vector<16xi32>,
        %get3A_108 = arith.constant 96 : index
        %get3A_109 = tpu.vector_load %arg9[%get3A_108] {strides = array<i32>} : memref<128xi32, #tpu.memory_space<vmem>>, vector<16xi32>,
        %get3A_110 = vector.shape_cast %get3A_109 : vector<16xi32> to vector<16xi32>
        %get3A_111 = arith.constant 96 : index
        %get3A_112 = tpu.vector_load %arg8[%get3A_111] {strides = array<i32>} : memref<128xi32, #tpu.memory_space<vmem>>, vector<16xi32>,
        %get3A_113 = vector.shape_cast %get3A_112 : vector<16xi32> to vector<16xi32>
        %eq3A_114 = arith.cmpi eq, %get3A_110, %get3A_113 : vector<16xi32>
        %jit3A_115 = arith.constant 10000 : i32
        %broadcast_in_dim3A_116 = vector.broadcast %jit3A_115 : i32 to vector<16xi32>
        %select_n3A_117 = arith.select %eq3A_114, %broadcast_in_dim3A_116, %get3A_110 : vector<16xi1>, vector<16xi32>
        %swap3A_118 = arith.constant 96 : index
        %swap3A_119 = tpu.vector_load %arg9[%swap3A_118] {strides = array<i32>} : memref<128xi32, #tpu.memory_space<vmem>>, vector<16xi32>,
        %swap3A_120 = vector.shape_cast %swap3A_119 : vector<16xi32> to vector<16xi32>
        %swap3A_121 = vector.shape_cast %select_n3A_117 : vector<16xi32> to vector<16xi32>
        tpu.vector_store %arg9[%swap3A_118], %swap3A_121 {strides = array<i32>} : memref<128xi32, #tpu.memory_space<vmem>>, vector<16xi32>,
        %get3A_122 = arith.constant 112 : index
        %get3A_123 = tpu.vector_load %arg9[%get3A_122] {strides = array<i32>} : memref<128xi32, #tpu.memory_space<vmem>>, vector<16xi32>,
        %get3A_124 = vector.shape_cast %get3A_123 : vector<16xi32> to vector<16xi32>
        %get3A_125 = arith.constant 112 : index
        %get3A_126 = tpu.vector_load %arg8[%get3A_125] {strides = array<i32>} : memref<128xi32, #tpu.memory_space<vmem>>, vector<16xi32>,
        %get3A_127 = vector.shape_cast %get3A_126 : vector<16xi32> to vector<16xi32>
        %eq3A_128 = arith.cmpi eq, %get3A_124, %get3A_127 : vector<16xi32>
        %jit3A_129 = arith.constant 10000 : i32
        %broadcast_in_dim3A_130 = vector.broadcast %jit3A_129 : i32 to vector<16xi32>
        %select_n3A_131 = arith.select %eq3A_128, %broadcast_in_dim3A_130, %get3A_124 : vector<16xi1>, vector<16xi32>
        %swap3A_132 = arith.constant 112 : index
        %swap3A_133 = tpu.vector_load %arg9[%swap3A_132] {strides = array<i32>} : memref<128xi32, #tpu.memory_space<vmem>>, vector<16xi32>,
        %swap3A_134 = vector.shape_cast %swap3A_133 : vector<16xi32> to vector<16xi32>
        %swap3A_135 = vector.shape_cast %select_n3A_131 : vector<16xi32> to vector<16xi32>
        tpu.vector_store %arg9[%swap3A_132], %swap3A_135 {strides = array<i32>} : memref<128xi32, #tpu.memory_space<vmem>>, vector<16xi32>,
        %dma_start3A = arith.constant 0 : i32
        %dma_start3A_136 = arith.constant 0 : i32
        %dma_start3A_137 = tpu.memref_slice %arg3[%dma_start3A, %dma_start3A_136] : memref<10000x128xf32, #tpu.memory_space<hbm>> -> memref<10000x128xf32, #tpu.memory_space<hbm>>
        tpu.enqueue_indirect_dma source(%dma_start3A_137 : memref<10000x128xf32, #tpu.memory_space<hbm>>) target(%arg10 : memref<128x128xf32, #tpu.memory_space<vmem>>) offsets(%arg8 : memref<128xi32, #tpu.memory_space<vmem>>) semaphore(%arg12 : memref<!tpu.dma_semaphore, #tpu.memory_space<semaphore_mem>>)
        %dma_wait3A = arith.constant 0 : i32
        %dma_wait3A_138 = arith.constant 0 : i32
        %dma_wait3A_139 = tpu.memref_slice %arg3[%dma_wait3A, %dma_wait3A_138] : memref<10000x128xf32, #tpu.memory_space<hbm>> -> memref<10000x128xf32, #tpu.memory_space<hbm>>
        tpu.wait_indirect_dma semaphore(%arg12 : memref<!tpu.dma_semaphore, #tpu.memory_space<semaphore_mem>>) src(%dma_wait3A_139 : memref<10000x128xf32, #tpu.memory_space<hbm>>) dst(%arg10 : memref<128x128xf32, #tpu.memory_space<vmem>>)
        "tpu.region"() ({
          %run_scoped3A = tpu.sem_alloc : memref<!tpu.dma_semaphore, #tpu.memory_space<semaphore_mem>>
          %dma_start3A_140 = arith.constant 0 : i32
          %dma_start3A_141 = arith.constant 0 : i32
          %dma_start3A_142 = tpu.memref_slice %arg11[%dma_start3A_140, %dma_start3A_141] : memref<10016x128xf32, #tpu.memory_space<vmem_shared>> -> memref<10016x128xf32, #tpu.memory_space<vmem_shared>>
          tpu.enqueue_indirect_dma source(%arg10 : memref<128x128xf32, #tpu.memory_space<vmem>>) target(%dma_start3A_142 : memref<10016x128xf32, #tpu.memory_space<vmem_shared>>) offsets(%arg9 : memref<128xi32, #tpu.memory_space<vmem>>) semaphore(%run_scoped3A : memref<!tpu.dma_semaphore, #tpu.memory_space<semaphore_mem>>) {add = true}
          %dma_wait3A_143 = arith.constant 0 : i32
          %dma_wait3A_144 = arith.constant 0 : i32
          %dma_wait3A_145 = tpu.memref_slice %arg11[%dma_wait3A_143, %dma_wait3A_144] : memref<10016x128xf32, #tpu.memory_space<vmem_shared>> -> memref<10016x128xf32, #tpu.memory_space<vmem_shared>>
          tpu.wait_indirect_dma semaphore(%run_scoped3A : memref<!tpu.dma_semaphore, #tpu.memory_space<semaphore_mem>>) src(%arg10 : memref<128x128xf32, #tpu.memory_space<vmem>>) dst(%dma_wait3A_145 : memref<10016x128xf32, #tpu.memory_space<vmem_shared>>)
          tpu.yield
        }) : () -> ()
      }
      %scan3A_17 = arith.constant 158 : i32
      %barrier3A_18 = arith.constant 0 : index
      tpu.barrier barrier_id(%barrier3A_18)
      "tpu.region"() ({
        %run_scoped3A = tpu.sem_alloc : memref<!tpu.dma_semaphore, #tpu.memory_space<semaphore_mem>>
        %dma_start3A = arith.constant 0 : i32
        %dma_start3A_24 = tpu.memref_slice %arg7[%mul3A_7, %dma_start3A] : memref<10000x128xf32, #tpu.memory_space<hbm>> -> memref<624x128xf32, #tpu.memory_space<hbm>>
        %dma_start3A_25 = arith.constant 0 : i32
        %dma_start3A_26 = tpu.memref_slice %arg11[%mul3A_7, %dma_start3A_25] : memref<10016x128xf32, #tpu.memory_space<vmem_shared>> -> memref<624x128xf32, #tpu.memory_space<vmem_shared>>
        tpu.enqueue_dma source(%dma_start3A_26 : memref<624x128xf32, #tpu.memory_space<vmem_shared>>) target(%dma_start3A_24 : memref<624x128xf32, #tpu.memory_space<hbm>>) target_semaphore(%run_scoped3A : memref<!tpu.dma_semaphore, #tpu.memory_space<semaphore_mem>>)
        %dma_wait3A = arith.constant 0 : i32
        %dma_wait3A_27 = tpu.memref_slice %arg7[%mul3A_7, %dma_wait3A] : memref<10000x128xf32, #tpu.memory_space<hbm>> -> memref<624x128xf32, #tpu.memory_space<hbm>>
        %dma_wait3A_28 = arith.constant 0 : i32
        %dma_wait3A_29 = tpu.memref_slice %arg11[%mul3A_7, %dma_wait3A_28] : memref<10016x128xf32, #tpu.memory_space<vmem_shared>> -> memref<624x128xf32, #tpu.memory_space<vmem_shared>>
        tpu.wait_dma2 semaphore(%run_scoped3A : memref<!tpu.dma_semaphore, #tpu.memory_space<semaphore_mem>>) src(%dma_wait3A_29 : memref<624x128xf32, #tpu.memory_space<vmem_shared>>) dst(%dma_wait3A_27 : memref<624x128xf32, #tpu.memory_space<hbm>>)
        tpu.yield
      }) : () -> ()
      %eq3A_19 = arith.constant 0 : i32
      %eq3A_20 = arith.cmpi eq, %arg1, %eq3A_19 : i32
      %convert_element_type3A_21 = arith.extui %eq3A_20 : i1 to i32
      %cond3A_22 = arith.constant 0 : i32
      %cond3A_23 = arith.cmpi ne, %convert_element_type3A_21, %cond3A_22 : i32
      scf.if %cond3A_23 {
        "tpu.region"() ({
          %run_scoped3A = tpu.sem_alloc : memref<!tpu.dma_semaphore, #tpu.memory_space<semaphore_mem>>
          %dma_start3A = arith.constant 9984 : i32
          %dma_start3A_24 = arith.constant 0 : i32
          %dma_start3A_25 = tpu.memref_slice %arg7[%dma_start3A, %dma_start3A_24] : memref<10000x128xf32, #tpu.memory_space<hbm>> -> memref<16x128xf32, #tpu.memory_space<hbm>>
          %dma_start3A_26 = arith.constant 9984 : i32
          %dma_start3A_27 = arith.constant 0 : i32
          %dma_start3A_28 = tpu.memref_slice %arg11[%dma_start3A_26, %dma_start3A_27] : memref<10016x128xf32, #tpu.memory_space<vmem_shared>> -> memref<16x128xf32, #tpu.memory_space<vmem_shared>>
          tpu.enqueue_dma source(%dma_start3A_28 : memref<16x128xf32, #tpu.memory_space<vmem_shared>>) target(%dma_start3A_25 : memref<16x128xf32, #tpu.memory_space<hbm>>) target_semaphore(%run_scoped3A : memref<!tpu.dma_semaphore, #tpu.memory_space<semaphore_mem>>)
          %dma_wait3A = arith.constant 9984 : i32
          %dma_wait3A_29 = arith.constant 0 : i32
          %dma_wait3A_30 = tpu.memref_slice %arg7[%dma_wait3A, %dma_wait3A_29] : memref<10000x128xf32, #tpu.memory_space<hbm>> -> memref<16x128xf32, #tpu.memory_space<hbm>>
          %dma_wait3A_31 = arith.constant 9984 : i32
          %dma_wait3A_32 = arith.constant 0 : i32
          %dma_wait3A_33 = tpu.memref_slice %arg11[%dma_wait3A_31, %dma_wait3A_32] : memref<10016x128xf32, #tpu.memory_space<vmem_shared>> -> memref<16x128xf32, #tpu.memory_space<vmem_shared>>
          tpu.wait_dma2 semaphore(%run_scoped3A : memref<!tpu.dma_semaphore, #tpu.memory_space<semaphore_mem>>) src(%dma_wait3A_33 : memref<16x128xf32, #tpu.memory_space<vmem_shared>>) dst(%dma_wait3A_30 : memref<16x128xf32, #tpu.memory_space<hbm>>)
          tpu.yield
        }) : () -> ()
      } else {
      }
    } else {
    }
    return
  }
}

module attributes {stable_mosaic.version = 14 : i64} {
  func.func @body(%arg0: i32, %arg1: memref<1000x128xf32, #tpu.memory_space<vmem>>, %arg2: memref<1000x128xf32, #tpu.memory_space<vmem>>, %arg3: memref<256x256xf32, #tpu.memory_space<vmem>>, %arg4: memref<1x256xf32, #tpu.memory_space<vmem>>, %arg5: memref<1000x256xf32, #tpu.memory_space<vmem>>) attributes {dimension_semantics = [#tpu.dimension_semantics<arbitrary>], iteration_bounds = array<i64: 10>, scalar_prefetch = 0 : i64, scratch_operands = 0 : i64, tpu.core_type = #tpu.core_type<tc>, window_params = [{transform_indices = @transform_0, window_bounds = array<i64: 1000, 128>}, {transform_indices = @transform_1, window_bounds = array<i64: 1000, 128>}, {pipeline_mode = #tpu.pipeline_mode<synchronous>, transform_indices = @transform_2, window_bounds = array<i64: 256, 256>}, {pipeline_mode = #tpu.pipeline_mode<synchronous>, transform_indices = @transform_3, window_bounds = array<i64: 1, 256>}, {transform_indices = @transform_4, window_bounds = array<i64: 1000, 256>}]} {
    %get3A = arith.constant 0 : index
    %get3A_0 = arith.constant 0 : index
    %get3A_1 = vector.load %arg1[%get3A, %get3A_0] : memref<1000x128xf32, #tpu.memory_space<vmem>>, vector<1000x128xf32>
    %get3A_2 = arith.constant 0 : index
    %get3A_3 = arith.constant 0 : index
    %get3A_4 = vector.load %arg2[%get3A_2, %get3A_3] : memref<1000x128xf32, #tpu.memory_space<vmem>>, vector<1000x128xf32>
    %concatenate3A = tpu.concatenate %get3A_1, %get3A_4 in 1 : vector<1000x128xf32>, vector<1000x128xf32> -> vector<1000x256xf32>
    %max3A = arith.constant 0.000000e+00 : f32
    %max3A_5 = vector.broadcast %max3A : f32 to vector<1000x256xf32>
    %max3A_6 = arith.maximumf %concatenate3A, %max3A_5 : vector<1000x256xf32>
    %get3A_7 = arith.constant 0 : index
    %get3A_8 = arith.constant 0 : index
    %get3A_9 = vector.load %arg3[%get3A_7, %get3A_8] : memref<256x256xf32, #tpu.memory_space<vmem>>, vector<256x256xf32>
    %dot_general3A = arith.constant dense<0.000000e+00> : vector<1000x256xf32>
    %dot_general3A_10 = tpu.matmul %max3A_6, %get3A_9, %dot_general3A {dimension_numbers = #tpu.dot_dimension_numbers<[1], [0], [0], [1], [0, 0, 1, 1], [], []>, transpose_lhs_hint = false} : vector<1000x256xf32>, vector<256x256xf32>, vector<1000x256xf32> -> vector<1000x256xf32>
    %get3A_11 = arith.constant 0 : index
    %get3A_12 = arith.constant 0 : index
    %get3A_13 = vector.load %arg4[%get3A_11, %get3A_12] : memref<1x256xf32, #tpu.memory_space<vmem>>, vector<1x256xf32>
    %add3A = vector.broadcast %get3A_13 : vector<1x256xf32> to vector<1000x256xf32>
    %add3A_14 = arith.addf %dot_general3A_10, %add3A : vector<1000x256xf32>
    %swap3A = arith.constant 0 : index
    %swap3A_15 = arith.constant 0 : index
    %swap3A_16 = vector.load %arg5[%swap3A, %swap3A_15] : memref<1000x256xf32, #tpu.memory_space<vmem>>, vector<1000x256xf32>
    tpu.vector_store %arg5[%swap3A, %swap3A_15], %add3A_14 {strides = array<i32>} : memref<1000x256xf32, #tpu.memory_space<vmem>>, vector<1000x256xf32>,
    return
  }
  func.func @transform_0(%arg0: i32) -> (i32, i32) {
    %c0_i32 = arith.constant 0 : i32
    %c0_i32_0 = arith.constant 0 : i32
    return %arg0, %c0_i32 : i32, i32
  }
  func.func @transform_1(%arg0: i32) -> (i32, i32) {
    %c0_i32 = arith.constant 0 : i32
    %c0_i32_0 = arith.constant 0 : i32
    return %arg0, %c0_i32 : i32, i32
  }
  func.func @transform_2(%arg0: i32) -> (i32, i32) {
    %c0_i32 = arith.constant 0 : i32
    %c0_i32_0 = arith.constant 0 : i32
    %c0_i32_1 = arith.constant 0 : i32
    return %c0_i32, %c0_i32_0 : i32, i32
  }
  func.func @transform_3(%arg0: i32) -> (i32, i32) {
    %c0_i32 = arith.constant 0 : i32
    %c0_i32_0 = arith.constant 0 : i32
    %c0_i32_1 = arith.constant 0 : i32
    return %c0_i32, %c0_i32_0 : i32, i32
  }
  func.func @transform_4(%arg0: i32) -> (i32, i32) {
    %c0_i32 = arith.constant 0 : i32
    %c0_i32_0 = arith.constant 0 : i32
    return %arg0, %c0_i32 : i32, i32
  }
}

module attributes {stable_mosaic.version = 14 : i64} {
  func.func @body(%arg0: i32, %arg1: memref<1000x128xf32, #tpu.memory_space<vmem>>, %arg2: memref<1000x128xf32, #tpu.memory_space<vmem>>, %arg3: memref<128x256xf32, #tpu.memory_space<vmem>>, %arg4: memref<256x256xf32, #tpu.memory_space<vmem>>, %arg5: memref<1000x128xf32, #tpu.memory_space<vmem>>, %arg6: memref<1000x128xf32, #tpu.memory_space<vmem>>) attributes {dimension_semantics = [#tpu.dimension_semantics<arbitrary>], iteration_bounds = array<i64: 10>, scalar_prefetch = 0 : i64, scratch_operands = 0 : i64, tpu.core_type = #tpu.core_type<tc>, window_params = [{transform_indices = @transform_0, window_bounds = array<i64: 1000, 128>}, {transform_indices = @transform_1, window_bounds = array<i64: 1000, 128>}, {pipeline_mode = #tpu.pipeline_mode<synchronous>, transform_indices = @transform_2, window_bounds = array<i64: 128, 256>}, {pipeline_mode = #tpu.pipeline_mode<synchronous>, transform_indices = @transform_3, window_bounds = array<i64: 256, 256>}, {transform_indices = @transform_4, window_bounds = array<i64: 1000, 128>}, {transform_indices = @transform_5, window_bounds = array<i64: 1000, 128>}]} {
    %get3A = arith.constant 0 : index
    %get3A_0 = arith.constant 0 : index
    %get3A_1 = vector.load %arg1[%get3A, %get3A_0] : memref<1000x128xf32, #tpu.memory_space<vmem>>, vector<1000x128xf32>
    %get3A_2 = arith.constant 0 : index
    %get3A_3 = arith.constant 0 : index
    %get3A_4 = vector.load %arg2[%get3A_2, %get3A_3] : memref<1000x128xf32, #tpu.memory_space<vmem>>, vector<1000x128xf32>
    %add3A = arith.addf %get3A_1, %get3A_4 : vector<1000x128xf32>
    %get3A_5 = arith.constant 0 : index
    %get3A_6 = arith.constant 0 : index
    %get3A_7 = vector.load %arg3[%get3A_5, %get3A_6] : memref<128x256xf32, #tpu.memory_space<vmem>>, vector<128x256xf32>
    %dot_general3A = arith.constant dense<0.000000e+00> : vector<1000x256xf32>
    %dot_general3A_8 = tpu.matmul %add3A, %get3A_7, %dot_general3A {dimension_numbers = #tpu.dot_dimension_numbers<[1], [0], [0], [1], [0, 0, 1, 1], [], []>, transpose_lhs_hint = false} : vector<1000x128xf32>, vector<128x256xf32>, vector<1000x256xf32> -> vector<1000x256xf32>
    %max3A = arith.constant 0.000000e+00 : f32
    %max3A_9 = vector.broadcast %max3A : f32 to vector<1000x256xf32>
    %max3A_10 = arith.maximumf %dot_general3A_8, %max3A_9 : vector<1000x256xf32>
    %get3A_11 = arith.constant 0 : index
    %get3A_12 = arith.constant 0 : index
    %get3A_13 = vector.load %arg4[%get3A_11, %get3A_12] : memref<256x256xf32, #tpu.memory_space<vmem>>, vector<256x256xf32>
    %dot_general3A_14 = arith.constant dense<0.000000e+00> : vector<1000x256xf32>
    %dot_general3A_15 = tpu.matmul %max3A_10, %get3A_13, %dot_general3A_14 {dimension_numbers = #tpu.dot_dimension_numbers<[1], [0], [0], [1], [0, 0, 1, 1], [], []>, transpose_lhs_hint = false} : vector<1000x256xf32>, vector<256x256xf32>, vector<1000x256xf32> -> vector<1000x256xf32>
    %max3A_16 = arith.constant 0.000000e+00 : f32
    %max3A_17 = vector.broadcast %max3A_16 : f32 to vector<1000x256xf32>
    %max3A_18 = arith.maximumf %dot_general3A_15, %max3A_17 : vector<1000x256xf32>
    %slice3A = vector.extract_strided_slice %max3A_18 {offsets = [0, 0], sizes = [1000, 128], strides = [1, 1]} : vector<1000x256xf32> to vector<1000x128xf32>
    %swap3A = arith.constant 0 : index
    %swap3A_19 = arith.constant 0 : index
    %swap3A_20 = vector.load %arg5[%swap3A, %swap3A_19] : memref<1000x128xf32, #tpu.memory_space<vmem>>, vector<1000x128xf32>
    tpu.vector_store %arg5[%swap3A, %swap3A_19], %slice3A {strides = array<i32>} : memref<1000x128xf32, #tpu.memory_space<vmem>>, vector<1000x128xf32>,
    %slice3A_21 = vector.extract_strided_slice %max3A_18 {offsets = [0, 128], sizes = [1000, 128], strides = [1, 1]} : vector<1000x256xf32> to vector<1000x128xf32>
    %swap3A_22 = arith.constant 0 : index
    %swap3A_23 = arith.constant 0 : index
    %swap3A_24 = vector.load %arg6[%swap3A_22, %swap3A_23] : memref<1000x128xf32, #tpu.memory_space<vmem>>, vector<1000x128xf32>
    tpu.vector_store %arg6[%swap3A_22, %swap3A_23], %slice3A_21 {strides = array<i32>} : memref<1000x128xf32, #tpu.memory_space<vmem>>, vector<1000x128xf32>,
    return
  }
  func.func @transform_0(%arg0: i32) -> (i32, i32) {
    %c0_i32 = arith.constant 0 : i32
    %c0_i32_0 = arith.constant 0 : i32
    return %arg0, %c0_i32 : i32, i32
  }
  func.func @transform_1(%arg0: i32) -> (i32, i32) {
    %c0_i32 = arith.constant 0 : i32
    %c0_i32_0 = arith.constant 0 : i32
    return %arg0, %c0_i32 : i32, i32
  }
  func.func @transform_2(%arg0: i32) -> (i32, i32) {
    %c0_i32 = arith.constant 0 : i32
    %c0_i32_0 = arith.constant 0 : i32
    %c0_i32_1 = arith.constant 0 : i32
    return %c0_i32, %c0_i32_0 : i32, i32
  }
  func.func @transform_3(%arg0: i32) -> (i32, i32) {
    %c0_i32 = arith.constant 0 : i32
    %c0_i32_0 = arith.constant 0 : i32
    %c0_i32_1 = arith.constant 0 : i32
    return %c0_i32, %c0_i32_0 : i32, i32
  }
  func.func @transform_4(%arg0: i32) -> (i32, i32) {
    %c0_i32 = arith.constant 0 : i32
    %c0_i32_0 = arith.constant 0 : i32
    return %arg0, %c0_i32 : i32, i32
  }
  func.func @transform_5(%arg0: i32) -> (i32, i32) {
    %c0_i32 = arith.constant 0 : i32
    %c0_i32_0 = arith.constant 0 : i32
    return %arg0, %c0_i32 : i32, i32
  }
}

module attributes {stable_mosaic.version = 14 : i64} {
  func.func @body(%arg0: i32, %arg1: memref<1000x128xf32, #tpu.memory_space<vmem>>, %arg2: memref<1000x128xf32, #tpu.memory_space<vmem>>, %arg3: memref<256x256xf32, #tpu.memory_space<vmem>>, %arg4: memref<1x256xf32, #tpu.memory_space<vmem>>, %arg5: memref<1000x128xf32, #tpu.memory_space<vmem>>, %arg6: memref<1000x128xf32, #tpu.memory_space<vmem>>) attributes {dimension_semantics = [#tpu.dimension_semantics<arbitrary>], iteration_bounds = array<i64: 10>, scalar_prefetch = 0 : i64, scratch_operands = 0 : i64, tpu.core_type = #tpu.core_type<tc>, window_params = [{transform_indices = @transform_0, window_bounds = array<i64: 1000, 128>}, {transform_indices = @transform_1, window_bounds = array<i64: 1000, 128>}, {pipeline_mode = #tpu.pipeline_mode<synchronous>, transform_indices = @transform_2, window_bounds = array<i64: 256, 256>}, {pipeline_mode = #tpu.pipeline_mode<synchronous>, transform_indices = @transform_3, window_bounds = array<i64: 1, 256>}, {transform_indices = @transform_4, window_bounds = array<i64: 1000, 128>}, {transform_indices = @transform_5, window_bounds = array<i64: 1000, 128>}]} {
    %get3A = arith.constant 0 : index
    %get3A_0 = arith.constant 0 : index
    %get3A_1 = vector.load %arg1[%get3A, %get3A_0] : memref<1000x128xf32, #tpu.memory_space<vmem>>, vector<1000x128xf32>
    %get3A_2 = arith.constant 0 : index
    %get3A_3 = arith.constant 0 : index
    %get3A_4 = vector.load %arg2[%get3A_2, %get3A_3] : memref<1000x128xf32, #tpu.memory_space<vmem>>, vector<1000x128xf32>
    %concatenate3A = tpu.concatenate %get3A_1, %get3A_4 in 1 : vector<1000x128xf32>, vector<1000x128xf32> -> vector<1000x256xf32>
    %max3A = arith.constant 0.000000e+00 : f32
    %max3A_5 = vector.broadcast %max3A : f32 to vector<1000x256xf32>
    %max3A_6 = arith.maximumf %concatenate3A, %max3A_5 : vector<1000x256xf32>
    %get3A_7 = arith.constant 0 : index
    %get3A_8 = arith.constant 0 : index
    %get3A_9 = vector.load %arg3[%get3A_7, %get3A_8] : memref<256x256xf32, #tpu.memory_space<vmem>>, vector<256x256xf32>
    %dot_general3A = arith.constant dense<0.000000e+00> : vector<1000x256xf32>
    %dot_general3A_10 = tpu.matmul %max3A_6, %get3A_9, %dot_general3A {dimension_numbers = #tpu.dot_dimension_numbers<[1], [0], [0], [1], [0, 0, 1, 1], [], []>, transpose_lhs_hint = false} : vector<1000x256xf32>, vector<256x256xf32>, vector<1000x256xf32> -> vector<1000x256xf32>
    %get3A_11 = arith.constant 0 : index
    %get3A_12 = arith.constant 0 : index
    %get3A_13 = vector.load %arg4[%get3A_11, %get3A_12] : memref<1x256xf32, #tpu.memory_space<vmem>>, vector<1x256xf32>
    %add3A = vector.broadcast %get3A_13 : vector<1x256xf32> to vector<1000x256xf32>
    %add3A_14 = arith.addf %dot_general3A_10, %add3A : vector<1000x256xf32>
    %max3A_15 = arith.constant 0.000000e+00 : f32
    %max3A_16 = vector.broadcast %max3A_15 : f32 to vector<1000x256xf32>
    %max3A_17 = arith.maximumf %add3A_14, %max3A_16 : vector<1000x256xf32>
    %slice3A = vector.extract_strided_slice %max3A_17 {offsets = [0, 0], sizes = [1000, 128], strides = [1, 1]} : vector<1000x256xf32> to vector<1000x128xf32>
    %swap3A = arith.constant 0 : index
    %swap3A_18 = arith.constant 0 : index
    %swap3A_19 = vector.load %arg5[%swap3A, %swap3A_18] : memref<1000x128xf32, #tpu.memory_space<vmem>>, vector<1000x128xf32>
    tpu.vector_store %arg5[%swap3A, %swap3A_18], %slice3A {strides = array<i32>} : memref<1000x128xf32, #tpu.memory_space<vmem>>, vector<1000x128xf32>,
    %slice3A_20 = vector.extract_strided_slice %max3A_17 {offsets = [0, 128], sizes = [1000, 128], strides = [1, 1]} : vector<1000x256xf32> to vector<1000x128xf32>
    %swap3A_21 = arith.constant 0 : index
    %swap3A_22 = arith.constant 0 : index
    %swap3A_23 = vector.load %arg6[%swap3A_21, %swap3A_22] : memref<1000x128xf32, #tpu.memory_space<vmem>>, vector<1000x128xf32>
    tpu.vector_store %arg6[%swap3A_21, %swap3A_22], %slice3A_20 {strides = array<i32>} : memref<1000x128xf32, #tpu.memory_space<vmem>>, vector<1000x128xf32>,
    return
  }
  func.func @transform_0(%arg0: i32) -> (i32, i32) {
    %c0_i32 = arith.constant 0 : i32
    %c0_i32_0 = arith.constant 0 : i32
    return %arg0, %c0_i32 : i32, i32
  }
  func.func @transform_1(%arg0: i32) -> (i32, i32) {
    %c0_i32 = arith.constant 0 : i32
    %c0_i32_0 = arith.constant 0 : i32
    return %arg0, %c0_i32 : i32, i32
  }
  func.func @transform_2(%arg0: i32) -> (i32, i32) {
    %c0_i32 = arith.constant 0 : i32
    %c0_i32_0 = arith.constant 0 : i32
    %c0_i32_1 = arith.constant 0 : i32
    return %c0_i32, %c0_i32_0 : i32, i32
  }
  func.func @transform_3(%arg0: i32) -> (i32, i32) {
    %c0_i32 = arith.constant 0 : i32
    %c0_i32_0 = arith.constant 0 : i32
    %c0_i32_1 = arith.constant 0 : i32
    return %c0_i32, %c0_i32_0 : i32, i32
  }
  func.func @transform_4(%arg0: i32) -> (i32, i32) {
    %c0_i32 = arith.constant 0 : i32
    %c0_i32_0 = arith.constant 0 : i32
    return %arg0, %c0_i32 : i32, i32
  }
  func.func @transform_5(%arg0: i32) -> (i32, i32) {
    %c0_i32 = arith.constant 0 : i32
    %c0_i32_0 = arith.constant 0 : i32
    return %arg0, %c0_i32 : i32, i32
  }
}

</mosaic_0001>

<sc_bundles>
// kernel: kernel.10.cloned.1.call-start
scs
__scs_entry_jumppad:
0x0: {  	(pc) =	sbr.rel $0x88, $3  }
0x1: {  	(tag) =	ssettag $0x0;
	lr =	simm.s32 $0x1  }
0x2: {  	[smem:$0x3F97] =	sst lr;
	_ =	strace $0xD0000000  }
0x3: {  	_ = 	snop  }
0x4: {  	_ = 	snop  }
0x5: {  	_ = 	snop  }
0x6: {  	_ = 	snop  }
0x7: {  	_ = 	snop  }
__scs_overlays_trampoline_lowered:
0x8: {  	[smem:$0x3FA6] =	sst s0  }
0x9: {  	[smem:$0x3FA7] =	sst s1  }
0xa: {  	[smem:$0x3FA8] =	sst s2  }
0xb: {  	[smem:$0x3FA9] =	sst s3  }
0xc: {  	[smem:$0x3FAA] =	sst s4  }
0xd: {  	[smem:$0x3FAB] =	sst s5  }
0xe: {  	[smem:$0x3FAC] =	sst s6  }
0xf: {  	[smem:$0x3FAD] =	sst s7  }
0x10: {  	[smem:$0x3FAE] =	sst s8  }
0x11: {  	[smem:$0x3FAF] =	sst s9;
	s0 =	simm.s32 @!p0 $0x0  }
0x12: {  	s1 =	sld [smem:$0x3F95];
	s0 =	simm.s32 @p0 $0x1  }
0x13: {  	[smem:$0x3FB0] =	sst s0;
	s0 =	simm.s32 @!p1 $0x0  }
0x14: {  	s2 =	sld [smem:$0x3F94];
	s0 =	simm.s32 @p1 $0x1  }
0x15: {  	[smem:$0x3FB1] =	sst s0;
	s0 =	simm.s32 @!p2 $0x0  }
0x16: {  	s3 =	sld [smem:$0x3FDB];
	s0 =	simm.s32 @p2 $0x1  }
0x17: {  	s4 =	simm.s32 $0x1BF5;
	[smem:$0x3FB3] =	sst s0  }
0x18: {  	s0 =	sld [smem:$0x3F96];
	_ =	swait.ge [sflag:s4], $0x0  }
0x19: {  	s7 =	sld [smem:$0x3F97]  }
0x1a: {  	s8 =	sadd.s32 $0xFFFFE003, lr  }
0x1b: {  	s9 =	sadd.s32 $0xFFFFFEF7, lr;
	s5 =	simm.s32 $0xFFFFFFFF;
	p2 =	slt.u32 s8, $0xFFFFF086  }
0x1c: {  	p1 =	slt.u32 s9, $0xF7A;
	s5 =	simm.s32 @!p2 $0x0  }
0x1d: {  	s5 =	simm.s32 @p1 $0x1;
	p0 =	seq.s32 s7, s2  }
0x1e: {  	s7 =	smul.u32 @!p0 $0xF7A, s2;
	p2 =	seq.s32 @!p0 s5, $0x0  }
0x1f: {  	s9 =	smul.u32 $0xF7A, s1;
	s8 =	simm.s32 @!p0 $0x1BF5;
	p2 =	por !p2, p0  }
0x20: {  	[sflag:s8] =	ssyncset.s32 @!p0 $0xFFFFF086;
	s6 =	sadd.s32 @!p0 s3, s7;
	s7 =	simm.s32 @!p0 $0x108  }
0x21: {  	s3 =	sadd.s32 s3, s9;
	s6 =	sadd.s32 @!p0 $0x88, s6;
	s7 =	simm.s32 @p2 $0x1082  }
0x22: {  	[simem:s7], [sflag:s8] =	dma.local @!p0 [hbm:s6], $0xF7A  }
0x23: {  	s9 =	sor.u32 $0xD0000000, s2;
	s6 =	simm.s32 $0x108;
	_ =	swait.ge @!p0 [sflag:s8], $0x0  }
0x24: {  	s3 =	sadd.s32 $0x88, s3;
	s6 =	simm.s32 @!p1 $0x1082;
	[sflag:s4] =	ssyncset.s32 $0xFFFFF086  }
0x25: {  	[simem:s6], [sflag:s4] =	dma.local [hbm:s3], $0xF7A  }
0x26: {  	[smem:$0x3F97] =	sst s1;
	(tag) =	ssettag s2;
	_ =	strace s9  }
0x27: {  	s1 =	sld [smem:$0x3FA7]  }
0x28: {  	s2 =	sld [smem:$0x3FA8]  }
0x29: {  	s4 =	sld [smem:$0x3FAA]  }
0x2a: {  	p0 =	seq.s32 s5, $0x0;
	s5 =	sld [smem:$0x3FAB]  }
0x2b: {  	s6 =	sld [smem:$0x3FAC]  }
0x2c: {  	s7 =	sld [smem:$0x3FAD]  }
0x2d: {  	s3 =	simm.s32 $0x108;
	s8 =	sld [smem:$0x3FAE]  }
0x2e: {  	s3 =	simm.s32 @!p0 $0x1082;
	s9 =	sld [smem:$0x3FAF]  }
0x2f: {  	lr =	sadd.s32 s0, s3;
	s0 =	sld [smem:$0x3FA6]  }
0x30: {  	s3 =	sld [smem:$0x3FA9]  }
0x31: {  	[smem:$0x3FB2] =	sst s10  }
0x32: {  	s10 =	sld [smem:$0x3FB0];
	_ =	sdelay $0x3  }
0x33: {  	p0 =	seq.s32 s10, $0x1;
	s10 =	sld [smem:$0x3FB2];
	_ =	sdelay $0x3  }
0x34: {  	[smem:$0x3FB2] =	sst s10  }
0x35: {  	s10 =	sld [smem:$0x3FB1];
	_ =	sdelay $0x3  }
0x36: {  	p1 =	seq.s32 s10, $0x1;
	s10 =	sld [smem:$0x3FB2];
	_ =	sdelay $0x3  }
0x37: {  	[smem:$0x3FB2] =	sst s10  }
0x38: {  	s10 =	sld [smem:$0x3FB3]  }
0x39: {  	_ = 	snop;
	(pc) =	sbr.ind lr, $3  }
0x3a: {  	_ = 	snop  }
0x3b: {  	_ = 	snop  }
0x3c: {  	p2 =	seq.s32 s10, $0x1;
	s10 =	sld [smem:$0x3FB2]  }
0x3d: {  	_ =	shalt  }
0x3e: {  	_ =	shalt  }
0x3f: {  	_ =	shalt  }
0x40: {  	_ =	shalt  }
0x41: {  	_ =	shalt  }
0x42: {  	_ =	shalt  }
0x43: {  	_ =	shalt  }
0x44: {  	_ =	shalt  }
0x45: {  	_ =	shalt  }
0x46: {  	_ =	shalt  }
0x47: {  	_ =	shalt  }
0x48: {  	_ =	shalt  }
0x49: {  	_ =	shalt  }
0x4a: {  	_ =	shalt  }
0x4b: {  	_ =	shalt  }
0x4c: {  	_ =	shalt  }
0x4d: {  	_ =	shalt  }
0x4e: {  	_ =	shalt  }
0x4f: {  	_ =	shalt  }
0x50: {  	_ =	shalt  }
0x51: {  	_ =	shalt  }
0x52: {  	_ =	shalt  }
0x53: {  	_ =	shalt  }
0x54: {  	_ =	shalt  }
0x55: {  	_ =	shalt  }
0x56: {  	_ =	shalt  }
0x57: {  	_ =	shalt  }
0x58: {  	_ =	shalt  }
0x59: {  	_ =	shalt  }
0x5a: {  	_ =	shalt  }
0x5b: {  	_ =	shalt  }
0x5c: {  	_ =	shalt  }
0x5d: {  	_ =	shalt  }
0x5e: {  	_ =	shalt  }
0x5f: {  	_ =	shalt  }
0x60: {  	_ =	shalt  }
0x61: {  	_ =	shalt  }
0x62: {  	_ =	shalt  }
0x63: {  	_ =	shalt  }
0x64: {  	_ =	shalt  }
0x65: {  	_ =	shalt  }
0x66: {  	_ =	shalt  }
0x67: {  	_ =	shalt  }
0x68: {  	_ =	shalt  }
0x69: {  	_ =	shalt  }
0x6a: {  	_ =	shalt  }
0x6b: {  	_ =	shalt  }
0x6c: {  	_ =	shalt  }
0x6d: {  	_ =	shalt  }
0x6e: {  	_ =	shalt  }
0x6f: {  	_ =	shalt  }
0x70: {  	_ =	shalt  }
0x71: {  	_ =	shalt  }
0x72: {  	_ =	shalt  }
0x73: {  	_ =	shalt  }
0x74: {  	_ =	shalt  }
0x75: {  	_ =	shalt  }
0x76: {  	_ =	shalt  }
0x77: {  	_ =	shalt  }
0x78: {  	_ =	shalt  }
0x79: {  	_ =	shalt  }
0x7a: {  	_ =	shalt  }
0x7b: {  	_ =	shalt  }
0x7c: {  	_ =	shalt  }
0x7d: {  	_ =	shalt  }
0x7e: {  	_ =	shalt  }
0x7f: {  	_ =	shalt  }
0x80: {  	_ =	shalt  }
0x81: {  	_ =	shalt  }
0x82: {  	_ =	shalt  }
0x83: {  	_ =	shalt  }
0x84: {  	_ =	shalt  }
0x85: {  	_ =	shalt  }
0x86: {  	_ =	shalt  }
0x87: {  	_ =	shalt  }
.Lfunc_end0:
.L_simem_size_0:
called_computation_lowered:
.L_overlay_start_0:
0x88: {  	s2 =	sld [smem:$0x3FD9]  }
0x89: {  	s3 =	sld [smem:$0x3FFE];
	_ =	sdelay $0x1  }
0x8a: {  	s1 =	srdreg.scid  }
0x8b: {  	s0 =	sand.u32 $0x1, s1  }
0x8c: {  	s17 =	sshll.u32 s0, $0xA;
	s2 =	sadd.s32 s3, s2  }
0x8d: {  	s2 =	sadd.s32 s2, s17  }
0x8e: {  	[smem:$0x3FBE] =	sst s2  }
0x8f: {  	_ = 	snop  }
0x90: {  	s2 =	sld [smem:$0x3FC9]  }
0x91: {  	s18 =	sld [smem:$0x3FD0];
	(tm) =	ssettm $0x1  }
0x92: {  	s4 =	sld [smem:$0x3FFB];
	_ =	sdelay $0x3  }
0x93: {  	_ =	strace s4  }
0x94: {  	s4 =	sld [smem:$0x3FFC];
	_ =	sdelay $0x3  }
0x95: {  	_ =	strace s4  }
0x96: {  	s4 =	sld [smem:$0x3FFD];
	_ =	sdelay $0x3  }
0x97: {  	_ =	strace s4  }
0x98: {  	_ =	strace $0x8FFFFFFF  }
0x99: {  	s19 =	sld [smem:$0x3FDB];
	_ =	sdelay $0x1  }
0x9a: {  	s5 =	simm.s32 $_scs_section_size  }
0x9b: {  	s6 =	simm.s32 $_size__tile_overlayer_lowered;
	s7 =	simm.s32 $_tile_overlayer_lowered  }
0x9c: {  	s22 =	simm.s32 $0x1BFF;
	s21 =	sshll.u32 s7, $0x1;
	s4 =	sadd.s32 s5, s19  }
0x9d: {  	s8 =	simm.s32 $0x0;
	s20 =	sshll.u32 s6, $0x1;
	s6 =	sadd.s32 s21, s4  }
0x9e: {  	[timem:s8], [sflag:s22] =	dma.local [hbm:s6], s20  }
0x9f: {  	_ =	swait.ge [sflag:s22], s20  }
0xa0: {  	s5 =	ssub.s32 $0x0, s20;
	[sflag:s22] =	ssyncset.done $0x0  }
0xa1: {  	[sflag:s22] =	ssyncadd.s32 s5;
	_ =	sdelay $0x1  }
0xa2: {  	s23 =	simm.s32 $0x1B8B  }
0xa3: {  	_ =	swait.ge [sflag:s23], $0x1  }
0xa4: {  	[sflag:s23] =	ssyncset.done $0x0  }
0xa5: {  	s25 =	simm.s32 $0x1B8E;
	s24 =	sld [smem:$0x3FFE];
	[sflag:s23] =	ssyncadd.s32 $0xFFFFFFFF  }
0xa6: {  	s26 =	simm.s32 $execute0_lowered;
	[smem:$0x3FD2] =	sst s25  }
0xa7: {  	s6 =	sshll.u32 s26, $0x1;
	_ =	strace $0x80000046;
	[dreg:$0x1] =	wrdreg $0xFFFFFFFF  }
0xa8: {  	s28 =	simm.s32 $_size_execute0_lowered;
	s4 =	sadd.s32 s4, s6;
	[dreg:$0x0] =	wrdreg $0x0  }
0xa9: {  	s6 =	sshll.u32 s28, $0x1;
	[dreg:$0x2] =	wrdreg s4  }
0xaa: {  	[dreg:$0x3] =	wrdreg s6  }
0xab: {  	[dreg:$0x4] =	wrdreg $0xC0  }
0xac: {  	_ =	task [dreg:s8], $0x5FFFF  }
0xad: {  	[dreg:$0x1] =	wrdreg $0xFFFFFFFF  }
0xae: {  	[dreg:$0x0] =	wrdreg $0x60  }
0xaf: {  	[dreg:$0x2] =	wrdreg s2  }
0xb0: {  	[dreg:$0x3] =	wrdreg s24  }
0xb1: {  	[dreg:$0x4] =	wrdreg s18  }
0xb2: {  	[dreg:$0x5] =	wrdreg $0x41000  }
0xb3: {  	[dreg:$0x6] =	wrdreg $0x9  }
0xb4: {  	_ =	task.clear_ibuf [dreg:s8], $0x7FFFF;
	_ =	strace $0x90000046  }
0xb5: {  	s29 =	simm.s32 $0x9;
	_ =	strace $0x80000048  }
0xb6: {  	_ =	swait.ge [sflag:s29], $0x1  }
0xb7: {  	[sflag:s29] =	ssyncadd.s32 $0xFFFFFFFF  }
0xb8: {  	_ =	strace $0x90000048  }
0xb9: {  	_ =	sfence  }
0xba: {  	s30 =	sld [smem:$0x0];
	_ =	sdelay $0x2  }
0xbb: {  	s31 =	sshll.u32 s1, $0xD;
	s1 =	sshrl.u32 s1, $0x2  }
0xbc: {  	s3 =	sand.u32 $0x4000, s31;
	s1 =	sadd.s32 s1, s30  }
0xbd: {  	s0 =	sor.u32 s3, s0;
	s1 =	sshll.u32 s1, $0x11  }
0xbe: {  	s0 =	sor.u32 s1, s0  }
0xbf: {  	s0 =	sadd.s32 $0x8F2B, s0  }
0xc0: {  	[sflag:s0] =	ssyncadd.remote.s32 $0x1  }
0xc1: {  	_ =	sfence.sel $0xFFFF  }
0xc2: {  	[dreg:$0x0] =	wrdreg $0xFFFFFFFF;
	(pc) =	sbr.abs _section_cstart, $3  }
0xc3: {  	[dreg:$0x1] =	wrdreg $0xFFFFFFFF  }
0xc4: {  	_ =	task.clear_ibuf [dreg:s8], $0x2FFFF;
	_ =	strace $0x9FFFFFFF  }
0xc5: {  	(tm) =	ssettm $0x7FFFFFFF  }
tec
execute0_lowered:
.L_overlay_start_1:
0x0: {  	(tag) =	ssettag $0x1  }
0x1: {  	s0 =	rddreg [dreg:$0x0]  }
0x2: {  	s6 =	rddreg [dreg:$0x1]  }
0x3: {  	s2 =	srdreg.scid;
	s1 =	rddreg [dreg:$0x2]  }
0x4: {  	s21 =	stileid.u32;
	s3 =	rddreg [dreg:$0x3];
	s4 =	simm.s32 $0x0  }
0x5: {  	s16 =	simm.s32 $0x2;
	s18 =	simm.s32 $0x80;
	s19 =	simm.s32 $0x100  }
0x6: {  	s14 =	sand.u32 $0x1, s2;
	s7 =	smul.u32 $0x2780, s21;
	s2 =	rddreg [dreg:$0x4]  }
0x7: {  	s20 =	simm.s32 $0x1;
	[smem:$0x7FF] =	sst s4;
	s8 =	smul.u32 $0x4E000, s21  }
0x8: {  	s10 =	smul.u32 $0x2700, s21;
	s17 =	sadd.s32 $0x138000, s3;
	p0 =	sne.s32 s21, $0x0  }
0x9: {  	s31 =	sshll.u32 s21, $0x6;
	p2 =	seq.s32 s21, $0x0;
	s21 =	simm.s32 $0x0  }
0xa: {  	s5 =	smul.u32 $0x27800, s14;
	_ =	strace $0x80000047;
	s29 =	ssub.s32 $0x2, s14  }
0xb: {  	p1 =	sne.s32 s14, $0x0;
	s14 =	sor.u32 $0x1C02, s31;
	s17 =	sshrl.u32 s17, $0x3  }
0xc: {  	s9 =	sshrl.u32 s29, $0x1;
	s30 =	sshrl.u32 s8, $0x2;
	s8 =	sadd.s32 $0x27000, s0  }
.Ltmp0:
0xd: {  	s5 =	sadd.s32 s7, s5;
	s11 =	ssub.s32 s29, s9;
	(pc) =	sbr.rel .LBB2_1-.Ltmp0, $4  }
0xe: {  	s15 =	sadd.s32 s30, s3;
	s7 =	sadd.s32 s0, s10;
	s5 =	sshrl.u32 s5, $0x3  }
0xf: {  	s13 =	sadd.s32 s5, s6;
	s5 =	sadd.s32 $0x18600, s6;
	s6 =	sadd.s32 $0x1AE00, s6  }
0x10: {  	s11 =	smax.u32 s11, $0x1;
	s15 =	sshrl.u32 s15, $0x3;
	s9 =	sadd.s32 s6, s10  }
0x11: {  	s10 =	sadd.s32 s1, s10;
	s12 =	sadd.s32 $0xE800, s13;
	s13 =	sadd.s32 $0x4A00, s13  }
.LBB2_12:
0x12: {  	s22 =	sadd.s32 $0x27000, s22  }
0x13: {  	[hbm:s22], [sflag:s14] =	dma.local [spmem:s17], $0x100  }
0x14: {  	_ =	swait.ge [sflag:s16], $0x100  }
0x15: {  	[sflag:s16] =	ssyncset.done $0x0  }
0x16: {  	[sflag:s16] =	ssyncadd.s32 $0xFFFFFF00  }
.LBB2_13:
0x17: {  	s21 =	sadd.s32 $0x1, s21  }
0x18: {  	p3 =	sne.s32 s21, s11  }
.Ltmp1:
0x19: {  	_ = 	snop;
	(pc) =	sbr.rel @!p3 .LBB2_14-.Ltmp1, $1  }
0x1a: {  	_ =	sdelay $0x3  }
.LBB2_1:
.Ltmp2:
0x1b: {  	(pc) =	sbr.rel @p1 .LBB2_4-.Ltmp2, $1  }
0x1c: {  	_ =	sdelay $0x3  }
.Ltmp3:
0x1d: {  	(pc) =	sbr.rel @p0 .LBB2_7-.Ltmp3, $4  }
0x1e: {  	[spmem:s15], [sflag:s14] =	dma.local [hbm:s7], $0x2700  }
0x1f: {  	_ =	swait.ge [sflag:s16], $0x2700  }
0x20: {  	[sflag:s16] =	ssyncset.done $0x0  }
0x21: {  	[sflag:s16] =	ssyncadd.s32 $0xFFFFD900  }
.Ltmp4:
0x22: {  	(pc) =	sbr.rel .LBB2_6-.Ltmp4, $2  }
0x23: {  	_ =	sdelay $0x2  }
0x24: {  	[spmem:s17], [sflag:s14] =	dma.local [hbm:s8], $0x100  }
.LBB2_4:
.Ltmp5:
0x25: {  	(pc) =	sbr.rel @p0 .LBB2_7-.Ltmp5, $4  }
0x26: {  	[spmem:s15], [sflag:s14] =	dma.local [hbm:s5], $0x2700  }
0x27: {  	_ =	swait.ge [sflag:s16], $0x2700  }
0x28: {  	[sflag:s16] =	ssyncset.done $0x0  }
0x29: {  	[sflag:s16] =	ssyncadd.s32 $0xFFFFD900  }
0x2a: {  	[spmem:s17], [sflag:s14] =	dma.local [hbm:s5], $0x100  }
.LBB2_6:
0x2b: {  	_ =	swait.ge [sflag:s16], $0x100  }
0x2c: {  	[sflag:s16] =	ssyncset.done $0x0  }
0x2d: {  	[sflag:s16] =	ssyncadd.s32 $0xFFFFFF00  }
.LBB2_7:
0x2e: {  	[bflag:$0x0] =	sbarrier.arrive $0xFFFF;
	s22 =	sadd.s32 $0x0, s13  }
0x2f: {  	[tilespmem:s4], [sflag:$0x2] =	stream.linear.gather [hbm4b:s22+s4], $0x80, $0x38;
	[tilespmem:$0x17A00] =	vst v63  }
0x30: {  	_ =	swait.ge [sflag:s16], $0x80  }
0x31: {  	[sflag:s16] =	ssyncset.done $0x0  }
0x32: {  	s31 =	sadd.s32 $0x0, s12;
	[sflag:s16] =	ssyncadd.s32 $0xFFFFFF80  }
0x33: {  	[tilespmem:s18], [sflag:$0x2] =	stream.linear.gather [hbm4b:s31+s4], $0x80, $0x38;
	[tilespmem:$0x17A00] =	vst v63  }
0x34: {  	_ =	swait.ge [sflag:s16], $0x80  }
0x35: {  	[sflag:s16] =	ssyncset.done $0x0  }
0x36: {  	[sflag:s16] =	ssyncadd.s32 $0xFFFFFF80  }
0x37: {  	v0 =	vld [tilespmem:$0x60]  }
0x38: {  	v2 =	vld [tilespmem:$0x50]  }
0x39: {  	v6 =	vld [tilespmem:$0x30]  }
0x3a: {  	v3 =	vld [tilespmem:$0x20]  }
0x3b: {  	v5 =	vld [tilespmem:$0xB0]  }
0x3c: {  	v1 =	vld [tilespmem:$0xD0]  }
0x3d: {  	v11 =	vld [tilespmem:$0xA0]  }
0x3e: {  	v10 =	vld [tilespmem:$0x40]  }
0x3f: {  	v4 =	vld [tilespmem:$0x80]  }
0x40: {  	v8 =	vld [tilespmem:$0xC0]  }
0x41: {  	v9 =	vld [tilespmem:$0x0]  }
0x42: {  	v7 =	vld [tilespmem:$0xE0];
	vm0 =	veq.s32 v11, v3  }
0x43: {  	s22 =	simm.s32 $0x10;
	v3 =	vld [tilespmem:$0x10];
	v11 =	vsel vm0, $0x2710, v11  }
.LBB2_8:
0x44: {  	p3 =	sne.s32 s22, $0x4E0;
	v12 =	vld [tilespmem:$0x70];
	s23 =	smov.u32 s22;
	s22 =	sadd.s32 $0x10, s22  }
0x45: {  	vm0 =	veq.s32 v5, v6;
	[tilespmem:$0xA0] =	vst v11;
	vm1 =	veq.s32 v8, v10;
	v6 =	vld [tilespmem:$0xF0]  }
0x46: {  	v5 =	vsel vm0, $0x2710, v5;
	vm0 =	veq.s32 v1, v2;
	vm2 =	veq.s32 v4, v9;
	v9 =	vld [tilespmem:$0x90]  }
0x47: {  	v2 =	vsel vm2, $0x2710, v4;
	[tilespmem:$0xB0] =	vst v5;
	v4 =	vsel vm1, $0x2710, v8;
	vm1 =	veq.s32 v7, v0  }
0x48: {  	v0 =	vsel vm0, $0x2710, v1;
	[tilespmem:$0xC0] =	vst v4;
	v1 =	vsel vm1, $0x2710, v7  }
0x49: {  	[tilespmem:$0xD0] =	vst v0  }
0x4a: {  	[tilespmem:$0xE0] =	vst v1;
	vm0 =	veq.s32 v6, v12  }
0x4b: {  	[tilespmem:$0x80] =	vst v2;
	vm1 =	veq.s32 v9, v3;
	v0 =	vsel vm0, $0x2710, v6  }
0x4c: {  	v1 =	vsel vm1, $0x2710, v9;
	[tilespmem:$0xF0] =	vst v0  }
0x4d: {  	[tilespmem:$0x90] =	vst v1  }
0x4e: {  	[tilespmem:s19], [sflag:$0x1] =	stream.indirect.gather [hbm4b:s0+s18], $0x80, s4, s18, $0xb8;
	[tilespmem:$0x17A00] =	vst v63  }
0x4f: {  	_ =	swait.ge [sflag:s20], $0x4000  }
0x50: {  	[sflag:s20] =	ssyncset.done $0x0  }
0x51: {  	[sflag:s20] =	ssyncadd.s32 $0xFFFFC000  }
0x52: {  	[spmem:s3] =	stream.indirect.scatter.add.f32 [tilespmem:s19], [sflag:$0x2], $0x80, s18, s18, $0xb8;
	[tilespmem:$0x17A00] =	vst v63  }
0x53: {  	s24 =	sadd.s32 s23, s13;
	_ =	swait.ge [sflag:s16], $0x4000  }
0x54: {  	[sflag:s16] =	ssyncset.done $0x0  }
0x55: {  	[sflag:s16] =	ssyncadd.s32 $0xFFFFC000  }
0x56: {  	[tilespmem:s4], [sflag:$0x2] =	stream.linear.gather [hbm4b:s24+s4], $0x80, $0x38;
	[tilespmem:$0x17A00] =	vst v63  }
0x57: {  	_ =	swait.ge [sflag:s16], $0x80  }
0x58: {  	[sflag:s16] =	ssyncset.done $0x0  }
0x59: {  	s23 =	sadd.s32 s23, s12;
	[sflag:s16] =	ssyncadd.s32 $0xFFFFFF80  }
0x5a: {  	[tilespmem:s18], [sflag:$0x2] =	stream.linear.gather [hbm4b:s23+s4], $0x80, $0x38;
	[tilespmem:$0x17A00] =	vst v63  }
0x5b: {  	_ =	swait.ge [sflag:s16], $0x80  }
0x5c: {  	[sflag:s16] =	ssyncset.done $0x0  }
0x5d: {  	[sflag:s16] =	ssyncadd.s32 $0xFFFFFF80  }
0x5e: {  	v0 =	vld [tilespmem:$0x60]  }
0x5f: {  	v2 =	vld [tilespmem:$0x50]  }
0x60: {  	v6 =	vld [tilespmem:$0x30]  }
0x61: {  	v3 =	vld [tilespmem:$0x20]  }
0x62: {  	v5 =	vld [tilespmem:$0xB0]  }
0x63: {  	v1 =	vld [tilespmem:$0xD0]  }
0x64: {  	v11 =	vld [tilespmem:$0xA0]  }
0x65: {  	v10 =	vld [tilespmem:$0x40]  }
.Ltmp6:
0x66: {  	v4 =	vld [tilespmem:$0x80];
	(pc) =	sbr.rel @p3 .LBB2_8-.Ltmp6, $4  }
0x67: {  	v8 =	vld [tilespmem:$0xC0]  }
0x68: {  	v9 =	vld [tilespmem:$0x0]  }
0x69: {  	vm0 =	veq.s32 v11, v3;
	v7 =	vld [tilespmem:$0xE0]  }
0x6a: {  	v3 =	vld [tilespmem:$0x10];
	v11 =	vsel vm0, $0x2710, v11  }
0x6b: {  	v12 =	vld [tilespmem:$0x70]  }
0x6c: {  	vm0 =	veq.s32 v5, v6;
	v56 =	vld [tilespmem:$0xF0]  }
0x6d: {  	[tilespmem:$0xA0] =	vst v11;
	v57 =	vld [tilespmem:$0x90];
	vm11 =	veq.s32 v1, v2;
	v5 =	vsel vm0, $0x2710, v5  }
0x6e: {  	vm1 =	veq.s32 v8, v10;
	v59 =	vsel vm11, $0x2710, v1;
	[tilespmem:$0xB0] =	vst v5  }
0x6f: {  	v58 =	vsel vm1, $0x2710, v8;
	vm13 =	veq.s32 v4, v9;
	[tilespmem:$0xD0] =	vst v59  }
0x70: {  	vm12 =	veq.s32 v7, v0;
	[tilespmem:$0xC0] =	vst v58;
	v61 =	vsel vm13, $0x2710, v4  }
0x71: {  	v60 =	vsel vm12, $0x2710, v7;
	[tilespmem:$0x80] =	vst v61;
	vm14 =	veq.s32 v56, v12  }
0x72: {  	[tilespmem:$0xE0] =	vst v60;
	vm15 =	veq.s32 v57, v3;
	v62 =	vsel vm14, $0x2710, v56  }
0x73: {  	v63 =	vsel vm15, $0x2710, v57;
	[tilespmem:$0xF0] =	vst v62  }
0x74: {  	[tilespmem:$0x90] =	vst v63  }
0x75: {  	[tilespmem:s19], [sflag:$0x1] =	stream.indirect.gather [hbm4b:s0+s18], $0x80, s4, s18, $0xb8;
	[tilespmem:$0x17A00] =	vst v63  }
0x76: {  	_ =	swait.ge [sflag:s20], $0x4000  }
0x77: {  	[sflag:s20] =	ssyncset.done $0x0  }
0x78: {  	[sflag:s20] =	ssyncadd.s32 $0xFFFFC000  }
0x79: {  	[spmem:s3] =	stream.indirect.scatter.add.f32 [tilespmem:s19], [sflag:$0x2], $0x80, s18, s18, $0xb8;
	[tilespmem:$0x17A00] =	vst v63  }
.Ltmp7:
0x7a: {  	_ =	swait.ge [sflag:s16], $0x4000;
	(pc) =	sbr.rel @p1 .LBB2_11-.Ltmp7, $3  }
0x7b: {  	[sflag:s16] =	ssyncset.done $0x0  }
0x7c: {  	[sflag:s16] =	ssyncadd.s32 $0xFFFFC000  }
0x7d: {  	[bflag:$0x0] =	sbarrier.arrive $0xFFFF;
	_ =	sdelay $0x1  }
0x7e: {  	[hbm:s10], [sflag:s14] =	dma.local [spmem:s15], $0x2700  }
.Ltmp8:
0x7f: {  	_ = 	snop;
	(pc) =	sbr.rel @!p2 .LBB2_13-.Ltmp8, $4  }
.Ltmp9:
0x80: {  	_ = 	snop;
	(pc) =	sbr.rel @p2 .LBB2_12-.Ltmp9, $4  }
0x81: {  	_ =	swait.ge [sflag:s16], $0x2700  }
0x82: {  	[sflag:s16] =	ssyncset.done $0x0  }
0x83: {  	s22 =	smov.u32 s1;
	[sflag:s16] =	ssyncadd.s32 $0xFFFFD900  }
0x84: {  	_ = 	snop  }
.LBB2_11:
0x85: {  	[hbm:s9], [sflag:s14] =	dma.local [spmem:s15], $0x2700  }
.Ltmp10:
0x86: {  	_ = 	snop;
	(pc) =	sbr.rel @p0 .LBB2_13-.Ltmp10, $4  }
.Ltmp11:
0x87: {  	_ = 	snop;
	(pc) =	sbr.rel @!p0 .LBB2_12-.Ltmp11, $4  }
0x88: {  	_ =	swait.ge [sflag:s16], $0x2700  }
0x89: {  	[sflag:s16] =	ssyncset.done $0x0  }
0x8a: {  	s22 =	smov.u32 s6;
	[sflag:s16] =	ssyncadd.s32 $0xFFFFD900  }
0x8b: {  	_ = 	snop  }
.LBB2_14:
0x8c: {  	_ =	sfence.sel $0x180000  }
0x8d: {  	[bflag:$0x0] =	sbarrier.arrive $0xFFFF  }
0x8e: {  	_ =	strace $0x90000047  }
0x8f: {  	s0 =	sadd.s32 @!p0 $0x100000, s2;
	[bflag:$0x2] =	sbarrier.arrive $0xFFFF  }
0x90: {  	[sflag:s0] =	ssyncadd.tile.s32 @!p0 $0x1;
	_ =	shalt  }
.Lfunc_end2:
_tile_overlayer_lowered:
.L_overlay_start_2:
0x91: {  	(tag) =	ssettag $0x2  }
0x92: {  	s0 =	rddreg [dreg:$0x0];
	s2 =	stileid.u32  }
0x93: {  	s1 =	rddreg [dreg:$0x1];
	p0 =	sne.s32 s2, $0x0  }
0x94: {  	s3 =	rddreg [dreg:$0x2];
	[bflag:$0x3] =	sbarrier.arrive $0xFFFF;
	s2 =	simm.s32 @!p0 $0x1C02  }
0x95: {  	[timem:s3], [sflag:s2] =	dma.local @!p0 [hbm:s0], s1  }
0x96: {  	s0 =	simm.s32 @!p0 $0x2  }
0x97: {  	_ =	swait.ge @!p0 [sflag:s0], s1  }
0x98: {  	s1 =	ssub.s32 @!p0 $0x0, s1;
	[sflag:s0] =	ssyncset.done @!p0 $0x0  }
0x99: {  	[sflag:s0] =	ssyncadd.s32 @!p0 s1  }
0x9a: {  	[bflag:$0x3] =	sbarrier.arrive $0xFFFF  }
0x9b: {  	_ =	shalt  }

// kernel: kernel.13.cloned.1.call-start
scs
__scs_entry_jumppad:
0x0: {  	(pc) =	sbr.rel $0x88, $3  }
0x1: {  	(tag) =	ssettag $0x0;
	lr =	simm.s32 $0x1  }
0x2: {  	[smem:$0x3F97] =	sst lr;
	_ =	strace $0xD0000000  }
0x3: {  	_ = 	snop  }
0x4: {  	_ = 	snop  }
0x5: {  	_ = 	snop  }
0x6: {  	_ = 	snop  }
0x7: {  	_ = 	snop  }
__scs_overlays_trampoline_lowered:
0x8: {  	[smem:$0x3FA6] =	sst s0  }
0x9: {  	[smem:$0x3FA7] =	sst s1  }
0xa: {  	[smem:$0x3FA8] =	sst s2  }
0xb: {  	[smem:$0x3FA9] =	sst s3  }
0xc: {  	[smem:$0x3FAA] =	sst s4  }
0xd: {  	[smem:$0x3FAB] =	sst s5  }
0xe: {  	[smem:$0x3FAC] =	sst s6  }
0xf: {  	[smem:$0x3FAD] =	sst s7  }
0x10: {  	[smem:$0x3FAE] =	sst s8  }
0x11: {  	[smem:$0x3FAF] =	sst s9;
	s0 =	simm.s32 @!p0 $0x0  }
0x12: {  	s1 =	sld [smem:$0x3F95];
	s0 =	simm.s32 @p0 $0x1  }
0x13: {  	[smem:$0x3FB0] =	sst s0;
	s0 =	simm.s32 @!p1 $0x0  }
0x14: {  	s2 =	sld [smem:$0x3F94];
	s0 =	simm.s32 @p1 $0x1  }
0x15: {  	[smem:$0x3FB1] =	sst s0;
	s0 =	simm.s32 @!p2 $0x0  }
0x16: {  	s3 =	sld [smem:$0x3FDB];
	s0 =	simm.s32 @p2 $0x1  }
0x17: {  	s4 =	simm.s32 $0x1BF5;
	[smem:$0x3FB3] =	sst s0  }
0x18: {  	s0 =	sld [smem:$0x3F96];
	_ =	swait.ge [sflag:s4], $0x0  }
0x19: {  	s7 =	sld [smem:$0x3F97]  }
0x1a: {  	s8 =	sadd.s32 $0xFFFFE003, lr  }
0x1b: {  	s9 =	sadd.s32 $0xFFFFFEF7, lr;
	s5 =	simm.s32 $0xFFFFFFFF;
	p2 =	slt.u32 s8, $0xFFFFF086  }
0x1c: {  	p1 =	slt.u32 s9, $0xF7A;
	s5 =	simm.s32 @!p2 $0x0  }
0x1d: {  	s5 =	simm.s32 @p1 $0x1;
	p0 =	seq.s32 s7, s2  }
0x1e: {  	s7 =	smul.u32 @!p0 $0xF7A, s2;
	p2 =	seq.s32 @!p0 s5, $0x0  }
0x1f: {  	s9 =	smul.u32 $0xF7A, s1;
	s8 =	simm.s32 @!p0 $0x1BF5;
	p2 =	por !p2, p0  }
0x20: {  	[sflag:s8] =	ssyncset.s32 @!p0 $0xFFFFF086;
	s6 =	sadd.s32 @!p0 s3, s7;
	s7 =	simm.s32 @!p0 $0x108  }
0x21: {  	s3 =	sadd.s32 s3, s9;
	s6 =	sadd.s32 @!p0 $0x88, s6;
	s7 =	simm.s32 @p2 $0x1082  }
0x22: {  	[simem:s7], [sflag:s8] =	dma.local @!p0 [hbm:s6], $0xF7A  }
0x23: {  	s9 =	sor.u32 $0xD0000000, s2;
	s6 =	simm.s32 $0x108;
	_ =	swait.ge @!p0 [sflag:s8], $0x0  }
0x24: {  	s3 =	sadd.s32 $0x88, s3;
	s6 =	simm.s32 @!p1 $0x1082;
	[sflag:s4] =	ssyncset.s32 $0xFFFFF086  }
0x25: {  	[simem:s6], [sflag:s4] =	dma.local [hbm:s3], $0xF7A  }
0x26: {  	[smem:$0x3F97] =	sst s1;
	(tag) =	ssettag s2;
	_ =	strace s9  }
0x27: {  	s1 =	sld [smem:$0x3FA7]  }
0x28: {  	s2 =	sld [smem:$0x3FA8]  }
0x29: {  	s4 =	sld [smem:$0x3FAA]  }
0x2a: {  	p0 =	seq.s32 s5, $0x0;
	s5 =	sld [smem:$0x3FAB]  }
0x2b: {  	s6 =	sld [smem:$0x3FAC]  }
0x2c: {  	s7 =	sld [smem:$0x3FAD]  }
0x2d: {  	s3 =	simm.s32 $0x108;
	s8 =	sld [smem:$0x3FAE]  }
0x2e: {  	s3 =	simm.s32 @!p0 $0x1082;
	s9 =	sld [smem:$0x3FAF]  }
0x2f: {  	lr =	sadd.s32 s0, s3;
	s0 =	sld [smem:$0x3FA6]  }
0x30: {  	s3 =	sld [smem:$0x3FA9]  }
0x31: {  	[smem:$0x3FB2] =	sst s10  }
0x32: {  	s10 =	sld [smem:$0x3FB0];
	_ =	sdelay $0x3  }
0x33: {  	p0 =	seq.s32 s10, $0x1;
	s10 =	sld [smem:$0x3FB2];
	_ =	sdelay $0x3  }
0x34: {  	[smem:$0x3FB2] =	sst s10  }
0x35: {  	s10 =	sld [smem:$0x3FB1];
	_ =	sdelay $0x3  }
0x36: {  	p1 =	seq.s32 s10, $0x1;
	s10 =	sld [smem:$0x3FB2];
	_ =	sdelay $0x3  }
0x37: {  	[smem:$0x3FB2] =	sst s10  }
0x38: {  	s10 =	sld [smem:$0x3FB3]  }
0x39: {  	_ = 	snop;
	(pc) =	sbr.ind lr, $3  }
0x3a: {  	_ = 	snop  }
0x3b: {  	_ = 	snop  }
0x3c: {  	p2 =	seq.s32 s10, $0x1;
	s10 =	sld [smem:$0x3FB2]  }
0x3d: {  	_ =	shalt  }
0x3e: {  	_ =	shalt  }
0x3f: {  	_ =	shalt  }
0x40: {  	_ =	shalt  }
0x41: {  	_ =	shalt  }
0x42: {  	_ =	shalt  }
0x43: {  	_ =	shalt  }
0x44: {  	_ =	shalt  }
0x45: {  	_ =	shalt  }
0x46: {  	_ =	shalt  }
0x47: {  	_ =	shalt  }
0x48: {  	_ =	shalt  }
0x49: {  	_ =	shalt  }
0x4a: {  	_ =	shalt  }
0x4b: {  	_ =	shalt  }
0x4c: {  	_ =	shalt  }
0x4d: {  	_ =	shalt  }
0x4e: {  	_ =	shalt  }
0x4f: {  	_ =	shalt  }
0x50: {  	_ =	shalt  }
0x51: {  	_ =	shalt  }
0x52: {  	_ =	shalt  }
0x53: {  	_ =	shalt  }
0x54: {  	_ =	shalt  }
0x55: {  	_ =	shalt  }
0x56: {  	_ =	shalt  }
0x57: {  	_ =	shalt  }
0x58: {  	_ =	shalt  }
0x59: {  	_ =	shalt  }
0x5a: {  	_ =	shalt  }
0x5b: {  	_ =	shalt  }
0x5c: {  	_ =	shalt  }
0x5d: {  	_ =	shalt  }
0x5e: {  	_ =	shalt  }
0x5f: {  	_ =	shalt  }
0x60: {  	_ =	shalt  }
0x61: {  	_ =	shalt  }
0x62: {  	_ =	shalt  }
0x63: {  	_ =	shalt  }
0x64: {  	_ =	shalt  }
0x65: {  	_ =	shalt  }
0x66: {  	_ =	shalt  }
0x67: {  	_ =	shalt  }
0x68: {  	_ =	shalt  }
0x69: {  	_ =	shalt  }
0x6a: {  	_ =	shalt  }
0x6b: {  	_ =	shalt  }
0x6c: {  	_ =	shalt  }
0x6d: {  	_ =	shalt  }
0x6e: {  	_ =	shalt  }
0x6f: {  	_ =	shalt  }
0x70: {  	_ =	shalt  }
0x71: {  	_ =	shalt  }
0x72: {  	_ =	shalt  }
0x73: {  	_ =	shalt  }
0x74: {  	_ =	shalt  }
0x75: {  	_ =	shalt  }
0x76: {  	_ =	shalt  }
0x77: {  	_ =	shalt  }
0x78: {  	_ =	shalt  }
0x79: {  	_ =	shalt  }
0x7a: {  	_ =	shalt  }
0x7b: {  	_ =	shalt  }
0x7c: {  	_ =	shalt  }
0x7d: {  	_ =	shalt  }
0x7e: {  	_ =	shalt  }
0x7f: {  	_ =	shalt  }
0x80: {  	_ =	shalt  }
0x81: {  	_ =	shalt  }
0x82: {  	_ =	shalt  }
0x83: {  	_ =	shalt  }
0x84: {  	_ =	shalt  }
0x85: {  	_ =	shalt  }
0x86: {  	_ =	shalt  }
0x87: {  	_ =	shalt  }
.Lfunc_end0:
.L_simem_size_0:
called_computation.1_lowered:
.L_overlay_start_0:
0x88: {  	s2 =	sld [smem:$0x3FD9]  }
0x89: {  	s3 =	sld [smem:$0x3FFE];
	_ =	sdelay $0x1  }
0x8a: {  	s1 =	srdreg.scid  }
0x8b: {  	s0 =	sand.u32 $0x1, s1  }
0x8c: {  	s17 =	sshll.u32 s0, $0xA;
	s2 =	sadd.s32 s3, s2  }
0x8d: {  	s2 =	sadd.s32 s2, s17  }
0x8e: {  	[smem:$0x3FBE] =	sst s2  }
0x8f: {  	_ = 	snop  }
0x90: {  	s2 =	sld [smem:$0x3FD0];
	(tm) =	ssettm $0x1  }
0x91: {  	s18 =	sld [smem:$0x3FFB];
	_ =	sdelay $0x3  }
0x92: {  	_ =	strace s18  }
0x93: {  	s3 =	sld [smem:$0x3FFC];
	_ =	sdelay $0x3  }
0x94: {  	_ =	strace s3  }
0x95: {  	s3 =	sld [smem:$0x3FFD];
	_ =	sdelay $0x3  }
0x96: {  	_ =	strace s3  }
0x97: {  	_ =	strace $0x8FFFFFFF  }
0x98: {  	s19 =	sld [smem:$0x3FDB];
	_ =	sdelay $0x1  }
0x99: {  	s4 =	simm.s32 $_scs_section_size  }
0x9a: {  	s5 =	simm.s32 $_size__tile_overlayer_lowered;
	s6 =	simm.s32 $_tile_overlayer_lowered  }
0x9b: {  	s22 =	simm.s32 $0x1BFF;
	s21 =	sshll.u32 s6, $0x1;
	s3 =	sadd.s32 s4, s19  }
0x9c: {  	s7 =	simm.s32 $0x0;
	s20 =	sshll.u32 s5, $0x1;
	s5 =	sadd.s32 s21, s3  }
0x9d: {  	[timem:s7], [sflag:s22] =	dma.local [hbm:s5], s20  }
0x9e: {  	_ =	swait.ge [sflag:s22], s20  }
0x9f: {  	s4 =	ssub.s32 $0x0, s20;
	[sflag:s22] =	ssyncset.done $0x0  }
0xa0: {  	[sflag:s22] =	ssyncadd.s32 s4;
	_ =	sdelay $0x1  }
0xa1: {  	s23 =	simm.s32 $0x1B8B  }
0xa2: {  	_ =	swait.ge [sflag:s23], $0x1  }
0xa3: {  	[sflag:s23] =	ssyncset.done $0x0  }
0xa4: {  	s25 =	simm.s32 $0x1B8E;
	s24 =	sld [smem:$0x3FFE];
	[sflag:s23] =	ssyncadd.s32 $0xFFFFFFFF  }
0xa5: {  	s26 =	simm.s32 $execute0_lowered;
	[smem:$0x3FD2] =	sst s25  }
0xa6: {  	s5 =	sshll.u32 s26, $0x1;
	_ =	strace $0x80000049;
	[dreg:$0x1] =	wrdreg $0xFFFFFFFF  }
0xa7: {  	s28 =	simm.s32 $_size_execute0_lowered;
	s3 =	sadd.s32 s3, s5;
	[dreg:$0x0] =	wrdreg $0x0  }
0xa8: {  	s5 =	sshll.u32 s28, $0x1;
	[dreg:$0x2] =	wrdreg s3  }
0xa9: {  	[dreg:$0x3] =	wrdreg s5  }
0xaa: {  	[dreg:$0x4] =	wrdreg $0xC0  }
0xab: {  	_ =	task [dreg:s7], $0x5FFFF  }
0xac: {  	[dreg:$0x1] =	wrdreg $0xFFFFFFFF  }
0xad: {  	[dreg:$0x0] =	wrdreg $0x60  }
0xae: {  	[dreg:$0x2] =	wrdreg s2  }
0xaf: {  	[dreg:$0x3] =	wrdreg s24  }
0xb0: {  	[dreg:$0x4] =	wrdreg $0x41000  }
0xb1: {  	[dreg:$0x5] =	wrdreg $0x9  }
0xb2: {  	_ =	task.clear_ibuf [dreg:s7], $0x6FFFF;
	_ =	strace $0x90000049  }
0xb3: {  	s29 =	simm.s32 $0x9;
	_ =	strace $0x8000004B  }
0xb4: {  	_ =	swait.ge [sflag:s29], $0x1  }
0xb5: {  	[sflag:s29] =	ssyncadd.s32 $0xFFFFFFFF  }
0xb6: {  	_ =	strace $0x9000004B  }
0xb7: {  	_ =	sfence  }
0xb8: {  	s30 =	sld [smem:$0x0];
	_ =	sdelay $0x2  }
0xb9: {  	s31 =	sshll.u32 s1, $0xD;
	s1 =	sshrl.u32 s1, $0x2  }
0xba: {  	s3 =	sand.u32 $0x4000, s31;
	s1 =	sadd.s32 s1, s30  }
0xbb: {  	s0 =	sor.u32 s3, s0;
	s1 =	sshll.u32 s1, $0x11  }
0xbc: {  	s0 =	sor.u32 s1, s0  }
0xbd: {  	s0 =	sadd.s32 $0x8F2B, s0  }
0xbe: {  	[sflag:s0] =	ssyncadd.remote.s32 $0x1  }
0xbf: {  	_ =	sfence.sel $0xFFFF  }
0xc0: {  	[dreg:$0x0] =	wrdreg $0xFFFFFFFF;
	(pc) =	sbr.abs _section_cstart, $3  }
0xc1: {  	[dreg:$0x1] =	wrdreg $0xFFFFFFFF  }
0xc2: {  	_ =	task.clear_ibuf [dreg:s7], $0x2FFFF;
	_ =	strace $0x9FFFFFFF  }
0xc3: {  	(tm) =	ssettm $0x7FFFFFFF  }
tec
execute0_lowered:
.L_overlay_start_1:
0x0: {  	(tag) =	ssettag $0x1  }
0x1: {  	s1 =	rddreg [dreg:$0x0]  }
0x2: {  	s12 =	rddreg [dreg:$0x1]  }
0x3: {  	s2 =	rddreg [dreg:$0x2]  }
0x4: {  	s0 =	rddreg [dreg:$0x3];
	s3 =	simm.s32 $0x0;
	s25 =	stileid.u32  }
0x5: {  	s6 =	srdreg.scid;
	s20 =	simm.s32 $0x2;
	s22 =	simm.s32 $0x80  }
0x6: {  	s23 =	simm.s32 $0x100;
	s24 =	simm.s32 $0x1;
	s5 =	smul.u32 $0x9E0, s25  }
0x7: {  	[smem:$0x7FF] =	sst s3;
	s4 =	sadd.s32 $0x18600, s12;
	s8 =	smul.u32 $0x4E000, s25  }
0x8: {  	s7 =	sand.u32 $0x1, s6;
	s6 =	sadd.s32 $0x66A00, s12;
	s13 =	smul.u32 $0x2700, s25  }
0x9: {  	p1 =	sne.s32 s25, $0x0;
	s17 =	sshll.u32 s25, $0x6;
	p2 =	seq.s32 s25, $0x0  }
0xa: {  	s25 =	simm.s32 $0x0;
	_ =	strace $0x8000004A;
	s9 =	ssub.s32 $0x2, s7  }
0xb: {  	p0 =	seq.s32 s7, $0x1;
	s18 =	sor.u32 $0x1C02, s17;
	s16 =	sadd.s32 s5, s12  }
0xc: {  	s5 =	sadd.s32 $0x3F800, s12;
	s10 =	sshrl.u32 s9, $0x1;
	s8 =	sshrl.u32 s8, $0x2  }
.Ltmp0:
0xd: {  	s7 =	sadd.s32 s1, s13;
	s11 =	sadd.s32 s4, s13;
	(pc) =	sbr.rel .LBB2_1-.Ltmp0, $4  }
0xe: {  	s12 =	sadd.s32 $0x3F600, s12;
	s14 =	ssub.s32 s9, s10;
	s19 =	sadd.s32 s8, s2  }
0xf: {  	s8 =	sadd.s32 $0x138000, s2;
	s9 =	sadd.s32 $0x27000, s1;
	s10 =	sadd.s32 s5, s13  }
0x10: {  	s13 =	sadd.s32 s6, s13;
	s15 =	sadd.s32 $0xE800, s16;
	s16 =	sadd.s32 $0x4A00, s16  }
0x11: {  	s14 =	smax.u32 s14, $0x1;
	s19 =	sshrl.u32 s19, $0x3;
	s21 =	sshrl.u32 @!p1 s8, $0x3  }
.LBB2_8:
0x12: {  	s28 =	sadd.s32 $0x27000, s28;
	s29 =	sshrl.u32 s8, $0x3  }
0x13: {  	[hbm:s28], [sflag:s26] =	dma.local [spmem:s29], $0x100  }
0x14: {  	_ =	swait.ge [sflag:s20], $0x100  }
0x15: {  	[sflag:s20] =	ssyncset.done $0x0  }
0x16: {  	[sflag:s20] =	ssyncadd.s32 $0xFFFFFF00  }
.LBB2_9:
0x17: {  	s25 =	sadd.s32 $0x1, s25  }
0x18: {  	p3 =	sne.s32 s25, s14  }
.Ltmp1:
0x19: {  	_ = 	snop;
	(pc) =	sbr.rel @!p3 .LBB2_10-.Ltmp1, $1  }
0x1a: {  	_ =	sdelay $0x3  }
.LBB2_1:
.Ltmp2:
0x1b: {  	(pc) =	sbr.rel @!p0 .LBB2_2-.Ltmp2, $1  }
0x1c: {  	_ =	sdelay $0x3  }
0x1d: {  	[spmem:s19], [sflag:s18] =	dma.local [hbm:s11], $0x2700  }
0x1e: {  	_ =	swait.ge [sflag:s20], $0x2700  }
0x1f: {  	[sflag:s20] =	ssyncset.done $0x0  }
0x20: {  	s26 =	simm.s32 @!p1 $0x2;
	[sflag:s20] =	ssyncadd.s32 $0xFFFFD900  }
0x21: {  	[spmem:s21], [sflag:s18] =	dma.local @!p1 [hbm:s12], $0x100  }
0x22: {  	_ =	swait.ge @!p1 [sflag:s26], $0x100  }
0x23: {  	[sflag:s26] =	ssyncset.done @!p1 $0x0  }
0x24: {  	[sflag:s26] =	ssyncadd.s32 @!p1 $0xFFFFFF00  }
0x25: {  	s30 =	sadd.s32 $0x0, s16;
	[bflag:$0x0] =	sbarrier.arrive $0xFFFF  }
0x26: {  	[tilespmem:s3], [sflag:$0x2] =	stream.linear.gather [hbm4b:s30+s3], $0x80, $0x38;
	[tilespmem:$0x17A00] =	vst v63  }
0x27: {  	_ =	swait.ge [sflag:s20], $0x80  }
0x28: {  	[sflag:s20] =	ssyncset.done $0x0  }
0x29: {  	s31 =	sadd.s32 $0x0, s15;
	[sflag:s20] =	ssyncadd.s32 $0xFFFFFF80  }
0x2a: {  	[tilespmem:s22], [sflag:$0x2] =	stream.linear.gather [hbm4b:s31+s3], $0x80, $0x38;
	[tilespmem:$0x17A00] =	vst v63  }
0x2b: {  	_ =	swait.ge [sflag:s20], $0x80  }
0x2c: {  	[sflag:s20] =	ssyncset.done $0x0  }
0x2d: {  	[sflag:s20] =	ssyncadd.s32 $0xFFFFFF80  }
0x2e: {  	v0 =	vld [tilespmem:$0x60]  }
0x2f: {  	v2 =	vld [tilespmem:$0x50]  }
0x30: {  	v6 =	vld [tilespmem:$0x30]  }
0x31: {  	v3 =	vld [tilespmem:$0x20]  }
0x32: {  	v5 =	vld [tilespmem:$0xB0]  }
0x33: {  	v1 =	vld [tilespmem:$0xD0]  }
0x34: {  	v11 =	vld [tilespmem:$0xA0]  }
0x35: {  	v10 =	vld [tilespmem:$0x40]  }
0x36: {  	v4 =	vld [tilespmem:$0x80]  }
0x37: {  	v8 =	vld [tilespmem:$0xC0]  }
0x38: {  	v9 =	vld [tilespmem:$0x0]  }
0x39: {  	v7 =	vld [tilespmem:$0xE0];
	vm0 =	veq.s32 v11, v3  }
0x3a: {  	s26 =	simm.s32 $0x10;
	v3 =	vld [tilespmem:$0x10];
	v11 =	vsel vm0, $0x2710, v11  }
.LBB2_6:
0x3b: {  	p3 =	sne.s32 s26, $0x9D0;
	v12 =	vld [tilespmem:$0x70];
	s28 =	smov.u32 s26;
	s26 =	sadd.s32 $0x10, s26  }
0x3c: {  	vm0 =	veq.s32 v5, v6;
	[tilespmem:$0xA0] =	vst v11;
	vm1 =	veq.s32 v8, v10;
	v6 =	vld [tilespmem:$0xF0]  }
0x3d: {  	v5 =	vsel vm0, $0x2710, v5;
	vm0 =	veq.s32 v1, v2;
	vm2 =	veq.s32 v4, v9;
	v9 =	vld [tilespmem:$0x90]  }
0x3e: {  	v2 =	vsel vm2, $0x2710, v4;
	[tilespmem:$0xB0] =	vst v5;
	v4 =	vsel vm1, $0x2710, v8;
	vm1 =	veq.s32 v7, v0  }
0x3f: {  	v0 =	vsel vm0, $0x2710, v1;
	[tilespmem:$0xC0] =	vst v4;
	v1 =	vsel vm1, $0x2710, v7  }
0x40: {  	[tilespmem:$0xD0] =	vst v0  }
0x41: {  	[tilespmem:$0xE0] =	vst v1;
	vm0 =	veq.s32 v6, v12  }
0x42: {  	[tilespmem:$0x80] =	vst v2;
	vm1 =	veq.s32 v9, v3;
	v0 =	vsel vm0, $0x2710, v6  }
0x43: {  	v1 =	vsel vm1, $0x2710, v9;
	[tilespmem:$0xF0] =	vst v0  }
0x44: {  	[tilespmem:$0x90] =	vst v1  }
0x45: {  	[tilespmem:s23], [sflag:$0x1] =	stream.indirect.gather [hbm4b:s4+s22], $0x80, s3, s22, $0xb8;
	[tilespmem:$0x17A00] =	vst v63  }
0x46: {  	_ =	swait.ge [sflag:s24], $0x4000  }
0x47: {  	[sflag:s24] =	ssyncset.done $0x0  }
0x48: {  	[sflag:s24] =	ssyncadd.s32 $0xFFFFC000  }
0x49: {  	[spmem:s2] =	stream.indirect.scatter.add.f32 [tilespmem:s23], [sflag:$0x2], $0x80, s22, s22, $0xb8;
	[tilespmem:$0x17A00] =	vst v63  }
0x4a: {  	s29 =	sadd.s32 s28, s16;
	_ =	swait.ge [sflag:s20], $0x4000  }
0x4b: {  	[sflag:s20] =	ssyncset.done $0x0  }
0x4c: {  	[sflag:s20] =	ssyncadd.s32 $0xFFFFC000  }
0x4d: {  	[tilespmem:s3], [sflag:$0x2] =	stream.linear.gather [hbm4b:s29+s3], $0x80, $0x38;
	[tilespmem:$0x17A00] =	vst v63  }
0x4e: {  	_ =	swait.ge [sflag:s20], $0x80  }
0x4f: {  	[sflag:s20] =	ssyncset.done $0x0  }
0x50: {  	s28 =	sadd.s32 s28, s15;
	[sflag:s20] =	ssyncadd.s32 $0xFFFFFF80  }
0x51: {  	[tilespmem:s22], [sflag:$0x2] =	stream.linear.gather [hbm4b:s28+s3], $0x80, $0x38;
	[tilespmem:$0x17A00] =	vst v63  }
0x52: {  	_ =	swait.ge [sflag:s20], $0x80  }
0x53: {  	[sflag:s20] =	ssyncset.done $0x0  }
0x54: {  	[sflag:s20] =	ssyncadd.s32 $0xFFFFFF80  }
0x55: {  	v0 =	vld [tilespmem:$0x60]  }
0x56: {  	v2 =	vld [tilespmem:$0x50]  }
0x57: {  	v6 =	vld [tilespmem:$0x30]  }
0x58: {  	v3 =	vld [tilespmem:$0x20]  }
0x59: {  	v5 =	vld [tilespmem:$0xB0]  }
0x5a: {  	v1 =	vld [tilespmem:$0xD0]  }
0x5b: {  	v11 =	vld [tilespmem:$0xA0]  }
0x5c: {  	v10 =	vld [tilespmem:$0x40]  }
.Ltmp3:
0x5d: {  	v4 =	vld [tilespmem:$0x80];
	(pc) =	sbr.rel @p3 .LBB2_6-.Ltmp3, $4  }
0x5e: {  	v8 =	vld [tilespmem:$0xC0]  }
0x5f: {  	v9 =	vld [tilespmem:$0x0]  }
0x60: {  	vm0 =	veq.s32 v11, v3;
	v7 =	vld [tilespmem:$0xE0]  }
0x61: {  	v3 =	vld [tilespmem:$0x10];
	v11 =	vsel vm0, $0x2710, v11  }
0x62: {  	v12 =	vld [tilespmem:$0x70]  }
0x63: {  	vm0 =	veq.s32 v5, v6;
	v56 =	vld [tilespmem:$0xF0]  }
0x64: {  	[tilespmem:$0xA0] =	vst v11;
	v57 =	vld [tilespmem:$0x90];
	vm11 =	veq.s32 v1, v2;
	v5 =	vsel vm0, $0x2710, v5  }
0x65: {  	vm1 =	veq.s32 v8, v10;
	v59 =	vsel vm11, $0x2710, v1;
	[tilespmem:$0xB0] =	vst v5  }
0x66: {  	v58 =	vsel vm1, $0x2710, v8;
	vm13 =	veq.s32 v4, v9;
	[tilespmem:$0xD0] =	vst v59  }
0x67: {  	vm12 =	veq.s32 v7, v0;
	[tilespmem:$0xC0] =	vst v58;
	v61 =	vsel vm13, $0x2710, v4  }
0x68: {  	v60 =	vsel vm12, $0x2710, v7;
	[tilespmem:$0x80] =	vst v61;
	vm14 =	veq.s32 v56, v12  }
0x69: {  	[tilespmem:$0xE0] =	vst v60;
	vm15 =	veq.s32 v57, v3;
	v62 =	vsel vm14, $0x2710, v56  }
0x6a: {  	v63 =	vsel vm15, $0x2710, v57;
	[tilespmem:$0xF0] =	vst v62  }
0x6b: {  	[tilespmem:$0x90] =	vst v63  }
0x6c: {  	[tilespmem:s23], [sflag:$0x1] =	stream.indirect.gather [hbm4b:s4+s22], $0x80, s3, s22, $0xb8;
	[tilespmem:$0x17A00] =	vst v63  }
0x6d: {  	_ =	swait.ge [sflag:s24], $0x4000  }
0x6e: {  	[sflag:s24] =	ssyncset.done $0x0  }
0x6f: {  	[sflag:s24] =	ssyncadd.s32 $0xFFFFC000  }
0x70: {  	[spmem:s2] =	stream.indirect.scatter.add.f32 [tilespmem:s23], [sflag:$0x2], $0x80, s22, s22, $0xb8;
	[tilespmem:$0x17A00] =	vst v63  }
0x71: {  	_ =	swait.ge [sflag:s20], $0x4000  }
0x72: {  	[sflag:s20] =	ssyncset.done $0x0  }
0x73: {  	[sflag:s20] =	ssyncadd.s32 $0xFFFFC000  }
0x74: {  	[bflag:$0x0] =	sbarrier.arrive $0xFFFF  }
0x75: {  	[hbm:s13], [sflag:s18] =	dma.local [spmem:s19], $0x2700  }
.Ltmp4:
0x76: {  	_ = 	snop;
	(pc) =	sbr.rel @p1 .LBB2_9-.Ltmp4, $4  }
.Ltmp5:
0x77: {  	_ = 	snop;
	(pc) =	sbr.rel @!p1 .LBB2_8-.Ltmp5, $4  }
0x78: {  	_ =	swait.ge [sflag:s20], $0x2700  }
0x79: {  	[sflag:s20] =	ssyncset.done $0x0  }
0x7a: {  	s28 =	smov.u32 s6;
	s26 =	smov.u32 s18;
	[sflag:s20] =	ssyncadd.s32 $0xFFFFD900  }
0x7b: {  	_ = 	snop  }
.LBB2_2:
0x7c: {  	s26 =	sor.u32 $0x1C02, s17  }
0x7d: {  	[spmem:s19], [sflag:s26] =	dma.local [hbm:s7], $0x2700  }
0x7e: {  	_ =	swait.ge [sflag:s20], $0x2700  }
0x7f: {  	[sflag:s20] =	ssyncset.done $0x0  }
0x80: {  	s28 =	simm.s32 @!p1 $0x2;
	[sflag:s20] =	ssyncadd.s32 $0xFFFFD900  }
0x81: {  	[spmem:s21], [sflag:s26] =	dma.local @!p1 [hbm:s9], $0x100  }
0x82: {  	_ =	swait.ge @!p1 [sflag:s28], $0x100  }
0x83: {  	[sflag:s28] =	ssyncset.done @!p1 $0x0  }
0x84: {  	[sflag:s28] =	ssyncadd.s32 @!p1 $0xFFFFFF00  }
0x85: {  	s28 =	sadd.s32 $0x0, s16;
	[bflag:$0x0] =	sbarrier.arrive $0xFFFF  }
0x86: {  	[tilespmem:s3], [sflag:$0x2] =	stream.linear.gather [hbm4b:s28+s3], $0x80, $0x38;
	[tilespmem:$0x17A00] =	vst v63  }
0x87: {  	_ =	swait.ge [sflag:s20], $0x80  }
0x88: {  	[sflag:s20] =	ssyncset.done $0x0  }
0x89: {  	s28 =	sadd.s32 $0x0, s15;
	[sflag:s20] =	ssyncadd.s32 $0xFFFFFF80  }
0x8a: {  	[tilespmem:s22], [sflag:$0x2] =	stream.linear.gather [hbm4b:s28+s3], $0x80, $0x38;
	[tilespmem:$0x17A00] =	vst v63  }
0x8b: {  	_ =	swait.ge [sflag:s20], $0x80  }
0x8c: {  	[sflag:s20] =	ssyncset.done $0x0  }
0x8d: {  	[sflag:s20] =	ssyncadd.s32 $0xFFFFFF80  }
0x8e: {  	v0 =	vld [tilespmem:$0x60]  }
0x8f: {  	v2 =	vld [tilespmem:$0x50]  }
0x90: {  	v6 =	vld [tilespmem:$0x30]  }
0x91: {  	v3 =	vld [tilespmem:$0x20]  }
0x92: {  	v5 =	vld [tilespmem:$0xB0]  }
0x93: {  	v1 =	vld [tilespmem:$0xD0]  }
0x94: {  	v11 =	vld [tilespmem:$0xA0]  }
0x95: {  	v10 =	vld [tilespmem:$0x40]  }
0x96: {  	v4 =	vld [tilespmem:$0x80]  }
0x97: {  	v8 =	vld [tilespmem:$0xC0]  }
0x98: {  	v9 =	vld [tilespmem:$0x0]  }
0x99: {  	v7 =	vld [tilespmem:$0xE0];
	vm0 =	veq.s32 v11, v3  }
0x9a: {  	s28 =	simm.s32 $0x10;
	v3 =	vld [tilespmem:$0x10];
	v11 =	vsel vm0, $0x2710, v11  }
.LBB2_3:
0x9b: {  	p3 =	sne.s32 s28, $0x9D0;
	v12 =	vld [tilespmem:$0x70];
	s29 =	smov.u32 s28;
	s28 =	sadd.s32 $0x10, s28  }
0x9c: {  	vm0 =	veq.s32 v5, v6;
	[tilespmem:$0xA0] =	vst v11;
	vm1 =	veq.s32 v8, v10;
	v6 =	vld [tilespmem:$0xF0]  }
0x9d: {  	v5 =	vsel vm0, $0x2710, v5;
	vm0 =	veq.s32 v1, v2;
	vm2 =	veq.s32 v4, v9;
	v9 =	vld [tilespmem:$0x90]  }
0x9e: {  	v2 =	vsel vm2, $0x2710, v4;
	[tilespmem:$0xB0] =	vst v5;
	v4 =	vsel vm1, $0x2710, v8;
	vm1 =	veq.s32 v7, v0  }
0x9f: {  	v0 =	vsel vm0, $0x2710, v1;
	[tilespmem:$0xC0] =	vst v4;
	v1 =	vsel vm1, $0x2710, v7  }
0xa0: {  	[tilespmem:$0xD0] =	vst v0  }
0xa1: {  	[tilespmem:$0xE0] =	vst v1;
	vm0 =	veq.s32 v6, v12  }
0xa2: {  	[tilespmem:$0x80] =	vst v2;
	vm1 =	veq.s32 v9, v3;
	v0 =	vsel vm0, $0x2710, v6  }
0xa3: {  	v1 =	vsel vm1, $0x2710, v9;
	[tilespmem:$0xF0] =	vst v0  }
0xa4: {  	[tilespmem:$0x90] =	vst v1  }
0xa5: {  	[tilespmem:s23], [sflag:$0x1] =	stream.indirect.gather [hbm4b:s1+s22], $0x80, s3, s22, $0xb8;
	[tilespmem:$0x17A00] =	vst v63  }
0xa6: {  	_ =	swait.ge [sflag:s24], $0x4000  }
0xa7: {  	[sflag:s24] =	ssyncset.done $0x0  }
0xa8: {  	[sflag:s24] =	ssyncadd.s32 $0xFFFFC000  }
0xa9: {  	[spmem:s2] =	stream.indirect.scatter.add.f32 [tilespmem:s23], [sflag:$0x2], $0x80, s22, s22, $0xb8;
	[tilespmem:$0x17A00] =	vst v63  }
0xaa: {  	s30 =	sadd.s32 s29, s16;
	_ =	swait.ge [sflag:s20], $0x4000  }
0xab: {  	[sflag:s20] =	ssyncset.done $0x0  }
0xac: {  	[sflag:s20] =	ssyncadd.s32 $0xFFFFC000  }
0xad: {  	[tilespmem:s3], [sflag:$0x2] =	stream.linear.gather [hbm4b:s30+s3], $0x80, $0x38;
	[tilespmem:$0x17A00] =	vst v63  }
0xae: {  	_ =	swait.ge [sflag:s20], $0x80  }
0xaf: {  	[sflag:s20] =	ssyncset.done $0x0  }
0xb0: {  	s29 =	sadd.s32 s29, s15;
	[sflag:s20] =	ssyncadd.s32 $0xFFFFFF80  }
0xb1: {  	[tilespmem:s22], [sflag:$0x2] =	stream.linear.gather [hbm4b:s29+s3], $0x80, $0x38;
	[tilespmem:$0x17A00] =	vst v63  }
0xb2: {  	_ =	swait.ge [sflag:s20], $0x80  }
0xb3: {  	[sflag:s20] =	ssyncset.done $0x0  }
0xb4: {  	[sflag:s20] =	ssyncadd.s32 $0xFFFFFF80  }
0xb5: {  	v0 =	vld [tilespmem:$0x60]  }
0xb6: {  	v2 =	vld [tilespmem:$0x50]  }
0xb7: {  	v6 =	vld [tilespmem:$0x30]  }
0xb8: {  	v3 =	vld [tilespmem:$0x20]  }
0xb9: {  	v5 =	vld [tilespmem:$0xB0]  }
0xba: {  	v1 =	vld [tilespmem:$0xD0]  }
0xbb: {  	v11 =	vld [tilespmem:$0xA0]  }
0xbc: {  	v10 =	vld [tilespmem:$0x40]  }
.Ltmp6:
0xbd: {  	v4 =	vld [tilespmem:$0x80];
	(pc) =	sbr.rel @p3 .LBB2_3-.Ltmp6, $4  }
0xbe: {  	v8 =	vld [tilespmem:$0xC0]  }
0xbf: {  	v9 =	vld [tilespmem:$0x0]  }
0xc0: {  	vm0 =	veq.s32 v11, v3;
	v7 =	vld [tilespmem:$0xE0]  }
0xc1: {  	v3 =	vld [tilespmem:$0x10];
	v11 =	vsel vm0, $0x2710, v11  }
0xc2: {  	v12 =	vld [tilespmem:$0x70]  }
0xc3: {  	vm0 =	veq.s32 v5, v6;
	v56 =	vld [tilespmem:$0xF0]  }
0xc4: {  	[tilespmem:$0xA0] =	vst v11;
	v57 =	vld [tilespmem:$0x90];
	vm11 =	veq.s32 v1, v2;
	v5 =	vsel vm0, $0x2710, v5  }
0xc5: {  	vm1 =	veq.s32 v8, v10;
	v59 =	vsel vm11, $0x2710, v1;
	[tilespmem:$0xB0] =	vst v5  }
0xc6: {  	v58 =	vsel vm1, $0x2710, v8;
	vm13 =	veq.s32 v4, v9;
	[tilespmem:$0xD0] =	vst v59  }
0xc7: {  	vm12 =	veq.s32 v7, v0;
	[tilespmem:$0xC0] =	vst v58;
	v61 =	vsel vm13, $0x2710, v4  }
0xc8: {  	v60 =	vsel vm12, $0x2710, v7;
	[tilespmem:$0x80] =	vst v61;
	vm14 =	veq.s32 v56, v12  }
0xc9: {  	[tilespmem:$0xE0] =	vst v60;
	vm15 =	veq.s32 v57, v3;
	v62 =	vsel vm14, $0x2710, v56  }
0xca: {  	v63 =	vsel vm15, $0x2710, v57;
	[tilespmem:$0xF0] =	vst v62  }
0xcb: {  	[tilespmem:$0x90] =	vst v63  }
0xcc: {  	[tilespmem:s23], [sflag:$0x1] =	stream.indirect.gather [hbm4b:s1+s22], $0x80, s3, s22, $0xb8;
	[tilespmem:$0x17A00] =	vst v63  }
0xcd: {  	_ =	swait.ge [sflag:s24], $0x4000  }
0xce: {  	[sflag:s24] =	ssyncset.done $0x0  }
0xcf: {  	[sflag:s24] =	ssyncadd.s32 $0xFFFFC000  }
0xd0: {  	[spmem:s2] =	stream.indirect.scatter.add.f32 [tilespmem:s23], [sflag:$0x2], $0x80, s22, s22, $0xb8;
	[tilespmem:$0x17A00] =	vst v63  }
0xd1: {  	_ =	swait.ge [sflag:s20], $0x4000  }
0xd2: {  	[sflag:s20] =	ssyncset.done $0x0  }
0xd3: {  	[sflag:s20] =	ssyncadd.s32 $0xFFFFC000  }
0xd4: {  	[bflag:$0x0] =	sbarrier.arrive $0xFFFF  }
0xd5: {  	[hbm:s10], [sflag:s26] =	dma.local [spmem:s19], $0x2700  }
.Ltmp7:
0xd6: {  	_ = 	snop;
	(pc) =	sbr.rel @!p2 .LBB2_9-.Ltmp7, $4  }
.Ltmp8:
0xd7: {  	_ = 	snop;
	(pc) =	sbr.rel @p2 .LBB2_8-.Ltmp8, $4  }
0xd8: {  	_ =	swait.ge [sflag:s20], $0x2700  }
0xd9: {  	[sflag:s20] =	ssyncset.done $0x0  }
0xda: {  	s28 =	smov.u32 s5;
	[sflag:s20] =	ssyncadd.s32 $0xFFFFD900  }
0xdb: {  	_ = 	snop  }
.LBB2_10:
0xdc: {  	_ =	sfence.sel $0x180000  }
0xdd: {  	[bflag:$0x0] =	sbarrier.arrive $0xFFFF  }
0xde: {  	_ =	strace $0x9000004A  }
0xdf: {  	s0 =	sadd.s32 @!p1 $0x100000, s0;
	[bflag:$0x2] =	sbarrier.arrive $0xFFFF  }
0xe0: {  	[sflag:s0] =	ssyncadd.tile.s32 @!p1 $0x1;
	_ =	shalt  }
.Lfunc_end2:
_tile_overlayer_lowered:
.L_overlay_start_2:
0xe1: {  	(tag) =	ssettag $0x2  }
0xe2: {  	s0 =	rddreg [dreg:$0x0];
	s2 =	stileid.u32  }
0xe3: {  	s1 =	rddreg [dreg:$0x1];
	p0 =	sne.s32 s2, $0x0  }
0xe4: {  	s3 =	rddreg [dreg:$0x2];
	[bflag:$0x3] =	sbarrier.arrive $0xFFFF;
	s2 =	simm.s32 @!p0 $0x1C02  }
0xe5: {  	[timem:s3], [sflag:s2] =	dma.local @!p0 [hbm:s0], s1  }
0xe6: {  	s0 =	simm.s32 @!p0 $0x2  }
0xe7: {  	_ =	swait.ge @!p0 [sflag:s0], s1  }
0xe8: {  	s1 =	ssub.s32 @!p0 $0x0, s1;
	[sflag:s0] =	ssyncset.done @!p0 $0x0  }
0xe9: {  	[sflag:s0] =	ssyncadd.s32 @!p0 s1  }
0xea: {  	[bflag:$0x3] =	sbarrier.arrive $0xFFFF  }
0xeb: {  	_ =	shalt  }

// kernel: kernel.16.cloned.1.call-start
scs
__scs_entry_jumppad:
0x0: {  	(pc) =	sbr.rel $0x88, $3  }
0x1: {  	(tag) =	ssettag $0x0;
	lr =	simm.s32 $0x1  }
0x2: {  	[smem:$0x3F97] =	sst lr;
	_ =	strace $0xD0000000  }
0x3: {  	_ = 	snop  }
0x4: {  	_ = 	snop  }
0x5: {  	_ = 	snop  }
0x6: {  	_ = 	snop  }
0x7: {  	_ = 	snop  }
__scs_overlays_trampoline_lowered:
0x8: {  	[smem:$0x3FA6] =	sst s0  }
0x9: {  	[smem:$0x3FA7] =	sst s1  }
0xa: {  	[smem:$0x3FA8] =	sst s2  }
0xb: {  	[smem:$0x3FA9] =	sst s3  }
0xc: {  	[smem:$0x3FAA] =	sst s4  }
0xd: {  	[smem:$0x3FAB] =	sst s5  }
0xe: {  	[smem:$0x3FAC] =	sst s6  }
0xf: {  	[smem:$0x3FAD] =	sst s7  }
0x10: {  	[smem:$0x3FAE] =	sst s8  }
0x11: {  	[smem:$0x3FAF] =	sst s9;
	s0 =	simm.s32 @!p0 $0x0  }
0x12: {  	s1 =	sld [smem:$0x3F95];
	s0 =	simm.s32 @p0 $0x1  }
0x13: {  	[smem:$0x3FB0] =	sst s0;
	s0 =	simm.s32 @!p1 $0x0  }
0x14: {  	s2 =	sld [smem:$0x3F94];
	s0 =	simm.s32 @p1 $0x1  }
0x15: {  	[smem:$0x3FB1] =	sst s0;
	s0 =	simm.s32 @!p2 $0x0  }
0x16: {  	s3 =	sld [smem:$0x3FDB];
	s0 =	simm.s32 @p2 $0x1  }
0x17: {  	s4 =	simm.s32 $0x1BF5;
	[smem:$0x3FB3] =	sst s0  }
0x18: {  	s0 =	sld [smem:$0x3F96];
	_ =	swait.ge [sflag:s4], $0x0  }
0x19: {  	s7 =	sld [smem:$0x3F97]  }
0x1a: {  	s8 =	sadd.s32 $0xFFFFE003, lr  }
0x1b: {  	s9 =	sadd.s32 $0xFFFFFEF7, lr;
	s5 =	simm.s32 $0xFFFFFFFF;
	p2 =	slt.u32 s8, $0xFFFFF086  }
0x1c: {  	p1 =	slt.u32 s9, $0xF7A;
	s5 =	simm.s32 @!p2 $0x0  }
0x1d: {  	s5 =	simm.s32 @p1 $0x1;
	p0 =	seq.s32 s7, s2  }
0x1e: {  	s7 =	smul.u32 @!p0 $0xF7A, s2;
	p2 =	seq.s32 @!p0 s5, $0x0  }
0x1f: {  	s9 =	smul.u32 $0xF7A, s1;
	s8 =	simm.s32 @!p0 $0x1BF5;
	p2 =	por !p2, p0  }
0x20: {  	[sflag:s8] =	ssyncset.s32 @!p0 $0xFFFFF086;
	s6 =	sadd.s32 @!p0 s3, s7;
	s7 =	simm.s32 @!p0 $0x108  }
0x21: {  	s3 =	sadd.s32 s3, s9;
	s6 =	sadd.s32 @!p0 $0x88, s6;
	s7 =	simm.s32 @p2 $0x1082  }
0x22: {  	[simem:s7], [sflag:s8] =	dma.local @!p0 [hbm:s6], $0xF7A  }
0x23: {  	s9 =	sor.u32 $0xD0000000, s2;
	s6 =	simm.s32 $0x108;
	_ =	swait.ge @!p0 [sflag:s8], $0x0  }
0x24: {  	s3 =	sadd.s32 $0x88, s3;
	s6 =	simm.s32 @!p1 $0x1082;
	[sflag:s4] =	ssyncset.s32 $0xFFFFF086  }
0x25: {  	[simem:s6], [sflag:s4] =	dma.local [hbm:s3], $0xF7A  }
0x26: {  	[smem:$0x3F97] =	sst s1;
	(tag) =	ssettag s2;
	_ =	strace s9  }
0x27: {  	s1 =	sld [smem:$0x3FA7]  }
0x28: {  	s2 =	sld [smem:$0x3FA8]  }
0x29: {  	s4 =	sld [smem:$0x3FAA]  }
0x2a: {  	p0 =	seq.s32 s5, $0x0;
	s5 =	sld [smem:$0x3FAB]  }
0x2b: {  	s6 =	sld [smem:$0x3FAC]  }
0x2c: {  	s7 =	sld [smem:$0x3FAD]  }
0x2d: {  	s3 =	simm.s32 $0x108;
	s8 =	sld [smem:$0x3FAE]  }
0x2e: {  	s3 =	simm.s32 @!p0 $0x1082;
	s9 =	sld [smem:$0x3FAF]  }
0x2f: {  	lr =	sadd.s32 s0, s3;
	s0 =	sld [smem:$0x3FA6]  }
0x30: {  	s3 =	sld [smem:$0x3FA9]  }
0x31: {  	[smem:$0x3FB2] =	sst s10  }
0x32: {  	s10 =	sld [smem:$0x3FB0];
	_ =	sdelay $0x3  }
0x33: {  	p0 =	seq.s32 s10, $0x1;
	s10 =	sld [smem:$0x3FB2];
	_ =	sdelay $0x3  }
0x34: {  	[smem:$0x3FB2] =	sst s10  }
0x35: {  	s10 =	sld [smem:$0x3FB1];
	_ =	sdelay $0x3  }
0x36: {  	p1 =	seq.s32 s10, $0x1;
	s10 =	sld [smem:$0x3FB2];
	_ =	sdelay $0x3  }
0x37: {  	[smem:$0x3FB2] =	sst s10  }
0x38: {  	s10 =	sld [smem:$0x3FB3]  }
0x39: {  	_ = 	snop;
	(pc) =	sbr.ind lr, $3  }
0x3a: {  	_ = 	snop  }
0x3b: {  	_ = 	snop  }
0x3c: {  	p2 =	seq.s32 s10, $0x1;
	s10 =	sld [smem:$0x3FB2]  }
0x3d: {  	_ =	shalt  }
0x3e: {  	_ =	shalt  }
0x3f: {  	_ =	shalt  }
0x40: {  	_ =	shalt  }
0x41: {  	_ =	shalt  }
0x42: {  	_ =	shalt  }
0x43: {  	_ =	shalt  }
0x44: {  	_ =	shalt  }
0x45: {  	_ =	shalt  }
0x46: {  	_ =	shalt  }
0x47: {  	_ =	shalt  }
0x48: {  	_ =	shalt  }
0x49: {  	_ =	shalt  }
0x4a: {  	_ =	shalt  }
0x4b: {  	_ =	shalt  }
0x4c: {  	_ =	shalt  }
0x4d: {  	_ =	shalt  }
0x4e: {  	_ =	shalt  }
0x4f: {  	_ =	shalt  }
0x50: {  	_ =	shalt  }
0x51: {  	_ =	shalt  }
0x52: {  	_ =	shalt  }
0x53: {  	_ =	shalt  }
0x54: {  	_ =	shalt  }
0x55: {  	_ =	shalt  }
0x56: {  	_ =	shalt  }
0x57: {  	_ =	shalt  }
0x58: {  	_ =	shalt  }
0x59: {  	_ =	shalt  }
0x5a: {  	_ =	shalt  }
0x5b: {  	_ =	shalt  }
0x5c: {  	_ =	shalt  }
0x5d: {  	_ =	shalt  }
0x5e: {  	_ =	shalt  }
0x5f: {  	_ =	shalt  }
0x60: {  	_ =	shalt  }
0x61: {  	_ =	shalt  }
0x62: {  	_ =	shalt  }
0x63: {  	_ =	shalt  }
0x64: {  	_ =	shalt  }
0x65: {  	_ =	shalt  }
0x66: {  	_ =	shalt  }
0x67: {  	_ =	shalt  }
0x68: {  	_ =	shalt  }
0x69: {  	_ =	shalt  }
0x6a: {  	_ =	shalt  }
0x6b: {  	_ =	shalt  }
0x6c: {  	_ =	shalt  }
0x6d: {  	_ =	shalt  }
0x6e: {  	_ =	shalt  }
0x6f: {  	_ =	shalt  }
0x70: {  	_ =	shalt  }
0x71: {  	_ =	shalt  }
0x72: {  	_ =	shalt  }
0x73: {  	_ =	shalt  }
0x74: {  	_ =	shalt  }
0x75: {  	_ =	shalt  }
0x76: {  	_ =	shalt  }
0x77: {  	_ =	shalt  }
0x78: {  	_ =	shalt  }
0x79: {  	_ =	shalt  }
0x7a: {  	_ =	shalt  }
0x7b: {  	_ =	shalt  }
0x7c: {  	_ =	shalt  }
0x7d: {  	_ =	shalt  }
0x7e: {  	_ =	shalt  }
0x7f: {  	_ =	shalt  }
0x80: {  	_ =	shalt  }
0x81: {  	_ =	shalt  }
0x82: {  	_ =	shalt  }
0x83: {  	_ =	shalt  }
0x84: {  	_ =	shalt  }
0x85: {  	_ =	shalt  }
0x86: {  	_ =	shalt  }
0x87: {  	_ =	shalt  }
.Lfunc_end0:
.L_simem_size_0:
called_computation.2_lowered:
.L_overlay_start_0:
0x88: {  	s2 =	sld [smem:$0x3FD9]  }
0x89: {  	s3 =	sld [smem:$0x3FFE];
	_ =	sdelay $0x1  }
0x8a: {  	s1 =	srdreg.scid  }
0x8b: {  	s0 =	sand.u32 $0x1, s1  }
0x8c: {  	s17 =	sshll.u32 s0, $0xA;
	s2 =	sadd.s32 s3, s2  }
0x8d: {  	s2 =	sadd.s32 s2, s17  }
0x8e: {  	[smem:$0x3FBE] =	sst s2  }
0x8f: {  	_ = 	snop  }
0x90: {  	s2 =	sld [smem:$0x3FD0];
	(tm) =	ssettm $0x1  }
0x91: {  	s18 =	sld [smem:$0x3FFB];
	_ =	sdelay $0x3  }
0x92: {  	_ =	strace s18  }
0x93: {  	s3 =	sld [smem:$0x3FFC];
	_ =	sdelay $0x3  }
0x94: {  	_ =	strace s3  }
0x95: {  	s3 =	sld [smem:$0x3FFD];
	_ =	sdelay $0x3  }
0x96: {  	_ =	strace s3  }
0x97: {  	_ =	strace $0x8FFFFFFF  }
0x98: {  	s19 =	sld [smem:$0x3FDB];
	_ =	sdelay $0x1  }
0x99: {  	s4 =	simm.s32 $_scs_section_size  }
0x9a: {  	s5 =	simm.s32 $_size__tile_overlayer_lowered;
	s6 =	simm.s32 $_tile_overlayer_lowered  }
0x9b: {  	s22 =	simm.s32 $0x1BFF;
	s21 =	sshll.u32 s6, $0x1;
	s3 =	sadd.s32 s4, s19  }
0x9c: {  	s7 =	simm.s32 $0x0;
	s20 =	sshll.u32 s5, $0x1;
	s5 =	sadd.s32 s21, s3  }
0x9d: {  	[timem:s7], [sflag:s22] =	dma.local [hbm:s5], s20  }
0x9e: {  	_ =	swait.ge [sflag:s22], s20  }
0x9f: {  	s4 =	ssub.s32 $0x0, s20;
	[sflag:s22] =	ssyncset.done $0x0  }
0xa0: {  	[sflag:s22] =	ssyncadd.s32 s4;
	_ =	sdelay $0x1  }
0xa1: {  	s23 =	simm.s32 $0x1B8B  }
0xa2: {  	_ =	swait.ge [sflag:s23], $0x1  }
0xa3: {  	[sflag:s23] =	ssyncset.done $0x0  }
0xa4: {  	s25 =	simm.s32 $0x1B8E;
	s24 =	sld [smem:$0x3FFE];
	[sflag:s23] =	ssyncadd.s32 $0xFFFFFFFF  }
0xa5: {  	s26 =	simm.s32 $execute0_lowered;
	[smem:$0x3FD2] =	sst s25  }
0xa6: {  	s5 =	sshll.u32 s26, $0x1;
	_ =	strace $0x8000004C;
	[dreg:$0x1] =	wrdreg $0xFFFFFFFF  }
0xa7: {  	s28 =	simm.s32 $_size_execute0_lowered;
	s3 =	sadd.s32 s3, s5;
	[dreg:$0x0] =	wrdreg $0x0  }
0xa8: {  	s5 =	sshll.u32 s28, $0x1;
	[dreg:$0x2] =	wrdreg s3  }
0xa9: {  	[dreg:$0x3] =	wrdreg s5  }
0xaa: {  	[dreg:$0x4] =	wrdreg $0xC0  }
0xab: {  	_ =	task [dreg:s7], $0x5FFFF  }
0xac: {  	[dreg:$0x1] =	wrdreg $0xFFFFFFFF  }
0xad: {  	[dreg:$0x0] =	wrdreg $0x60  }
0xae: {  	[dreg:$0x2] =	wrdreg s2  }
0xaf: {  	[dreg:$0x3] =	wrdreg s24  }
0xb0: {  	[dreg:$0x4] =	wrdreg $0x41000  }
0xb1: {  	[dreg:$0x5] =	wrdreg $0x9  }
0xb2: {  	_ =	task.clear_ibuf [dreg:s7], $0x6FFFF;
	_ =	strace $0x9000004C  }
0xb3: {  	s29 =	simm.s32 $0x9;
	_ =	strace $0x8000004E  }
0xb4: {  	_ =	swait.ge [sflag:s29], $0x1  }
0xb5: {  	[sflag:s29] =	ssyncadd.s32 $0xFFFFFFFF  }
0xb6: {  	_ =	strace $0x9000004E  }
0xb7: {  	_ =	sfence  }
0xb8: {  	s30 =	sld [smem:$0x0];
	_ =	sdelay $0x2  }
0xb9: {  	s31 =	sshll.u32 s1, $0xD;
	s1 =	sshrl.u32 s1, $0x2  }
0xba: {  	s3 =	sand.u32 $0x4000, s31;
	s1 =	sadd.s32 s1, s30  }
0xbb: {  	s0 =	sor.u32 s3, s0;
	s1 =	sshll.u32 s1, $0x11  }
0xbc: {  	s0 =	sor.u32 s1, s0  }
0xbd: {  	s0 =	sadd.s32 $0x8F2B, s0  }
0xbe: {  	[sflag:s0] =	ssyncadd.remote.s32 $0x1  }
0xbf: {  	_ =	sfence.sel $0xFFFF  }
0xc0: {  	[dreg:$0x0] =	wrdreg $0xFFFFFFFF;
	(pc) =	sbr.abs _section_cstart, $3  }
0xc1: {  	[dreg:$0x1] =	wrdreg $0xFFFFFFFF  }
0xc2: {  	_ =	task.clear_ibuf [dreg:s7], $0x2FFFF;
	_ =	strace $0x9FFFFFFF  }
0xc3: {  	(tm) =	ssettm $0x7FFFFFFF  }
tec
execute0_lowered:
.L_overlay_start_1:
0x0: {  	(tag) =	ssettag $0x1  }
0x1: {  	s1 =	rddreg [dreg:$0x0]  }
0x2: {  	s12 =	rddreg [dreg:$0x1]  }
0x3: {  	s2 =	rddreg [dreg:$0x2]  }
0x4: {  	s0 =	rddreg [dreg:$0x3];
	s3 =	simm.s32 $0x0;
	s25 =	stileid.u32  }
0x5: {  	s6 =	srdreg.scid;
	s20 =	simm.s32 $0x2;
	s22 =	simm.s32 $0x80  }
0x6: {  	s23 =	simm.s32 $0x100;
	s24 =	simm.s32 $0x1;
	s5 =	smul.u32 $0x9E0, s25  }
0x7: {  	[smem:$0x7FF] =	sst s3;
	s4 =	sadd.s32 $0x18600, s12;
	s8 =	smul.u32 $0x4E000, s25  }
0x8: {  	s7 =	sand.u32 $0x1, s6;
	s6 =	sadd.s32 $0x66A00, s12;
	s13 =	smul.u32 $0x2700, s25  }
0x9: {  	p1 =	sne.s32 s25, $0x0;
	s17 =	sshll.u32 s25, $0x6;
	p2 =	seq.s32 s25, $0x0  }
0xa: {  	s25 =	simm.s32 $0x0;
	_ =	strace $0x8000004D;
	s9 =	ssub.s32 $0x2, s7  }
0xb: {  	p0 =	seq.s32 s7, $0x1;
	s18 =	sor.u32 $0x1C02, s17;
	s16 =	sadd.s32 s5, s12  }
0xc: {  	s5 =	sadd.s32 $0x3F800, s12;
	s10 =	sshrl.u32 s9, $0x1;
	s8 =	sshrl.u32 s8, $0x2  }
.Ltmp0:
0xd: {  	s7 =	sadd.s32 s1, s13;
	s11 =	sadd.s32 s4, s13;
	(pc) =	sbr.rel .LBB2_1-.Ltmp0, $4  }
0xe: {  	s12 =	sadd.s32 $0x3F600, s12;
	s14 =	ssub.s32 s9, s10;
	s19 =	sadd.s32 s8, s2  }
0xf: {  	s8 =	sadd.s32 $0x138000, s2;
	s9 =	sadd.s32 $0x27000, s1;
	s10 =	sadd.s32 s5, s13  }
0x10: {  	s13 =	sadd.s32 s6, s13;
	s15 =	sadd.s32 $0xE800, s16;
	s16 =	sadd.s32 $0x4A00, s16  }
0x11: {  	s14 =	smax.u32 s14, $0x1;
	s19 =	sshrl.u32 s19, $0x3;
	s21 =	sshrl.u32 @!p1 s8, $0x3  }
.LBB2_8:
0x12: {  	s28 =	sadd.s32 $0x27000, s28;
	s29 =	sshrl.u32 s8, $0x3  }
0x13: {  	[hbm:s28], [sflag:s26] =	dma.local [spmem:s29], $0x100  }
0x14: {  	_ =	swait.ge [sflag:s20], $0x100  }
0x15: {  	[sflag:s20] =	ssyncset.done $0x0  }
0x16: {  	[sflag:s20] =	ssyncadd.s32 $0xFFFFFF00  }
.LBB2_9:
0x17: {  	s25 =	sadd.s32 $0x1, s25  }
0x18: {  	p3 =	sne.s32 s25, s14  }
.Ltmp1:
0x19: {  	_ = 	snop;
	(pc) =	sbr.rel @!p3 .LBB2_10-.Ltmp1, $1  }
0x1a: {  	_ =	sdelay $0x3  }
.LBB2_1:
.Ltmp2:
0x1b: {  	(pc) =	sbr.rel @!p0 .LBB2_2-.Ltmp2, $1  }
0x1c: {  	_ =	sdelay $0x3  }
0x1d: {  	[spmem:s19], [sflag:s18] =	dma.local [hbm:s11], $0x2700  }
0x1e: {  	_ =	swait.ge [sflag:s20], $0x2700  }
0x1f: {  	[sflag:s20] =	ssyncset.done $0x0  }
0x20: {  	s26 =	simm.s32 @!p1 $0x2;
	[sflag:s20] =	ssyncadd.s32 $0xFFFFD900  }
0x21: {  	[spmem:s21], [sflag:s18] =	dma.local @!p1 [hbm:s12], $0x100  }
0x22: {  	_ =	swait.ge @!p1 [sflag:s26], $0x100  }
0x23: {  	[sflag:s26] =	ssyncset.done @!p1 $0x0  }
0x24: {  	[sflag:s26] =	ssyncadd.s32 @!p1 $0xFFFFFF00  }
0x25: {  	s30 =	sadd.s32 $0x0, s16;
	[bflag:$0x0] =	sbarrier.arrive $0xFFFF  }
0x26: {  	[tilespmem:s3], [sflag:$0x2] =	stream.linear.gather [hbm4b:s30+s3], $0x80, $0x38;
	[tilespmem:$0x17A00] =	vst v63  }
0x27: {  	_ =	swait.ge [sflag:s20], $0x80  }
0x28: {  	[sflag:s20] =	ssyncset.done $0x0  }
0x29: {  	s31 =	sadd.s32 $0x0, s15;
	[sflag:s20] =	ssyncadd.s32 $0xFFFFFF80  }
0x2a: {  	[tilespmem:s22], [sflag:$0x2] =	stream.linear.gather [hbm4b:s31+s3], $0x80, $0x38;
	[tilespmem:$0x17A00] =	vst v63  }
0x2b: {  	_ =	swait.ge [sflag:s20], $0x80  }
0x2c: {  	[sflag:s20] =	ssyncset.done $0x0  }
0x2d: {  	[sflag:s20] =	ssyncadd.s32 $0xFFFFFF80  }
0x2e: {  	v0 =	vld [tilespmem:$0x60]  }
0x2f: {  	v2 =	vld [tilespmem:$0x50]  }
0x30: {  	v6 =	vld [tilespmem:$0x30]  }
0x31: {  	v3 =	vld [tilespmem:$0x20]  }
0x32: {  	v5 =	vld [tilespmem:$0xB0]  }
0x33: {  	v1 =	vld [tilespmem:$0xD0]  }
0x34: {  	v11 =	vld [tilespmem:$0xA0]  }
0x35: {  	v10 =	vld [tilespmem:$0x40]  }
0x36: {  	v4 =	vld [tilespmem:$0x80]  }
0x37: {  	v8 =	vld [tilespmem:$0xC0]  }
0x38: {  	v9 =	vld [tilespmem:$0x0]  }
0x39: {  	v7 =	vld [tilespmem:$0xE0];
	vm0 =	veq.s32 v11, v3  }
0x3a: {  	s26 =	simm.s32 $0x10;
	v3 =	vld [tilespmem:$0x10];
	v11 =	vsel vm0, $0x2710, v11  }
.LBB2_6:
0x3b: {  	p3 =	sne.s32 s26, $0x9D0;
	v12 =	vld [tilespmem:$0x70];
	s28 =	smov.u32 s26;
	s26 =	sadd.s32 $0x10, s26  }
0x3c: {  	vm0 =	veq.s32 v5, v6;
	[tilespmem:$0xA0] =	vst v11;
	vm1 =	veq.s32 v8, v10;
	v6 =	vld [tilespmem:$0xF0]  }
0x3d: {  	v5 =	vsel vm0, $0x2710, v5;
	vm0 =	veq.s32 v1, v2;
	vm2 =	veq.s32 v4, v9;
	v9 =	vld [tilespmem:$0x90]  }
0x3e: {  	v2 =	vsel vm2, $0x2710, v4;
	[tilespmem:$0xB0] =	vst v5;
	v4 =	vsel vm1, $0x2710, v8;
	vm1 =	veq.s32 v7, v0  }
0x3f: {  	v0 =	vsel vm0, $0x2710, v1;
	[tilespmem:$0xC0] =	vst v4;
	v1 =	vsel vm1, $0x2710, v7  }
0x40: {  	[tilespmem:$0xD0] =	vst v0  }
0x41: {  	[tilespmem:$0xE0] =	vst v1;
	vm0 =	veq.s32 v6, v12  }
0x42: {  	[tilespmem:$0x80] =	vst v2;
	vm1 =	veq.s32 v9, v3;
	v0 =	vsel vm0, $0x2710, v6  }
0x43: {  	v1 =	vsel vm1, $0x2710, v9;
	[tilespmem:$0xF0] =	vst v0  }
0x44: {  	[tilespmem:$0x90] =	vst v1  }
0x45: {  	[tilespmem:s23], [sflag:$0x1] =	stream.indirect.gather [hbm4b:s4+s22], $0x80, s3, s22, $0xb8;
	[tilespmem:$0x17A00] =	vst v63  }
0x46: {  	_ =	swait.ge [sflag:s24], $0x4000  }
0x47: {  	[sflag:s24] =	ssyncset.done $0x0  }
0x48: {  	[sflag:s24] =	ssyncadd.s32 $0xFFFFC000  }
0x49: {  	[spmem:s2] =	stream.indirect.scatter.add.f32 [tilespmem:s23], [sflag:$0x2], $0x80, s22, s22, $0xb8;
	[tilespmem:$0x17A00] =	vst v63  }
0x4a: {  	s29 =	sadd.s32 s28, s16;
	_ =	swait.ge [sflag:s20], $0x4000  }
0x4b: {  	[sflag:s20] =	ssyncset.done $0x0  }
0x4c: {  	[sflag:s20] =	ssyncadd.s32 $0xFFFFC000  }
0x4d: {  	[tilespmem:s3], [sflag:$0x2] =	stream.linear.gather [hbm4b:s29+s3], $0x80, $0x38;
	[tilespmem:$0x17A00] =	vst v63  }
0x4e: {  	_ =	swait.ge [sflag:s20], $0x80  }
0x4f: {  	[sflag:s20] =	ssyncset.done $0x0  }
0x50: {  	s28 =	sadd.s32 s28, s15;
	[sflag:s20] =	ssyncadd.s32 $0xFFFFFF80  }
0x51: {  	[tilespmem:s22], [sflag:$0x2] =	stream.linear.gather [hbm4b:s28+s3], $0x80, $0x38;
	[tilespmem:$0x17A00] =	vst v63  }
0x52: {  	_ =	swait.ge [sflag:s20], $0x80  }
0x53: {  	[sflag:s20] =	ssyncset.done $0x0  }
0x54: {  	[sflag:s20] =	ssyncadd.s32 $0xFFFFFF80  }
0x55: {  	v0 =	vld [tilespmem:$0x60]  }
0x56: {  	v2 =	vld [tilespmem:$0x50]  }
0x57: {  	v6 =	vld [tilespmem:$0x30]  }
0x58: {  	v3 =	vld [tilespmem:$0x20]  }
0x59: {  	v5 =	vld [tilespmem:$0xB0]  }
0x5a: {  	v1 =	vld [tilespmem:$0xD0]  }
0x5b: {  	v11 =	vld [tilespmem:$0xA0]  }
0x5c: {  	v10 =	vld [tilespmem:$0x40]  }
.Ltmp3:
0x5d: {  	v4 =	vld [tilespmem:$0x80];
	(pc) =	sbr.rel @p3 .LBB2_6-.Ltmp3, $4  }
0x5e: {  	v8 =	vld [tilespmem:$0xC0]  }
0x5f: {  	v9 =	vld [tilespmem:$0x0]  }
0x60: {  	vm0 =	veq.s32 v11, v3;
	v7 =	vld [tilespmem:$0xE0]  }
0x61: {  	v3 =	vld [tilespmem:$0x10];
	v11 =	vsel vm0, $0x2710, v11  }
0x62: {  	v12 =	vld [tilespmem:$0x70]  }
0x63: {  	vm0 =	veq.s32 v5, v6;
	v56 =	vld [tilespmem:$0xF0]  }
0x64: {  	[tilespmem:$0xA0] =	vst v11;
	v57 =	vld [tilespmem:$0x90];
	vm11 =	veq.s32 v1, v2;
	v5 =	vsel vm0, $0x2710, v5  }
0x65: {  	vm1 =	veq.s32 v8, v10;
	v59 =	vsel vm11, $0x2710, v1;
	[tilespmem:$0xB0] =	vst v5  }
0x66: {  	v58 =	vsel vm1, $0x2710, v8;
	vm13 =	veq.s32 v4, v9;
	[tilespmem:$0xD0] =	vst v59  }
0x67: {  	vm12 =	veq.s32 v7, v0;
	[tilespmem:$0xC0] =	vst v58;
	v61 =	vsel vm13, $0x2710, v4  }
0x68: {  	v60 =	vsel vm12, $0x2710, v7;
	[tilespmem:$0x80] =	vst v61;
	vm14 =	veq.s32 v56, v12  }
0x69: {  	[tilespmem:$0xE0] =	vst v60;
	vm15 =	veq.s32 v57, v3;
	v62 =	vsel vm14, $0x2710, v56  }
0x6a: {  	v63 =	vsel vm15, $0x2710, v57;
	[tilespmem:$0xF0] =	vst v62  }
0x6b: {  	[tilespmem:$0x90] =	vst v63  }
0x6c: {  	[tilespmem:s23], [sflag:$0x1] =	stream.indirect.gather [hbm4b:s4+s22], $0x80, s3, s22, $0xb8;
	[tilespmem:$0x17A00] =	vst v63  }
0x6d: {  	_ =	swait.ge [sflag:s24], $0x4000  }
0x6e: {  	[sflag:s24] =	ssyncset.done $0x0  }
0x6f: {  	[sflag:s24] =	ssyncadd.s32 $0xFFFFC000  }
0x70: {  	[spmem:s2] =	stream.indirect.scatter.add.f32 [tilespmem:s23], [sflag:$0x2], $0x80, s22, s22, $0xb8;
	[tilespmem:$0x17A00] =	vst v63  }
0x71: {  	_ =	swait.ge [sflag:s20], $0x4000  }
0x72: {  	[sflag:s20] =	ssyncset.done $0x0  }
0x73: {  	[sflag:s20] =	ssyncadd.s32 $0xFFFFC000  }
0x74: {  	[bflag:$0x0] =	sbarrier.arrive $0xFFFF  }
0x75: {  	[hbm:s13], [sflag:s18] =	dma.local [spmem:s19], $0x2700  }
.Ltmp4:
0x76: {  	_ = 	snop;
	(pc) =	sbr.rel @p1 .LBB2_9-.Ltmp4, $4  }
.Ltmp5:
0x77: {  	_ = 	snop;
	(pc) =	sbr.rel @!p1 .LBB2_8-.Ltmp5, $4  }
0x78: {  	_ =	swait.ge [sflag:s20], $0x2700  }
0x79: {  	[sflag:s20] =	ssyncset.done $0x0  }
0x7a: {  	s28 =	smov.u32 s6;
	s26 =	smov.u32 s18;
	[sflag:s20] =	ssyncadd.s32 $0xFFFFD900  }
0x7b: {  	_ = 	snop  }
.LBB2_2:
0x7c: {  	s26 =	sor.u32 $0x1C02, s17  }
0x7d: {  	[spmem:s19], [sflag:s26] =	dma.local [hbm:s7], $0x2700  }
0x7e: {  	_ =	swait.ge [sflag:s20], $0x2700  }
0x7f: {  	[sflag:s20] =	ssyncset.done $0x0  }
0x80: {  	s28 =	simm.s32 @!p1 $0x2;
	[sflag:s20] =	ssyncadd.s32 $0xFFFFD900  }
0x81: {  	[spmem:s21], [sflag:s26] =	dma.local @!p1 [hbm:s9], $0x100  }
0x82: {  	_ =	swait.ge @!p1 [sflag:s28], $0x100  }
0x83: {  	[sflag:s28] =	ssyncset.done @!p1 $0x0  }
0x84: {  	[sflag:s28] =	ssyncadd.s32 @!p1 $0xFFFFFF00  }
0x85: {  	s28 =	sadd.s32 $0x0, s16;
	[bflag:$0x0] =	sbarrier.arrive $0xFFFF  }
0x86: {  	[tilespmem:s3], [sflag:$0x2] =	stream.linear.gather [hbm4b:s28+s3], $0x80, $0x38;
	[tilespmem:$0x17A00] =	vst v63  }
0x87: {  	_ =	swait.ge [sflag:s20], $0x80  }
0x88: {  	[sflag:s20] =	ssyncset.done $0x0  }
0x89: {  	s28 =	sadd.s32 $0x0, s15;
	[sflag:s20] =	ssyncadd.s32 $0xFFFFFF80  }
0x8a: {  	[tilespmem:s22], [sflag:$0x2] =	stream.linear.gather [hbm4b:s28+s3], $0x80, $0x38;
	[tilespmem:$0x17A00] =	vst v63  }
0x8b: {  	_ =	swait.ge [sflag:s20], $0x80  }
0x8c: {  	[sflag:s20] =	ssyncset.done $0x0  }
0x8d: {  	[sflag:s20] =	ssyncadd.s32 $0xFFFFFF80  }
0x8e: {  	v0 =	vld [tilespmem:$0x60]  }
0x8f: {  	v2 =	vld [tilespmem:$0x50]  }
0x90: {  	v6 =	vld [tilespmem:$0x30]  }
0x91: {  	v3 =	vld [tilespmem:$0x20]  }
0x92: {  	v5 =	vld [tilespmem:$0xB0]  }
0x93: {  	v1 =	vld [tilespmem:$0xD0]  }
0x94: {  	v11 =	vld [tilespmem:$0xA0]  }
0x95: {  	v10 =	vld [tilespmem:$0x40]  }
0x96: {  	v4 =	vld [tilespmem:$0x80]  }
0x97: {  	v8 =	vld [tilespmem:$0xC0]  }
0x98: {  	v9 =	vld [tilespmem:$0x0]  }
0x99: {  	v7 =	vld [tilespmem:$0xE0];
	vm0 =	veq.s32 v11, v3  }
0x9a: {  	s28 =	simm.s32 $0x10;
	v3 =	vld [tilespmem:$0x10];
	v11 =	vsel vm0, $0x2710, v11  }
.LBB2_3:
0x9b: {  	p3 =	sne.s32 s28, $0x9D0;
	v12 =	vld [tilespmem:$0x70];
	s29 =	smov.u32 s28;
	s28 =	sadd.s32 $0x10, s28  }
0x9c: {  	vm0 =	veq.s32 v5, v6;
	[tilespmem:$0xA0] =	vst v11;
	vm1 =	veq.s32 v8, v10;
	v6 =	vld [tilespmem:$0xF0]  }
0x9d: {  	v5 =	vsel vm0, $0x2710, v5;
	vm0 =	veq.s32 v1, v2;
	vm2 =	veq.s32 v4, v9;
	v9 =	vld [tilespmem:$0x90]  }
0x9e: {  	v2 =	vsel vm2, $0x2710, v4;
	[tilespmem:$0xB0] =	vst v5;
	v4 =	vsel vm1, $0x2710, v8;
	vm1 =	veq.s32 v7, v0  }
0x9f: {  	v0 =	vsel vm0, $0x2710, v1;
	[tilespmem:$0xC0] =	vst v4;
	v1 =	vsel vm1, $0x2710, v7  }
0xa0: {  	[tilespmem:$0xD0] =	vst v0  }
0xa1: {  	[tilespmem:$0xE0] =	vst v1;
	vm0 =	veq.s32 v6, v12  }
0xa2: {  	[tilespmem:$0x80] =	vst v2;
	vm1 =	veq.s32 v9, v3;
	v0 =	vsel vm0, $0x2710, v6  }
0xa3: {  	v1 =	vsel vm1, $0x2710, v9;
	[tilespmem:$0xF0] =	vst v0  }
0xa4: {  	[tilespmem:$0x90] =	vst v1  }
0xa5: {  	[tilespmem:s23], [sflag:$0x1] =	stream.indirect.gather [hbm4b:s1+s22], $0x80, s3, s22, $0xb8;
	[tilespmem:$0x17A00] =	vst v63  }
0xa6: {  	_ =	swait.ge [sflag:s24], $0x4000  }
0xa7: {  	[sflag:s24] =	ssyncset.done $0x0  }
0xa8: {  	[sflag:s24] =	ssyncadd.s32 $0xFFFFC000  }
0xa9: {  	[spmem:s2] =	stream.indirect.scatter.add.f32 [tilespmem:s23], [sflag:$0x2], $0x80, s22, s22, $0xb8;
	[tilespmem:$0x17A00] =	vst v63  }
0xaa: {  	s30 =	sadd.s32 s29, s16;
	_ =	swait.ge [sflag:s20], $0x4000  }
0xab: {  	[sflag:s20] =	ssyncset.done $0x0  }
0xac: {  	[sflag:s20] =	ssyncadd.s32 $0xFFFFC000  }
0xad: {  	[tilespmem:s3], [sflag:$0x2] =	stream.linear.gather [hbm4b:s30+s3], $0x80, $0x38;
	[tilespmem:$0x17A00] =	vst v63  }
0xae: {  	_ =	swait.ge [sflag:s20], $0x80  }
0xaf: {  	[sflag:s20] =	ssyncset.done $0x0  }
0xb0: {  	s29 =	sadd.s32 s29, s15;
	[sflag:s20] =	ssyncadd.s32 $0xFFFFFF80  }
0xb1: {  	[tilespmem:s22], [sflag:$0x2] =	stream.linear.gather [hbm4b:s29+s3], $0x80, $0x38;
	[tilespmem:$0x17A00] =	vst v63  }
0xb2: {  	_ =	swait.ge [sflag:s20], $0x80  }
0xb3: {  	[sflag:s20] =	ssyncset.done $0x0  }
0xb4: {  	[sflag:s20] =	ssyncadd.s32 $0xFFFFFF80  }
0xb5: {  	v0 =	vld [tilespmem:$0x60]  }
0xb6: {  	v2 =	vld [tilespmem:$0x50]  }
0xb7: {  	v6 =	vld [tilespmem:$0x30]  }
0xb8: {  	v3 =	vld [tilespmem:$0x20]  }
0xb9: {  	v5 =	vld [tilespmem:$0xB0]  }
0xba: {  	v1 =	vld [tilespmem:$0xD0]  }
0xbb: {  	v11 =	vld [tilespmem:$0xA0]  }
0xbc: {  	v10 =	vld [tilespmem:$0x40]  }
.Ltmp6:
0xbd: {  	v4 =	vld [tilespmem:$0x80];
	(pc) =	sbr.rel @p3 .LBB2_3-.Ltmp6, $4  }
0xbe: {  	v8 =	vld [tilespmem:$0xC0]  }
0xbf: {  	v9 =	vld [tilespmem:$0x0]  }
0xc0: {  	vm0 =	veq.s32 v11, v3;
	v7 =	vld [tilespmem:$0xE0]  }
0xc1: {  	v3 =	vld [tilespmem:$0x10];
	v11 =	vsel vm0, $0x2710, v11  }
0xc2: {  	v12 =	vld [tilespmem:$0x70]  }
0xc3: {  	vm0 =	veq.s32 v5, v6;
	v56 =	vld [tilespmem:$0xF0]  }
0xc4: {  	[tilespmem:$0xA0] =	vst v11;
	v57 =	vld [tilespmem:$0x90];
	vm11 =	veq.s32 v1, v2;
	v5 =	vsel vm0, $0x2710, v5  }
0xc5: {  	vm1 =	veq.s32 v8, v10;
	v59 =	vsel vm11, $0x2710, v1;
	[tilespmem:$0xB0] =	vst v5  }
0xc6: {  	v58 =	vsel vm1, $0x2710, v8;
	vm13 =	veq.s32 v4, v9;
	[tilespmem:$0xD0] =	vst v59  }
0xc7: {  	vm12 =	veq.s32 v7, v0;
	[tilespmem:$0xC0] =	vst v58;
	v61 =	vsel vm13, $0x2710, v4  }
0xc8: {  	v60 =	vsel vm12, $0x2710, v7;
	[tilespmem:$0x80] =	vst v61;
	vm14 =	veq.s32 v56, v12  }
0xc9: {  	[tilespmem:$0xE0] =	vst v60;
	vm15 =	veq.s32 v57, v3;
	v62 =	vsel vm14, $0x2710, v56  }
0xca: {  	v63 =	vsel vm15, $0x2710, v57;
	[tilespmem:$0xF0] =	vst v62  }
0xcb: {  	[tilespmem:$0x90] =	vst v63  }
0xcc: {  	[tilespmem:s23], [sflag:$0x1] =	stream.indirect.gather [hbm4b:s1+s22], $0x80, s3, s22, $0xb8;
	[tilespmem:$0x17A00] =	vst v63  }
0xcd: {  	_ =	swait.ge [sflag:s24], $0x4000  }
0xce: {  	[sflag:s24] =	ssyncset.done $0x0  }
0xcf: {  	[sflag:s24] =	ssyncadd.s32 $0xFFFFC000  }
0xd0: {  	[spmem:s2] =	stream.indirect.scatter.add.f32 [tilespmem:s23], [sflag:$0x2], $0x80, s22, s22, $0xb8;
	[tilespmem:$0x17A00] =	vst v63  }
0xd1: {  	_ =	swait.ge [sflag:s20], $0x4000  }
0xd2: {  	[sflag:s20] =	ssyncset.done $0x0  }
0xd3: {  	[sflag:s20] =	ssyncadd.s32 $0xFFFFC000  }
0xd4: {  	[bflag:$0x0] =	sbarrier.arrive $0xFFFF  }
0xd5: {  	[hbm:s10], [sflag:s26] =	dma.local [spmem:s19], $0x2700  }
.Ltmp7:
0xd6: {  	_ = 	snop;
	(pc) =	sbr.rel @!p2 .LBB2_9-.Ltmp7, $4  }
.Ltmp8:
0xd7: {  	_ = 	snop;
	(pc) =	sbr.rel @p2 .LBB2_8-.Ltmp8, $4  }
0xd8: {  	_ =	swait.ge [sflag:s20], $0x2700  }
0xd9: {  	[sflag:s20] =	ssyncset.done $0x0  }
0xda: {  	s28 =	smov.u32 s5;
	[sflag:s20] =	ssyncadd.s32 $0xFFFFD900  }
0xdb: {  	_ = 	snop  }
.LBB2_10:
0xdc: {  	_ =	sfence.sel $0x180000  }
0xdd: {  	[bflag:$0x0] =	sbarrier.arrive $0xFFFF  }
0xde: {  	_ =	strace $0x9000004D  }
0xdf: {  	s0 =	sadd.s32 @!p1 $0x100000, s0;
	[bflag:$0x2] =	sbarrier.arrive $0xFFFF  }
0xe0: {  	[sflag:s0] =	ssyncadd.tile.s32 @!p1 $0x1;
	_ =	shalt  }
.Lfunc_end2:
_tile_overlayer_lowered:
.L_overlay_start_2:
0xe1: {  	(tag) =	ssettag $0x2  }
0xe2: {  	s0 =	rddreg [dreg:$0x0];
	s2 =	stileid.u32  }
0xe3: {  	s1 =	rddreg [dreg:$0x1];
	p0 =	sne.s32 s2, $0x0  }
0xe4: {  	s3 =	rddreg [dreg:$0x2];
	[bflag:$0x3] =	sbarrier.arrive $0xFFFF;
	s2 =	simm.s32 @!p0 $0x1C02  }
0xe5: {  	[timem:s3], [sflag:s2] =	dma.local @!p0 [hbm:s0], s1  }
0xe6: {  	s0 =	simm.s32 @!p0 $0x2  }
0xe7: {  	_ =	swait.ge @!p0 [sflag:s0], s1  }
0xe8: {  	s1 =	ssub.s32 @!p0 $0x0, s1;
	[sflag:s0] =	ssyncset.done @!p0 $0x0  }
0xe9: {  	[sflag:s0] =	ssyncadd.s32 @!p0 s1  }
0xea: {  	[bflag:$0x3] =	sbarrier.arrive $0xFFFF  }
0xeb: {  	_ =	shalt  }

// kernel: kernel.19.cloned.1.call-start
scs
__scs_entry_jumppad:
0x0: {  	(pc) =	sbr.rel $0x88, $3  }
0x1: {  	(tag) =	ssettag $0x0;
	lr =	simm.s32 $0x1  }
0x2: {  	[smem:$0x3F97] =	sst lr;
	_ =	strace $0xD0000000  }
0x3: {  	_ = 	snop  }
0x4: {  	_ = 	snop  }
0x5: {  	_ = 	snop  }
0x6: {  	_ = 	snop  }
0x7: {  	_ = 	snop  }
__scs_overlays_trampoline_lowered:
0x8: {  	[smem:$0x3FA6] =	sst s0  }
0x9: {  	[smem:$0x3FA7] =	sst s1  }
0xa: {  	[smem:$0x3FA8] =	sst s2  }
0xb: {  	[smem:$0x3FA9] =	sst s3  }
0xc: {  	[smem:$0x3FAA] =	sst s4  }
0xd: {  	[smem:$0x3FAB] =	sst s5  }
0xe: {  	[smem:$0x3FAC] =	sst s6  }
0xf: {  	[smem:$0x3FAD] =	sst s7  }
0x10: {  	[smem:$0x3FAE] =	sst s8  }
0x11: {  	[smem:$0x3FAF] =	sst s9;
	s0 =	simm.s32 @!p0 $0x0  }
0x12: {  	s1 =	sld [smem:$0x3F95];
	s0 =	simm.s32 @p0 $0x1  }
0x13: {  	[smem:$0x3FB0] =	sst s0;
	s0 =	simm.s32 @!p1 $0x0  }
0x14: {  	s2 =	sld [smem:$0x3F94];
	s0 =	simm.s32 @p1 $0x1  }
0x15: {  	[smem:$0x3FB1] =	sst s0;
	s0 =	simm.s32 @!p2 $0x0  }
0x16: {  	s3 =	sld [smem:$0x3FDB];
	s0 =	simm.s32 @p2 $0x1  }
0x17: {  	s4 =	simm.s32 $0x1BF5;
	[smem:$0x3FB3] =	sst s0  }
0x18: {  	s0 =	sld [smem:$0x3F96];
	_ =	swait.ge [sflag:s4], $0x0  }
0x19: {  	s7 =	sld [smem:$0x3F97]  }
0x1a: {  	s8 =	sadd.s32 $0xFFFFE003, lr  }
0x1b: {  	s9 =	sadd.s32 $0xFFFFFEF7, lr;
	s5 =	simm.s32 $0xFFFFFFFF;
	p2 =	slt.u32 s8, $0xFFFFF086  }
0x1c: {  	p1 =	slt.u32 s9, $0xF7A;
	s5 =	simm.s32 @!p2 $0x0  }
0x1d: {  	s5 =	simm.s32 @p1 $0x1;
	p0 =	seq.s32 s7, s2  }
0x1e: {  	s7 =	smul.u32 @!p0 $0xF7A, s2;
	p2 =	seq.s32 @!p0 s5, $0x0  }
0x1f: {  	s9 =	smul.u32 $0xF7A, s1;
	s8 =	simm.s32 @!p0 $0x1BF5;
	p2 =	por !p2, p0  }
0x20: {  	[sflag:s8] =	ssyncset.s32 @!p0 $0xFFFFF086;
	s6 =	sadd.s32 @!p0 s3, s7;
	s7 =	simm.s32 @!p0 $0x108  }
0x21: {  	s3 =	sadd.s32 s3, s9;
	s6 =	sadd.s32 @!p0 $0x88, s6;
	s7 =	simm.s32 @p2 $0x1082  }
0x22: {  	[simem:s7], [sflag:s8] =	dma.local @!p0 [hbm:s6], $0xF7A  }
0x23: {  	s9 =	sor.u32 $0xD0000000, s2;
	s6 =	simm.s32 $0x108;
	_ =	swait.ge @!p0 [sflag:s8], $0x0  }
0x24: {  	s3 =	sadd.s32 $0x88, s3;
	s6 =	simm.s32 @!p1 $0x1082;
	[sflag:s4] =	ssyncset.s32 $0xFFFFF086  }
0x25: {  	[simem:s6], [sflag:s4] =	dma.local [hbm:s3], $0xF7A  }
0x26: {  	[smem:$0x3F97] =	sst s1;
	(tag) =	ssettag s2;
	_ =	strace s9  }
0x27: {  	s1 =	sld [smem:$0x3FA7]  }
0x28: {  	s2 =	sld [smem:$0x3FA8]  }
0x29: {  	s4 =	sld [smem:$0x3FAA]  }
0x2a: {  	p0 =	seq.s32 s5, $0x0;
	s5 =	sld [smem:$0x3FAB]  }
0x2b: {  	s6 =	sld [smem:$0x3FAC]  }
0x2c: {  	s7 =	sld [smem:$0x3FAD]  }
0x2d: {  	s3 =	simm.s32 $0x108;
	s8 =	sld [smem:$0x3FAE]  }
0x2e: {  	s3 =	simm.s32 @!p0 $0x1082;
	s9 =	sld [smem:$0x3FAF]  }
0x2f: {  	lr =	sadd.s32 s0, s3;
	s0 =	sld [smem:$0x3FA6]  }
0x30: {  	s3 =	sld [smem:$0x3FA9]  }
0x31: {  	[smem:$0x3FB2] =	sst s10  }
0x32: {  	s10 =	sld [smem:$0x3FB0];
	_ =	sdelay $0x3  }
0x33: {  	p0 =	seq.s32 s10, $0x1;
	s10 =	sld [smem:$0x3FB2];
	_ =	sdelay $0x3  }
0x34: {  	[smem:$0x3FB2] =	sst s10  }
0x35: {  	s10 =	sld [smem:$0x3FB1];
	_ =	sdelay $0x3  }
0x36: {  	p1 =	seq.s32 s10, $0x1;
	s10 =	sld [smem:$0x3FB2];
	_ =	sdelay $0x3  }
0x37: {  	[smem:$0x3FB2] =	sst s10  }
0x38: {  	s10 =	sld [smem:$0x3FB3]  }
0x39: {  	_ = 	snop;
	(pc) =	sbr.ind lr, $3  }
0x3a: {  	_ = 	snop  }
0x3b: {  	_ = 	snop  }
0x3c: {  	p2 =	seq.s32 s10, $0x1;
	s10 =	sld [smem:$0x3FB2]  }
0x3d: {  	_ =	shalt  }
0x3e: {  	_ =	shalt  }
0x3f: {  	_ =	shalt  }
0x40: {  	_ =	shalt  }
0x41: {  	_ =	shalt  }
0x42: {  	_ =	shalt  }
0x43: {  	_ =	shalt  }
0x44: {  	_ =	shalt  }
0x45: {  	_ =	shalt  }
0x46: {  	_ =	shalt  }
0x47: {  	_ =	shalt  }
0x48: {  	_ =	shalt  }
0x49: {  	_ =	shalt  }
0x4a: {  	_ =	shalt  }
0x4b: {  	_ =	shalt  }
0x4c: {  	_ =	shalt  }
0x4d: {  	_ =	shalt  }
0x4e: {  	_ =	shalt  }
0x4f: {  	_ =	shalt  }
0x50: {  	_ =	shalt  }
0x51: {  	_ =	shalt  }
0x52: {  	_ =	shalt  }
0x53: {  	_ =	shalt  }
0x54: {  	_ =	shalt  }
0x55: {  	_ =	shalt  }
0x56: {  	_ =	shalt  }
0x57: {  	_ =	shalt  }
0x58: {  	_ =	shalt  }
0x59: {  	_ =	shalt  }
0x5a: {  	_ =	shalt  }
0x5b: {  	_ =	shalt  }
0x5c: {  	_ =	shalt  }
0x5d: {  	_ =	shalt  }
0x5e: {  	_ =	shalt  }
0x5f: {  	_ =	shalt  }
0x60: {  	_ =	shalt  }
0x61: {  	_ =	shalt  }
0x62: {  	_ =	shalt  }
0x63: {  	_ =	shalt  }
0x64: {  	_ =	shalt  }
0x65: {  	_ =	shalt  }
0x66: {  	_ =	shalt  }
0x67: {  	_ =	shalt  }
0x68: {  	_ =	shalt  }
0x69: {  	_ =	shalt  }
0x6a: {  	_ =	shalt  }
0x6b: {  	_ =	shalt  }
0x6c: {  	_ =	shalt  }
0x6d: {  	_ =	shalt  }
0x6e: {  	_ =	shalt  }
0x6f: {  	_ =	shalt  }
0x70: {  	_ =	shalt  }
0x71: {  	_ =	shalt  }
0x72: {  	_ =	shalt  }
0x73: {  	_ =	shalt  }
0x74: {  	_ =	shalt  }
0x75: {  	_ =	shalt  }
0x76: {  	_ =	shalt  }
0x77: {  	_ =	shalt  }
0x78: {  	_ =	shalt  }
0x79: {  	_ =	shalt  }
0x7a: {  	_ =	shalt  }
0x7b: {  	_ =	shalt  }
0x7c: {  	_ =	shalt  }
0x7d: {  	_ =	shalt  }
0x7e: {  	_ =	shalt  }
0x7f: {  	_ =	shalt  }
0x80: {  	_ =	shalt  }
0x81: {  	_ =	shalt  }
0x82: {  	_ =	shalt  }
0x83: {  	_ =	shalt  }
0x84: {  	_ =	shalt  }
0x85: {  	_ =	shalt  }
0x86: {  	_ =	shalt  }
0x87: {  	_ =	shalt  }
.Lfunc_end0:
.L_simem_size_0:
called_computation.3_lowered:
.L_overlay_start_0:
0x88: {  	s2 =	sld [smem:$0x3FD9]  }
0x89: {  	s3 =	sld [smem:$0x3FFE];
	_ =	sdelay $0x1  }
0x8a: {  	s1 =	srdreg.scid  }
0x8b: {  	s0 =	sand.u32 $0x1, s1  }
0x8c: {  	s17 =	sshll.u32 s0, $0xA;
	s2 =	sadd.s32 s3, s2  }
0x8d: {  	s2 =	sadd.s32 s2, s17  }
0x8e: {  	[smem:$0x3FBE] =	sst s2  }
0x8f: {  	_ = 	snop  }
0x90: {  	s2 =	sld [smem:$0x3FD0];
	(tm) =	ssettm $0x1  }
0x91: {  	s18 =	sld [smem:$0x3FFB];
	_ =	sdelay $0x3  }
0x92: {  	_ =	strace s18  }
0x93: {  	s3 =	sld [smem:$0x3FFC];
	_ =	sdelay $0x3  }
0x94: {  	_ =	strace s3  }
0x95: {  	s3 =	sld [smem:$0x3FFD];
	_ =	sdelay $0x3  }
0x96: {  	_ =	strace s3  }
0x97: {  	_ =	strace $0x8FFFFFFF  }
0x98: {  	s19 =	sld [smem:$0x3FDB];
	_ =	sdelay $0x1  }
0x99: {  	s4 =	simm.s32 $_scs_section_size  }
0x9a: {  	s5 =	simm.s32 $_size__tile_overlayer_lowered;
	s6 =	simm.s32 $_tile_overlayer_lowered  }
0x9b: {  	s22 =	simm.s32 $0x1BFF;
	s21 =	sshll.u32 s6, $0x1;
	s3 =	sadd.s32 s4, s19  }
0x9c: {  	s7 =	simm.s32 $0x0;
	s20 =	sshll.u32 s5, $0x1;
	s5 =	sadd.s32 s21, s3  }
0x9d: {  	[timem:s7], [sflag:s22] =	dma.local [hbm:s5], s20  }
0x9e: {  	_ =	swait.ge [sflag:s22], s20  }
0x9f: {  	s4 =	ssub.s32 $0x0, s20;
	[sflag:s22] =	ssyncset.done $0x0  }
0xa0: {  	[sflag:s22] =	ssyncadd.s32 s4;
	_ =	sdelay $0x1  }
0xa1: {  	s23 =	simm.s32 $0x1B8B  }
0xa2: {  	_ =	swait.ge [sflag:s23], $0x1  }
0xa3: {  	[sflag:s23] =	ssyncset.done $0x0  }
0xa4: {  	s25 =	simm.s32 $0x1B8E;
	s24 =	sld [smem:$0x3FFE];
	[sflag:s23] =	ssyncadd.s32 $0xFFFFFFFF  }
0xa5: {  	s26 =	simm.s32 $execute0_lowered;
	[smem:$0x3FD2] =	sst s25  }
0xa6: {  	s5 =	sshll.u32 s26, $0x1;
	_ =	strace $0x8000004F;
	[dreg:$0x1] =	wrdreg $0xFFFFFFFF  }
0xa7: {  	s28 =	simm.s32 $_size_execute0_lowered;
	s3 =	sadd.s32 s3, s5;
	[dreg:$0x0] =	wrdreg $0x0  }
0xa8: {  	s5 =	sshll.u32 s28, $0x1;
	[dreg:$0x2] =	wrdreg s3  }
0xa9: {  	[dreg:$0x3] =	wrdreg s5  }
0xaa: {  	[dreg:$0x4] =	wrdreg $0xC0  }
0xab: {  	_ =	task [dreg:s7], $0x5FFFF  }
0xac: {  	[dreg:$0x1] =	wrdreg $0xFFFFFFFF  }
0xad: {  	[dreg:$0x0] =	wrdreg $0x60  }
0xae: {  	[dreg:$0x2] =	wrdreg s2  }
0xaf: {  	[dreg:$0x3] =	wrdreg s24  }
0xb0: {  	[dreg:$0x4] =	wrdreg $0x41000  }
0xb1: {  	[dreg:$0x5] =	wrdreg $0x9  }
0xb2: {  	_ =	task.clear_ibuf [dreg:s7], $0x6FFFF;
	_ =	strace $0x9000004F  }
0xb3: {  	s29 =	simm.s32 $0x9;
	_ =	strace $0x80000051  }
0xb4: {  	_ =	swait.ge [sflag:s29], $0x1  }
0xb5: {  	[sflag:s29] =	ssyncadd.s32 $0xFFFFFFFF  }
0xb6: {  	_ =	strace $0x90000051  }
0xb7: {  	_ =	sfence  }
0xb8: {  	s30 =	sld [smem:$0x0];
	_ =	sdelay $0x2  }
0xb9: {  	s31 =	sshll.u32 s1, $0xD;
	s1 =	sshrl.u32 s1, $0x2  }
0xba: {  	s3 =	sand.u32 $0x4000, s31;
	s1 =	sadd.s32 s1, s30  }
0xbb: {  	s0 =	sor.u32 s3, s0;
	s1 =	sshll.u32 s1, $0x11  }
0xbc: {  	s0 =	sor.u32 s1, s0  }
0xbd: {  	s0 =	sadd.s32 $0x8F2B, s0  }
0xbe: {  	[sflag:s0] =	ssyncadd.remote.s32 $0x1  }
0xbf: {  	_ =	sfence.sel $0xFFFF  }
0xc0: {  	[dreg:$0x0] =	wrdreg $0xFFFFFFFF;
	(pc) =	sbr.abs _section_cstart, $3  }
0xc1: {  	[dreg:$0x1] =	wrdreg $0xFFFFFFFF  }
0xc2: {  	_ =	task.clear_ibuf [dreg:s7], $0x2FFFF;
	_ =	strace $0x9FFFFFFF  }
0xc3: {  	(tm) =	ssettm $0x7FFFFFFF  }
tec
execute0_lowered:
.L_overlay_start_1:
0x0: {  	(tag) =	ssettag $0x1  }
0x1: {  	s1 =	rddreg [dreg:$0x0]  }
0x2: {  	s12 =	rddreg [dreg:$0x1]  }
0x3: {  	s2 =	rddreg [dreg:$0x2]  }
0x4: {  	s0 =	rddreg [dreg:$0x3];
	s3 =	simm.s32 $0x0;
	s25 =	stileid.u32  }
0x5: {  	s6 =	srdreg.scid;
	s20 =	simm.s32 $0x2;
	s22 =	simm.s32 $0x80  }
0x6: {  	s23 =	simm.s32 $0x100;
	s24 =	simm.s32 $0x1;
	s5 =	smul.u32 $0x9E0, s25  }
0x7: {  	[smem:$0x7FF] =	sst s3;
	s4 =	sadd.s32 $0x18600, s12;
	s8 =	smul.u32 $0x4E000, s25  }
0x8: {  	s7 =	sand.u32 $0x1, s6;
	s6 =	sadd.s32 $0x66A00, s12;
	s13 =	smul.u32 $0x2700, s25  }
0x9: {  	p1 =	sne.s32 s25, $0x0;
	s17 =	sshll.u32 s25, $0x6;
	p2 =	seq.s32 s25, $0x0  }
0xa: {  	s25 =	simm.s32 $0x0;
	_ =	strace $0x80000050;
	s9 =	ssub.s32 $0x2, s7  }
0xb: {  	p0 =	seq.s32 s7, $0x1;
	s18 =	sor.u32 $0x1C02, s17;
	s16 =	sadd.s32 s5, s12  }
0xc: {  	s5 =	sadd.s32 $0x3F800, s12;
	s10 =	sshrl.u32 s9, $0x1;
	s8 =	sshrl.u32 s8, $0x2  }
.Ltmp0:
0xd: {  	s7 =	sadd.s32 s1, s13;
	s11 =	sadd.s32 s4, s13;
	(pc) =	sbr.rel .LBB2_1-.Ltmp0, $4  }
0xe: {  	s12 =	sadd.s32 $0x3F600, s12;
	s14 =	ssub.s32 s9, s10;
	s19 =	sadd.s32 s8, s2  }
0xf: {  	s8 =	sadd.s32 $0x138000, s2;
	s9 =	sadd.s32 $0x27000, s1;
	s10 =	sadd.s32 s5, s13  }
0x10: {  	s13 =	sadd.s32 s6, s13;
	s15 =	sadd.s32 $0xE800, s16;
	s16 =	sadd.s32 $0x4A00, s16  }
0x11: {  	s14 =	smax.u32 s14, $0x1;
	s19 =	sshrl.u32 s19, $0x3;
	s21 =	sshrl.u32 @!p1 s8, $0x3  }
.LBB2_8:
0x12: {  	s28 =	sadd.s32 $0x27000, s28;
	s29 =	sshrl.u32 s8, $0x3  }
0x13: {  	[hbm:s28], [sflag:s26] =	dma.local [spmem:s29], $0x100  }
0x14: {  	_ =	swait.ge [sflag:s20], $0x100  }
0x15: {  	[sflag:s20] =	ssyncset.done $0x0  }
0x16: {  	[sflag:s20] =	ssyncadd.s32 $0xFFFFFF00  }
.LBB2_9:
0x17: {  	s25 =	sadd.s32 $0x1, s25  }
0x18: {  	p3 =	sne.s32 s25, s14  }
.Ltmp1:
0x19: {  	_ = 	snop;
	(pc) =	sbr.rel @!p3 .LBB2_10-.Ltmp1, $1  }
0x1a: {  	_ =	sdelay $0x3  }
.LBB2_1:
.Ltmp2:
0x1b: {  	(pc) =	sbr.rel @!p0 .LBB2_2-.Ltmp2, $1  }
0x1c: {  	_ =	sdelay $0x3  }
0x1d: {  	[spmem:s19], [sflag:s18] =	dma.local [hbm:s11], $0x2700  }
0x1e: {  	_ =	swait.ge [sflag:s20], $0x2700  }
0x1f: {  	[sflag:s20] =	ssyncset.done $0x0  }
0x20: {  	s26 =	simm.s32 @!p1 $0x2;
	[sflag:s20] =	ssyncadd.s32 $0xFFFFD900  }
0x21: {  	[spmem:s21], [sflag:s18] =	dma.local @!p1 [hbm:s12], $0x100  }
0x22: {  	_ =	swait.ge @!p1 [sflag:s26], $0x100  }
0x23: {  	[sflag:s26] =	ssyncset.done @!p1 $0x0  }
0x24: {  	[sflag:s26] =	ssyncadd.s32 @!p1 $0xFFFFFF00  }
0x25: {  	s30 =	sadd.s32 $0x0, s16;
	[bflag:$0x0] =	sbarrier.arrive $0xFFFF  }
0x26: {  	[tilespmem:s3], [sflag:$0x2] =	stream.linear.gather [hbm4b:s30+s3], $0x80, $0x38;
	[tilespmem:$0x17A00] =	vst v63  }
0x27: {  	_ =	swait.ge [sflag:s20], $0x80  }
0x28: {  	[sflag:s20] =	ssyncset.done $0x0  }
0x29: {  	s31 =	sadd.s32 $0x0, s15;
	[sflag:s20] =	ssyncadd.s32 $0xFFFFFF80  }
0x2a: {  	[tilespmem:s22], [sflag:$0x2] =	stream.linear.gather [hbm4b:s31+s3], $0x80, $0x38;
	[tilespmem:$0x17A00] =	vst v63  }
0x2b: {  	_ =	swait.ge [sflag:s20], $0x80  }
0x2c: {  	[sflag:s20] =	ssyncset.done $0x0  }
0x2d: {  	[sflag:s20] =	ssyncadd.s32 $0xFFFFFF80  }
0x2e: {  	v0 =	vld [tilespmem:$0x60]  }
0x2f: {  	v2 =	vld [tilespmem:$0x50]  }
0x30: {  	v6 =	vld [tilespmem:$0x30]  }
0x31: {  	v3 =	vld [tilespmem:$0x20]  }
0x32: {  	v5 =	vld [tilespmem:$0xB0]  }
0x33: {  	v1 =	vld [tilespmem:$0xD0]  }
0x34: {  	v11 =	vld [tilespmem:$0xA0]  }
0x35: {  	v10 =	vld [tilespmem:$0x40]  }
0x36: {  	v4 =	vld [tilespmem:$0x80]  }
0x37: {  	v8 =	vld [tilespmem:$0xC0]  }
0x38: {  	v9 =	vld [tilespmem:$0x0]  }
0x39: {  	v7 =	vld [tilespmem:$0xE0];
	vm0 =	veq.s32 v11, v3  }
0x3a: {  	s26 =	simm.s32 $0x10;
	v3 =	vld [tilespmem:$0x10];
	v11 =	vsel vm0, $0x2710, v11  }
.LBB2_6:
0x3b: {  	p3 =	sne.s32 s26, $0x9D0;
	v12 =	vld [tilespmem:$0x70];
	s28 =	smov.u32 s26;
	s26 =	sadd.s32 $0x10, s26  }
0x3c: {  	vm0 =	veq.s32 v5, v6;
	[tilespmem:$0xA0] =	vst v11;
	vm1 =	veq.s32 v8, v10;
	v6 =	vld [tilespmem:$0xF0]  }
0x3d: {  	v5 =	vsel vm0, $0x2710, v5;
	vm0 =	veq.s32 v1, v2;
	vm2 =	veq.s32 v4, v9;
	v9 =	vld [tilespmem:$0x90]  }
0x3e: {  	v2 =	vsel vm2, $0x2710, v4;
	[tilespmem:$0xB0] =	vst v5;
	v4 =	vsel vm1, $0x2710, v8;
	vm1 =	veq.s32 v7, v0  }
0x3f: {  	v0 =	vsel vm0, $0x2710, v1;
	[tilespmem:$0xC0] =	vst v4;
	v1 =	vsel vm1, $0x2710, v7  }
0x40: {  	[tilespmem:$0xD0] =	vst v0  }
0x41: {  	[tilespmem:$0xE0] =	vst v1;
	vm0 =	veq.s32 v6, v12  }
0x42: {  	[tilespmem:$0x80] =	vst v2;
	vm1 =	veq.s32 v9, v3;
	v0 =	vsel vm0, $0x2710, v6  }
0x43: {  	v1 =	vsel vm1, $0x2710, v9;
	[tilespmem:$0xF0] =	vst v0  }
0x44: {  	[tilespmem:$0x90] =	vst v1  }
0x45: {  	[tilespmem:s23], [sflag:$0x1] =	stream.indirect.gather [hbm4b:s4+s22], $0x80, s3, s22, $0xb8;
	[tilespmem:$0x17A00] =	vst v63  }
0x46: {  	_ =	swait.ge [sflag:s24], $0x4000  }
0x47: {  	[sflag:s24] =	ssyncset.done $0x0  }
0x48: {  	[sflag:s24] =	ssyncadd.s32 $0xFFFFC000  }
0x49: {  	[spmem:s2] =	stream.indirect.scatter.add.f32 [tilespmem:s23], [sflag:$0x2], $0x80, s22, s22, $0xb8;
	[tilespmem:$0x17A00] =	vst v63  }
0x4a: {  	s29 =	sadd.s32 s28, s16;
	_ =	swait.ge [sflag:s20], $0x4000  }
0x4b: {  	[sflag:s20] =	ssyncset.done $0x0  }
0x4c: {  	[sflag:s20] =	ssyncadd.s32 $0xFFFFC000  }
0x4d: {  	[tilespmem:s3], [sflag:$0x2] =	stream.linear.gather [hbm4b:s29+s3], $0x80, $0x38;
	[tilespmem:$0x17A00] =	vst v63  }
0x4e: {  	_ =	swait.ge [sflag:s20], $0x80  }
0x4f: {  	[sflag:s20] =	ssyncset.done $0x0  }
0x50: {  	s28 =	sadd.s32 s28, s15;
	[sflag:s20] =	ssyncadd.s32 $0xFFFFFF80  }
0x51: {  	[tilespmem:s22], [sflag:$0x2] =	stream.linear.gather [hbm4b:s28+s3], $0x80, $0x38;
	[tilespmem:$0x17A00] =	vst v63  }
0x52: {  	_ =	swait.ge [sflag:s20], $0x80  }
0x53: {  	[sflag:s20] =	ssyncset.done $0x0  }
0x54: {  	[sflag:s20] =	ssyncadd.s32 $0xFFFFFF80  }
0x55: {  	v0 =	vld [tilespmem:$0x60]  }
0x56: {  	v2 =	vld [tilespmem:$0x50]  }
0x57: {  	v6 =	vld [tilespmem:$0x30]  }
0x58: {  	v3 =	vld [tilespmem:$0x20]  }
0x59: {  	v5 =	vld [tilespmem:$0xB0]  }
0x5a: {  	v1 =	vld [tilespmem:$0xD0]  }
0x5b: {  	v11 =	vld [tilespmem:$0xA0]  }
0x5c: {  	v10 =	vld [tilespmem:$0x40]  }
.Ltmp3:
0x5d: {  	v4 =	vld [tilespmem:$0x80];
	(pc) =	sbr.rel @p3 .LBB2_6-.Ltmp3, $4  }
0x5e: {  	v8 =	vld [tilespmem:$0xC0]  }
0x5f: {  	v9 =	vld [tilespmem:$0x0]  }
0x60: {  	vm0 =	veq.s32 v11, v3;
	v7 =	vld [tilespmem:$0xE0]  }
0x61: {  	v3 =	vld [tilespmem:$0x10];
	v11 =	vsel vm0, $0x2710, v11  }
0x62: {  	v12 =	vld [tilespmem:$0x70]  }
0x63: {  	vm0 =	veq.s32 v5, v6;
	v56 =	vld [tilespmem:$0xF0]  }
0x64: {  	[tilespmem:$0xA0] =	vst v11;
	v57 =	vld [tilespmem:$0x90];
	vm11 =	veq.s32 v1, v2;
	v5 =	vsel vm0, $0x2710, v5  }
0x65: {  	vm1 =	veq.s32 v8, v10;
	v59 =	vsel vm11, $0x2710, v1;
	[tilespmem:$0xB0] =	vst v5  }
0x66: {  	v58 =	vsel vm1, $0x2710, v8;
	vm13 =	veq.s32 v4, v9;
	[tilespmem:$0xD0] =	vst v59  }
0x67: {  	vm12 =	veq.s32 v7, v0;
	[tilespmem:$0xC0] =	vst v58;
	v61 =	vsel vm13, $0x2710, v4  }
0x68: {  	v60 =	vsel vm12, $0x2710, v7;
	[tilespmem:$0x80] =	vst v61;
	vm14 =	veq.s32 v56, v12  }
0x69: {  	[tilespmem:$0xE0] =	vst v60;
	vm15 =	veq.s32 v57, v3;
	v62 =	vsel vm14, $0x2710, v56  }
0x6a: {  	v63 =	vsel vm15, $0x2710, v57;
	[tilespmem:$0xF0] =	vst v62  }
0x6b: {  	[tilespmem:$0x90] =	vst v63  }
0x6c: {  	[tilespmem:s23], [sflag:$0x1] =	stream.indirect.gather [hbm4b:s4+s22], $0x80, s3, s22, $0xb8;
	[tilespmem:$0x17A00] =	vst v63  }
0x6d: {  	_ =	swait.ge [sflag:s24], $0x4000  }
0x6e: {  	[sflag:s24] =	ssyncset.done $0x0  }
0x6f: {  	[sflag:s24] =	ssyncadd.s32 $0xFFFFC000  }
0x70: {  	[spmem:s2] =	stream.indirect.scatter.add.f32 [tilespmem:s23], [sflag:$0x2], $0x80, s22, s22, $0xb8;
	[tilespmem:$0x17A00] =	vst v63  }
0x71: {  	_ =	swait.ge [sflag:s20], $0x4000  }
0x72: {  	[sflag:s20] =	ssyncset.done $0x0  }
0x73: {  	[sflag:s20] =	ssyncadd.s32 $0xFFFFC000  }
0x74: {  	[bflag:$0x0] =	sbarrier.arrive $0xFFFF  }
0x75: {  	[hbm:s13], [sflag:s18] =	dma.local [spmem:s19], $0x2700  }
.Ltmp4:
0x76: {  	_ = 	snop;
	(pc) =	sbr.rel @p1 .LBB2_9-.Ltmp4, $4  }
.Ltmp5:
0x77: {  	_ = 	snop;
	(pc) =	sbr.rel @!p1 .LBB2_8-.Ltmp5, $4  }
0x78: {  	_ =	swait.ge [sflag:s20], $0x2700  }
0x79: {  	[sflag:s20] =	ssyncset.done $0x0  }
0x7a: {  	s28 =	smov.u32 s6;
	s26 =	smov.u32 s18;
	[sflag:s20] =	ssyncadd.s32 $0xFFFFD900  }
0x7b: {  	_ = 	snop  }
.LBB2_2:
0x7c: {  	s26 =	sor.u32 $0x1C02, s17  }
0x7d: {  	[spmem:s19], [sflag:s26] =	dma.local [hbm:s7], $0x2700  }
0x7e: {  	_ =	swait.ge [sflag:s20], $0x2700  }
0x7f: {  	[sflag:s20] =	ssyncset.done $0x0  }
0x80: {  	s28 =	simm.s32 @!p1 $0x2;
	[sflag:s20] =	ssyncadd.s32 $0xFFFFD900  }
0x81: {  	[spmem:s21], [sflag:s26] =	dma.local @!p1 [hbm:s9], $0x100  }
0x82: {  	_ =	swait.ge @!p1 [sflag:s28], $0x100  }
0x83: {  	[sflag:s28] =	ssyncset.done @!p1 $0x0  }
0x84: {  	[sflag:s28] =	ssyncadd.s32 @!p1 $0xFFFFFF00  }
0x85: {  	s28 =	sadd.s32 $0x0, s16;
	[bflag:$0x0] =	sbarrier.arrive $0xFFFF  }
0x86: {  	[tilespmem:s3], [sflag:$0x2] =	stream.linear.gather [hbm4b:s28+s3], $0x80, $0x38;
	[tilespmem:$0x17A00] =	vst v63  }
0x87: {  	_ =	swait.ge [sflag:s20], $0x80  }
0x88: {  	[sflag:s20] =	ssyncset.done $0x0  }
0x89: {  	s28 =	sadd.s32 $0x0, s15;
	[sflag:s20] =	ssyncadd.s32 $0xFFFFFF80  }
0x8a: {  	[tilespmem:s22], [sflag:$0x2] =	stream.linear.gather [hbm4b:s28+s3], $0x80, $0x38;
	[tilespmem:$0x17A00] =	vst v63  }
0x8b: {  	_ =	swait.ge [sflag:s20], $0x80  }
0x8c: {  	[sflag:s20] =	ssyncset.done $0x0  }
0x8d: {  	[sflag:s20] =	ssyncadd.s32 $0xFFFFFF80  }
0x8e: {  	v0 =	vld [tilespmem:$0x60]  }
0x8f: {  	v2 =	vld [tilespmem:$0x50]  }
0x90: {  	v6 =	vld [tilespmem:$0x30]  }
0x91: {  	v3 =	vld [tilespmem:$0x20]  }
0x92: {  	v5 =	vld [tilespmem:$0xB0]  }
0x93: {  	v1 =	vld [tilespmem:$0xD0]  }
0x94: {  	v11 =	vld [tilespmem:$0xA0]  }
0x95: {  	v10 =	vld [tilespmem:$0x40]  }
0x96: {  	v4 =	vld [tilespmem:$0x80]  }
0x97: {  	v8 =	vld [tilespmem:$0xC0]  }
0x98: {  	v9 =	vld [tilespmem:$0x0]  }
0x99: {  	v7 =	vld [tilespmem:$0xE0];
	vm0 =	veq.s32 v11, v3  }
0x9a: {  	s28 =	simm.s32 $0x10;
	v3 =	vld [tilespmem:$0x10];
	v11 =	vsel vm0, $0x2710, v11  }
.LBB2_3:
0x9b: {  	p3 =	sne.s32 s28, $0x9D0;
	v12 =	vld [tilespmem:$0x70];
	s29 =	smov.u32 s28;
	s28 =	sadd.s32 $0x10, s28  }
0x9c: {  	vm0 =	veq.s32 v5, v6;
	[tilespmem:$0xA0] =	vst v11;
	vm1 =	veq.s32 v8, v10;
	v6 =	vld [tilespmem:$0xF0]  }
0x9d: {  	v5 =	vsel vm0, $0x2710, v5;
	vm0 =	veq.s32 v1, v2;
	vm2 =	veq.s32 v4, v9;
	v9 =	vld [tilespmem:$0x90]  }
0x9e: {  	v2 =	vsel vm2, $0x2710, v4;
	[tilespmem:$0xB0] =	vst v5;
	v4 =	vsel vm1, $0x2710, v8;
	vm1 =	veq.s32 v7, v0  }
0x9f: {  	v0 =	vsel vm0, $0x2710, v1;
	[tilespmem:$0xC0] =	vst v4;
	v1 =	vsel vm1, $0x2710, v7  }
0xa0: {  	[tilespmem:$0xD0] =	vst v0  }
0xa1: {  	[tilespmem:$0xE0] =	vst v1;
	vm0 =	veq.s32 v6, v12  }
0xa2: {  	[tilespmem:$0x80] =	vst v2;
	vm1 =	veq.s32 v9, v3;
	v0 =	vsel vm0, $0x2710, v6  }
0xa3: {  	v1 =	vsel vm1, $0x2710, v9;
	[tilespmem:$0xF0] =	vst v0  }
0xa4: {  	[tilespmem:$0x90] =	vst v1  }
0xa5: {  	[tilespmem:s23], [sflag:$0x1] =	stream.indirect.gather [hbm4b:s1+s22], $0x80, s3, s22, $0xb8;
	[tilespmem:$0x17A00] =	vst v63  }
0xa6: {  	_ =	swait.ge [sflag:s24], $0x4000  }
0xa7: {  	[sflag:s24] =	ssyncset.done $0x0  }
0xa8: {  	[sflag:s24] =	ssyncadd.s32 $0xFFFFC000  }
0xa9: {  	[spmem:s2] =	stream.indirect.scatter.add.f32 [tilespmem:s23], [sflag:$0x2], $0x80, s22, s22, $0xb8;
	[tilespmem:$0x17A00] =	vst v63  }
0xaa: {  	s30 =	sadd.s32 s29, s16;
	_ =	swait.ge [sflag:s20], $0x4000  }
0xab: {  	[sflag:s20] =	ssyncset.done $0x0  }
0xac: {  	[sflag:s20] =	ssyncadd.s32 $0xFFFFC000  }
0xad: {  	[tilespmem:s3], [sflag:$0x2] =	stream.linear.gather [hbm4b:s30+s3], $0x80, $0x38;
	[tilespmem:$0x17A00] =	vst v63  }
0xae: {  	_ =	swait.ge [sflag:s20], $0x80  }
0xaf: {  	[sflag:s20] =	ssyncset.done $0x0  }
0xb0: {  	s29 =	sadd.s32 s29, s15;
	[sflag:s20] =	ssyncadd.s32 $0xFFFFFF80  }
0xb1: {  	[tilespmem:s22], [sflag:$0x2] =	stream.linear.gather [hbm4b:s29+s3], $0x80, $0x38;
	[tilespmem:$0x17A00] =	vst v63  }
0xb2: {  	_ =	swait.ge [sflag:s20], $0x80  }
0xb3: {  	[sflag:s20] =	ssyncset.done $0x0  }
0xb4: {  	[sflag:s20] =	ssyncadd.s32 $0xFFFFFF80  }
0xb5: {  	v0 =	vld [tilespmem:$0x60]  }
0xb6: {  	v2 =	vld [tilespmem:$0x50]  }
0xb7: {  	v6 =	vld [tilespmem:$0x30]  }
0xb8: {  	v3 =	vld [tilespmem:$0x20]  }
0xb9: {  	v5 =	vld [tilespmem:$0xB0]  }
0xba: {  	v1 =	vld [tilespmem:$0xD0]  }
0xbb: {  	v11 =	vld [tilespmem:$0xA0]  }
0xbc: {  	v10 =	vld [tilespmem:$0x40]  }
.Ltmp6:
0xbd: {  	v4 =	vld [tilespmem:$0x80];
	(pc) =	sbr.rel @p3 .LBB2_3-.Ltmp6, $4  }
0xbe: {  	v8 =	vld [tilespmem:$0xC0]  }
0xbf: {  	v9 =	vld [tilespmem:$0x0]  }
0xc0: {  	vm0 =	veq.s32 v11, v3;
	v7 =	vld [tilespmem:$0xE0]  }
0xc1: {  	v3 =	vld [tilespmem:$0x10];
	v11 =	vsel vm0, $0x2710, v11  }
0xc2: {  	v12 =	vld [tilespmem:$0x70]  }
0xc3: {  	vm0 =	veq.s32 v5, v6;
	v56 =	vld [tilespmem:$0xF0]  }
0xc4: {  	[tilespmem:$0xA0] =	vst v11;
	v57 =	vld [tilespmem:$0x90];
	vm11 =	veq.s32 v1, v2;
	v5 =	vsel vm0, $0x2710, v5  }
0xc5: {  	vm1 =	veq.s32 v8, v10;
	v59 =	vsel vm11, $0x2710, v1;
	[tilespmem:$0xB0] =	vst v5  }
0xc6: {  	v58 =	vsel vm1, $0x2710, v8;
	vm13 =	veq.s32 v4, v9;
	[tilespmem:$0xD0] =	vst v59  }
0xc7: {  	vm12 =	veq.s32 v7, v0;
	[tilespmem:$0xC0] =	vst v58;
	v61 =	vsel vm13, $0x2710, v4  }
0xc8: {  	v60 =	vsel vm12, $0x2710, v7;
	[tilespmem:$0x80] =	vst v61;
	vm14 =	veq.s32 v56, v12  }
0xc9: {  	[tilespmem:$0xE0] =	vst v60;
	vm15 =	veq.s32 v57, v3;
	v62 =	vsel vm14, $0x2710, v56  }
0xca: {  	v63 =	vsel vm15, $0x2710, v57;
	[tilespmem:$0xF0] =	vst v62  }
0xcb: {  	[tilespmem:$0x90] =	vst v63  }
0xcc: {  	[tilespmem:s23], [sflag:$0x1] =	stream.indirect.gather [hbm4b:s1+s22], $0x80, s3, s22, $0xb8;
	[tilespmem:$0x17A00] =	vst v63  }
0xcd: {  	_ =	swait.ge [sflag:s24], $0x4000  }
0xce: {  	[sflag:s24] =	ssyncset.done $0x0  }
0xcf: {  	[sflag:s24] =	ssyncadd.s32 $0xFFFFC000  }
0xd0: {  	[spmem:s2] =	stream.indirect.scatter.add.f32 [tilespmem:s23], [sflag:$0x2], $0x80, s22, s22, $0xb8;
	[tilespmem:$0x17A00] =	vst v63  }
0xd1: {  	_ =	swait.ge [sflag:s20], $0x4000  }
0xd2: {  	[sflag:s20] =	ssyncset.done $0x0  }
0xd3: {  	[sflag:s20] =	ssyncadd.s32 $0xFFFFC000  }
0xd4: {  	[bflag:$0x0] =	sbarrier.arrive $0xFFFF  }
0xd5: {  	[hbm:s10], [sflag:s26] =	dma.local [spmem:s19], $0x2700  }
.Ltmp7:
0xd6: {  	_ = 	snop;
	(pc) =	sbr.rel @!p2 .LBB2_9-.Ltmp7, $4  }
.Ltmp8:
0xd7: {  	_ = 	snop;
	(pc) =	sbr.rel @p2 .LBB2_8-.Ltmp8, $4  }
0xd8: {  	_ =	swait.ge [sflag:s20], $0x2700  }
0xd9: {  	[sflag:s20] =	ssyncset.done $0x0  }
0xda: {  	s28 =	smov.u32 s5;
	[sflag:s20] =	ssyncadd.s32 $0xFFFFD900  }
0xdb: {  	_ = 	snop  }
.LBB2_10:
0xdc: {  	_ =	sfence.sel $0x180000  }
0xdd: {  	[bflag:$0x0] =	sbarrier.arrive $0xFFFF  }
0xde: {  	_ =	strace $0x90000050  }
0xdf: {  	s0 =	sadd.s32 @!p1 $0x100000, s0;
	[bflag:$0x2] =	sbarrier.arrive $0xFFFF  }
0xe0: {  	[sflag:s0] =	ssyncadd.tile.s32 @!p1 $0x1;
	_ =	shalt  }
.Lfunc_end2:
_tile_overlayer_lowered:
.L_overlay_start_2:
0xe1: {  	(tag) =	ssettag $0x2  }
0xe2: {  	s0 =	rddreg [dreg:$0x0];
	s2 =	stileid.u32  }
0xe3: {  	s1 =	rddreg [dreg:$0x1];
	p0 =	sne.s32 s2, $0x0  }
0xe4: {  	s3 =	rddreg [dreg:$0x2];
	[bflag:$0x3] =	sbarrier.arrive $0xFFFF;
	s2 =	simm.s32 @!p0 $0x1C02  }
0xe5: {  	[timem:s3], [sflag:s2] =	dma.local @!p0 [hbm:s0], s1  }
0xe6: {  	s0 =	simm.s32 @!p0 $0x2  }
0xe7: {  	_ =	swait.ge @!p0 [sflag:s0], s1  }
0xe8: {  	s1 =	ssub.s32 @!p0 $0x0, s1;
	[sflag:s0] =	ssyncset.done @!p0 $0x0  }
0xe9: {  	[sflag:s0] =	ssyncadd.s32 @!p0 s1  }
0xea: {  	[bflag:$0x3] =	sbarrier.arrive $0xFFFF  }
0xeb: {  	_ =	shalt  }

</sc_bundles>
